<compile_context>
chip_gen: v7x
topology: tpu7x:2x2x1
jax: 0.10.2.dev20260603
libtpu: 0.0.44.dev20260713+nightly
codegen_flags: <defaults>
</compile_context>

<pallas_src>
import functools

import jax
import jax.numpy as jnp
from jax import lax
from jax.experimental import pallas as pl
from jax.experimental.pallas import tpu as pltpu
from jax.experimental.pallas import tpu_sc as plsc

_N = 10000
_E = 320000
_D = 128
_G = 512

_NC = 2
_NS = 16
_NW = _NC * _NS
_CH = 80

_CHE = 128
_EPW = 10240
_EPAD = _EPW * _NW
_NCH_E = _EPW // _CHE
_NP = 10240
_PPW = _NP // _NW
_NCH_P = _PPW // _CH
_SN = 10240
_SP = 640

@functools.lru_cache(maxsize=None)
def _get_mesh():
    return plsc.VectorSubcoreMesh(core_axis_name="c", subcore_axis_name="s",
                                  num_cores=_NC, num_subcores=_NS)


@functools.lru_cache(maxsize=None)
def _sc_agg(S, n_ch, ch):
    rows_pt = S // _NS
    assert n_ch % 4 == 0

    @functools.partial(
        pl.kernel,
        out_type=jax.ShapeDtypeStruct((_NC, S, _D), jnp.float32),
        mesh=_get_mesh(),
        scratch_types=[
            pltpu.VMEM((n_ch + 1, ch), jnp.int32),
            pltpu.VMEM((n_ch + 1, ch), jnp.int32),
            pltpu.VMEM((ch, _D), jnp.float32),
            pltpu.VMEM_SHARED((S, _D), jnp.float32),
            pltpu.SemaphoreType.DMA,
        ],
    )
    def k(h_hbm, src_hbm, dst_hbm, z_hbm, out_hbm, src_v, dst_v, buf, acc_s,
          sem):
        cid = lax.axis_index("c")
        sid = lax.axis_index("s")
        wid = sid * _NC + cid
        r0 = sid * rows_pt
        pltpu.sync_copy(z_hbm.at[pl.ds(r0, rows_pt)], acc_s.at[pl.ds(r0, rows_pt)])
        pltpu.sync_copy(src_hbm.at[wid], src_v)
        pltpu.sync_copy(dst_hbm.at[wid], dst_v)
        plsc.subcore_barrier()

        def body(j, carry):
            pltpu.async_copy(h_hbm.at[src_v.at[j]], buf, sem).wait()
            pltpu.sync_copy(buf, acc_s.at[dst_v.at[j]], add=True)
            return carry

        lax.fori_loop(0, n_ch, body, 0)
        plsc.subcore_barrier()
        pltpu.sync_copy(acc_s.at[pl.ds(r0, rows_pt)],
                        out_hbm.at[cid, pl.ds(r0, rows_pt)])

    return k


@functools.lru_cache(maxsize=None)
def _sc_cnt(S, n_ch, ch):
    rows_pt = S // _NS

    @functools.partial(
        pl.kernel,
        out_type=jax.ShapeDtypeStruct((_NC, S, _D), jnp.float32),
        mesh=_get_mesh(),
        scratch_types=[
            pltpu.VMEM((n_ch + 1, ch), jnp.int32),
            pltpu.VMEM((ch, _D), jnp.float32),
            pltpu.VMEM_SHARED((S, _D), jnp.float32),
        ],
    )
    def k(dst_hbm, ones_hbm, z_hbm, out_hbm, dst_v, ones_v, cnt_s):
        cid = lax.axis_index("c")
        sid = lax.axis_index("s")
        wid = sid * _NC + cid
        r0 = sid * rows_pt
        pltpu.sync_copy(z_hbm.at[pl.ds(r0, rows_pt)], cnt_s.at[pl.ds(r0, rows_pt)])
        pltpu.sync_copy(dst_hbm.at[wid], dst_v)
        pltpu.sync_copy(ones_hbm, ones_v)
        plsc.subcore_barrier()

        def body(j, carry):
            pltpu.sync_copy(ones_v, cnt_s.at[dst_v.at[j]], add=True)
            return carry

        lax.fori_loop(0, n_ch, body, 0)
        plsc.subcore_barrier()
        pltpu.sync_copy(cnt_s.at[pl.ds(r0, rows_pt)],
                        out_hbm.at[cid, pl.ds(r0, rows_pt)])

    return k


def _agg_edges(h, src3, dst3, z_nd):
    return _sc_agg(_SN, _NCH_E, _CHE)(h, src3, dst3, z_nd)


def _agg_pool(h, srcp, dstp, z_nd):
    return _sc_agg(_SP, _NCH_P, _CH)(h, srcp, dstp, z_nd)


def _cnt_pool(dstp, ones_d, z_nd):
    return _sc_cnt(_SP, _NCH_P, _CH)(dstp, ones_d, z_nd)


def _cnt_edges(dst3, ones_d, z_nd):
    return _sc_cnt(_SN, _NCH_E, _CHE)(dst3, ones_d, z_nd)



_RB = 2000


def _layernorm(x, g, b):
    m = jnp.mean(x, axis=-1, keepdims=True)
    v = jnp.mean((x - m) * (x - m), axis=-1, keepdims=True)
    return (x - m) / jnp.sqrt(v + 1e-5) * g + b


def _elu(x):
    return jnp.where(x > 0, x, jnp.exp(jnp.minimum(x, 0.0)) - 1.0)


def _dot(a, b):
    return jnp.dot(a, b, preferred_element_type=jnp.float32)


def _tc_init_body(x, w, b, o):
    o[...] = _dot(x[...], w[...]) + b[...]


_tc_init_call = pl.pallas_call(
    _tc_init_body,
    grid=(_N // _RB,),
    in_specs=[
        pl.BlockSpec((_RB, _D), lambda i: (i, 0)),
        pl.BlockSpec((_D, _D), lambda i: (0, 0)),
        pl.BlockSpec((1, _D), lambda i: (0, 0)),
    ],
    out_specs=pl.BlockSpec((_RB, _D), lambda i: (i, 0)),
    out_shape=jax.ShapeDtypeStruct((_N, _D), jnp.float32),
)


def _tc_layer_body(h, p0, p1, c0, c1, Wl, bl, Wr, g1, b1, W1, bb1, W2, bb2,
                   g2, b2, o):
    cnt = jnp.maximum(c0[:, 0:1] + c1[:, 0:1], 1.0)
    hh = h[...]
    agg = (p0[...] + p1[...]) / cnt
    y = _dot(agg, Wl[...]) + bl[...] + _dot(hh, Wr[...])
    y1 = _layernorm(y + hh, g1[...], b1[...])
    t = _elu(_dot(y1, W1[...]) + bb1[...])
    t = _dot(t, W2[...]) + bb2[...]
    o[...] = _layernorm(t + y1, g2[...], b2[...])


def _mat_spec():
    return pl.BlockSpec((_D, _D), lambda i: (0, 0))


def _vec_spec():
    return pl.BlockSpec((1, _D), lambda i: (0, 0))


_tc_layer_call = pl.pallas_call(
    _tc_layer_body,
    grid=(_N // _RB,),
    in_specs=[
        pl.BlockSpec((_RB, _D), lambda i: (i, 0)),
        pl.BlockSpec((_RB, _D), lambda i: (i, 0)),
        pl.BlockSpec((_RB, _D), lambda i: (i, 0)),
        pl.BlockSpec((_RB, _D), lambda i: (i, 0)),
        pl.BlockSpec((_RB, _D), lambda i: (i, 0)),
        _mat_spec(), _vec_spec(), _mat_spec(),
        _vec_spec(), _vec_spec(),
        _mat_spec(), _vec_spec(),
        _mat_spec(), _vec_spec(),
        _vec_spec(), _vec_spec(),
    ],
    out_specs=pl.BlockSpec((_RB, _D), lambda i: (i, 0)),
    out_shape=jax.ShapeDtypeStruct((_N, _D), jnp.float32),
)


def _tc_final_body(s0, s1, c0, c1, mass, pg1, pb1, pW1, pbb1, pW2, pbb2, pg2,
                   pb2, mdW, mdb, W0a, W0b, c0b, W1p, b1p, W2p, b2p, roW, rob,
                   o):
    cnt = jnp.maximum(c0[:, 0:1] + c1[:, 0:1], 1.0)
    hp = (s0[...] + s1[...]) / cnt
    hp = _layernorm(hp, pg1[...], pb1[...])
    y = _elu(_dot(hp, pW1[...]) + pbb1[...])
    y = _dot(y, pW2[...]) + pbb2[...]
    hp2 = _layernorm(y + hp, pg2[...], pb2[...])
    md = _dot(mass[...], mdW[...]) + mdb[...]
    z = _elu(_dot(hp2, W0a[...]) + _dot(md, W0b[...]) + c0b[...])
    z = _elu(_dot(z, W1p[...]) + b1p[...])
    z = _elu(_dot(z, W2p[...]) + b2p[...])
    o[...] = _dot(z, roW[...]) + rob[...]


_tc_final_call = pl.pallas_call(
    _tc_final_body,
    out_shape=jax.ShapeDtypeStruct((_G, _D), jnp.float32),
)


def kernel(x, edge_index, graph_index, mass_distribution, params):
    p = params
    f32 = jnp.float32

    e_pad = _EPAD - _E
    dummy_s = jnp.arange(_NW * _CHE, dtype=jnp.int32) % _N
    src3 = jnp.concatenate([
        jnp.concatenate(
            [edge_index[0], jnp.arange(e_pad, dtype=jnp.int32) % _N]
        ).reshape(_NW, _NCH_E, _CHE),
        dummy_s.reshape(_NW, 1, _CHE),
    ], axis=1)
    dummy_e = _N + (jnp.arange(_NW * _CHE, dtype=jnp.int32) % (_SN - _N))
    dst3 = jnp.concatenate([
        jnp.concatenate(
            [edge_index[1],
             _N + (jnp.arange(e_pad, dtype=jnp.int32) % (_SN - _N))]
        ).reshape(_NW, _NCH_E, _CHE),
        dummy_e.reshape(_NW, 1, _CHE),
    ], axis=1)
    pad_n = _NP - _N
    srcp = jnp.concatenate([
        jnp.concatenate(
            [jnp.arange(_N, dtype=jnp.int32), jnp.zeros((pad_n,), jnp.int32)]
        ).reshape(_NW, _NCH_P, _CH),
        (jnp.arange(_NW * _CH, dtype=jnp.int32) % _N).reshape(_NW, 1, _CH),
    ], axis=1)
    dummy_p = _G + (jnp.arange(_NW * _CH, dtype=jnp.int32) % (_SP - _G))
    dstp = jnp.concatenate([
        jnp.concatenate(
            [graph_index.astype(jnp.int32),
             _G + (jnp.arange(pad_n, dtype=jnp.int32) % 16)]
        ).reshape(_NW, _NCH_P, _CH),
        dummy_p.reshape(_NW, 1, _CH),
    ], axis=1)

    z_nd = jnp.zeros((_SN, _D), f32)
    ones_e = jnp.ones((_CHE, _D), f32)
    ones_p = jnp.ones((_CH, _D), f32)

    cn = _cnt_edges(dst3, ones_e, z_nd)
    cn0, cn1 = cn[0], cn[1]

    h = _tc_init_call(x, p['ini_W'], p['ini_b'].reshape(1, _D))

    z_dep = lax.optimization_barrier((z_nd, cn))[0]

    for i in range(3):
        part = _agg_edges(h, src3, dst3, z_dep)
        h = _tc_layer_call(
            h, part[0], part[1], cn0, cn1,
            p[f'gc{i}_Wl'], p[f'gc{i}_bl'].reshape(1, _D), p[f'gc{i}_Wr'],
            p[f'gc{i}_g1'].reshape(1, _D), p[f'gc{i}_b1'].reshape(1, _D),
            p[f'gc{i}_W1'], p[f'gc{i}_bb1'].reshape(1, _D),
            p[f'gc{i}_W2'], p[f'gc{i}_bb2'].reshape(1, _D),
            p[f'gc{i}_g2'].reshape(1, _D), p[f'gc{i}_b2'].reshape(1, _D))

    pp = _agg_pool(h, srcp, dstp, z_nd)
    cg = _cnt_pool(dstp, ones_p, z_nd)

    F = 134
    mdW = jnp.zeros((104, _D), f32).at[:100, :6].set(p['md_W'])
    mdb = jnp.zeros((1, _D), f32).at[0, :6].set(p['md_b'])
    W0a = jnp.zeros((_D, 256), f32).at[:, :F].set(p['mlp0_W'][:_D])
    W0b = jnp.zeros((_D, 256), f32).at[:6, :F].set(p['mlp0_W'][_D:])
    c0b = jnp.zeros((1, 256), f32).at[0, :F].set(p['mlp0_b'])
    W1p = jnp.zeros((256, 256), f32).at[:F, :F].set(p['mlp1_W'])
    b1p = jnp.zeros((1, 256), f32).at[0, :F].set(p['mlp1_b'])
    W2p = jnp.zeros((256, 256), f32).at[:F, :F].set(p['mlp2_W'])
    b2p = jnp.zeros((1, 256), f32).at[0, :F].set(p['mlp2_b'])
    roW = jnp.zeros((256, _D), f32).at[:F, :2].set(p['ro_W'])
    rob = jnp.zeros((1, _D), f32).at[0, :2].set(p['ro_b'])
    mass_pad = jnp.zeros((_G, 104), f32).at[:, :100].set(mass_distribution)

    raw = _tc_final_call(
        pp[0, :_G], pp[1, :_G], cg[0, :_G], cg[1, :_G], mass_pad,
        p['pool_g1'].reshape(1, _D), p['pool_b1'].reshape(1, _D),
        p['pool_W1'], p['pool_bb1'].reshape(1, _D),
        p['pool_W2'], p['pool_bb2'].reshape(1, _D),
        p['pool_g2'].reshape(1, _D), p['pool_b2'].reshape(1, _D),
        mdW, mdb, W0a, W0b, c0b, W1p, b1p, W2p, b2p, roW, rob)

    return raw[:, 0:1], raw[:, 1:2]

# --- scband reference (transcript-rebuilt; emitter-appended) ---
"""Pipeline reference for scband-poly-gcbase-model-31344671326437 (READ-ONLY COPY).

The authoritative reference and input builder live on the scoring server;
editing this copy changes nothing except your own understanding.
"""

import jax, jax.numpy as jnp
import numpy as np

N = 10000
E = 320000
D = 128
G = 512
MB = 100
MR = 6
NT = 1
F = D + MR
NL = 3
NMLP = 3


def _make_params():
    kk = jax.random.key(1)
    c = [0]
    def nk():
        c[0] += 1
        return jax.random.fold_in(kk, c[0])
    def _w(shape, scale=0.05):
        return scale * jax.random.normal(nk(), shape, dtype=jnp.float32)
    p = {}
    p['ini_W'] = _w((D, D)); p['ini_b'] = jnp.zeros((D,), jnp.float32)
    for i in range(NL):
        p[f'gc{i}_Wl'] = _w((D, D)); p[f'gc{i}_bl'] = jnp.zeros((D,), jnp.float32)
        p[f'gc{i}_Wr'] = _w((D, D))
        p[f'gc{i}_g1'] = jnp.ones((D,), jnp.float32); p[f'gc{i}_b1'] = jnp.zeros((D,), jnp.float32)
        p[f'gc{i}_W1'] = _w((D, D)); p[f'gc{i}_bb1'] = jnp.zeros((D,), jnp.float32)
        p[f'gc{i}_W2'] = _w((D, D)); p[f'gc{i}_bb2'] = jnp.zeros((D,), jnp.float32)
        p[f'gc{i}_g2'] = jnp.ones((D,), jnp.float32); p[f'gc{i}_b2'] = jnp.zeros((D,), jnp.float32)
    p['pool_g1'] = jnp.ones((D,), jnp.float32); p['pool_b1'] = jnp.zeros((D,), jnp.float32)
    p['pool_W1'] = _w((D, D)); p['pool_bb1'] = jnp.zeros((D,), jnp.float32)
    p['pool_W2'] = _w((D, D)); p['pool_bb2'] = jnp.zeros((D,), jnp.float32)
    p['pool_g2'] = jnp.ones((D,), jnp.float32); p['pool_b2'] = jnp.zeros((D,), jnp.float32)
    p['md_W'] = _w((MB, MR)); p['md_b'] = jnp.zeros((MR,), jnp.float32)
    for i in range(NMLP):
        p[f'mlp{i}_W'] = _w((F, F)); p[f'mlp{i}_b'] = jnp.zeros((F,), jnp.float32)
    p['ro_W'] = _w((F, 2 * NT)); p['ro_b'] = jnp.zeros((2 * NT,), jnp.float32)
    return p


def setup_inputs(seed: int = 0):
    key = jax.random.key(seed)
    ks = jax.random.split(key, 4)
    x = jax.random.normal(ks[0], (N, D), dtype=jnp.float32)
    edge_index = jax.random.randint(ks[1], (2, E), 0, N, dtype=jnp.int32)
    graph_index = jnp.sort(jax.random.randint(ks[2], (N,), 0, G, dtype=jnp.int32))
    mass_distribution = jax.random.uniform(ks[3], (G, MB), dtype=jnp.float32)
    return {'x': x, 'edge_index': edge_index, 'graph_index': graph_index,
            'mass_distribution': mass_distribution, 'params': _make_params()}


def _ln(x, g, b):
    m = jnp.mean(x, axis=-1, keepdims=True)
    v = jnp.var(x, axis=-1, keepdims=True)
    return (x - m) / jnp.sqrt(v + 1e-5) * g + b


def _forward(x, mass, params, edge_index, graph_index):
    h = x @ params['ini_W'] + params['ini_b']
    src = edge_index[0]
    dst = edge_index[1]
    ones_e = jnp.ones((E,), jnp.float32)
    for i in range(NL):
        # SAGEConv with mean aggregation: lin_l(mean_j x_j) + lin_r(x_i)
        msgs = h[src]
        agg = jax.ops.segment_sum(msgs, dst, num_segments=N)
        cnt = jax.ops.segment_sum(ones_e, dst, num_segments=N)
        agg = agg / jnp.maximum(cnt, 1.0)[:, None]
        y = agg @ params[f'gc{i}_Wl'] + params[f'gc{i}_bl'] + h @ params[f'gc{i}_Wr']
        y1 = _ln(y + h, params[f'gc{i}_g1'], params[f'gc{i}_b1'])
        y = jax.nn.elu(y1 @ params[f'gc{i}_W1'] + params[f'gc{i}_bb1'])
        y = y @ params[f'gc{i}_W2'] + params[f'gc{i}_bb2']
        h = _ln(y + y1, params[f'gc{i}_g2'], params[f'gc{i}_b2'])
    # global mean pool per graph
    s = jax.ops.segment_sum(h, graph_index, num_segments=G)
    c = jax.ops.segment_sum(jnp.ones((N,), jnp.float32), graph_index, num_segments=G)
    hp = s / jnp.maximum(c, 1.0)[:, None]
    hp = _ln(hp, params['pool_g1'], params['pool_b1'])
    y = jax.nn.elu(hp @ params['pool_W1'] + params['pool_bb1'])
    y = y @ params['pool_W2'] + params['pool_bb2']
    hp = _ln(y + hp, params['pool_g2'], params['pool_b2'])
    md = mass @ params['md_W'] + params['md_b']
    z = jnp.concatenate([hp, md], axis=1)
    for i in range(NMLP):
        z = jax.nn.elu(z @ params[f'mlp{i}_W'] + params[f'mlp{i}_b'])
    raw = z @ params['ro_W'] + params['ro_b']
    r = raw.reshape(-1, NT, 2)
    return r[..., 0], r[..., 1]


def reference(x, edge_index, graph_index, mass_distribution, params):
    return _forward(x, mass_distribution, params, edge_index, graph_index)

if __name__ == "__main__":
    import jax
    _d = setup_inputs()
    print(jax.jit(kernel)(*tuple(_d.values())))

</pallas_src>

<mosaic_0001>
#map = affine_map<(d0, d1) -> (0, 0)>
#map1 = affine_map<(d0, d1) -> (0, 0, 0)>
module attributes {stable_mosaic.version = 14 : i64} {
  func.func @k(%arg0: i32, %arg1: i32, %arg2: memref<10000x128xf32, #tpu.memory_space<hbm>>, %arg3: memref<32x81x128xi32, #tpu.memory_space<hbm>>, %arg4: memref<32x81x128xi32, #tpu.memory_space<hbm>>, %arg5: memref<10240x128xf32, #tpu.memory_space<hbm>>, %arg6: memref<2x10240x128xf32, #tpu.memory_space<hbm>>, %arg7: memref<81x128xi32, #tpu.memory_space<vmem>>, %arg8: memref<81x128xi32, #tpu.memory_space<vmem>>, %arg9: memref<128x128xf32, #tpu.memory_space<vmem>>, %arg10: memref<10240x128xf32, #tpu.memory_space<vmem_shared>>, %arg11: memref<!tpu.dma_semaphore, #tpu.memory_space<semaphore_mem>>) attributes {dimension_semantics = [#tpu.dimension_semantics<core_parallel>, #tpu.dimension_semantics<subcore_parallel>], iteration_bounds = array<i64: 2, 16>, scalar_prefetch = 0 : i64, scratch_operands = 5 : i64, tpu.core_type = #tpu.core_type<sc_vector_subcore>, window_params = [{transform_indices = #map}, {transform_indices = #map1}, {transform_indices = #map1}, {transform_indices = #map}, {transform_indices = #map1}]} {
    %mul3A = arith.constant 2 : i32
    %mul3A_0 = arith.muli %arg1, %mul3A : i32
    %add3A = arith.addi %mul3A_0, %arg0 : i32
    %mul3A_1 = arith.constant 640 : i32
    %mul3A_2 = arith.muli %arg1, %mul3A_1 : i32
    "tpu.region"() ({
      %run_scoped3A = tpu.sem_alloc : memref<!tpu.dma_semaphore, #tpu.memory_space<semaphore_mem>>
      %dma_start3A = arith.constant 0 : i32
      %dma_start3A_9 = tpu.memref_slice %arg10[%mul3A_2, %dma_start3A] : memref<10240x128xf32, #tpu.memory_space<vmem_shared>> -> memref<640x128xf32, #tpu.memory_space<vmem_shared>>
      %dma_start3A_10 = arith.constant 0 : i32
      %dma_start3A_11 = tpu.memref_slice %arg5[%mul3A_2, %dma_start3A_10] : memref<10240x128xf32, #tpu.memory_space<hbm>> -> memref<640x128xf32, #tpu.memory_space<hbm>>
      tpu.enqueue_dma source(%dma_start3A_11 : memref<640x128xf32, #tpu.memory_space<hbm>>) target(%dma_start3A_9 : memref<640x128xf32, #tpu.memory_space<vmem_shared>>) target_semaphore(%run_scoped3A : memref<!tpu.dma_semaphore, #tpu.memory_space<semaphore_mem>>)
      %dma_wait3A = arith.constant 0 : i32
      %dma_wait3A_12 = tpu.memref_slice %arg10[%mul3A_2, %dma_wait3A] : memref<10240x128xf32, #tpu.memory_space<vmem_shared>> -> memref<640x128xf32, #tpu.memory_space<vmem_shared>>
      %dma_wait3A_13 = arith.constant 0 : i32
      %dma_wait3A_14 = tpu.memref_slice %arg5[%mul3A_2, %dma_wait3A_13] : memref<10240x128xf32, #tpu.memory_space<hbm>> -> memref<640x128xf32, #tpu.memory_space<hbm>>
      tpu.wait_dma2 semaphore(%run_scoped3A : memref<!tpu.dma_semaphore, #tpu.memory_space<semaphore_mem>>) src(%dma_wait3A_14 : memref<640x128xf32, #tpu.memory_space<hbm>>) dst(%dma_wait3A_12 : memref<640x128xf32, #tpu.memory_space<vmem_shared>>)
      tpu.yield
    }) : () -> ()
    "tpu.region"() ({
      %run_scoped3A = tpu.sem_alloc : memref<!tpu.dma_semaphore, #tpu.memory_space<semaphore_mem>>
      %dma_start3A = arith.constant 0 : i32
      %dma_start3A_9 = arith.constant 0 : i32
      %dma_start3A_10 = tpu.memref_slice %arg3[%add3A, %dma_start3A, %dma_start3A_9] : memref<32x81x128xi32, #tpu.memory_space<hbm>> -> memref<1x81x128xi32, #tpu.memory_space<hbm>>
      %dma_start3A_11 = tpu.memref_squeeze %dma_start3A_10 : memref<1x81x128xi32, #tpu.memory_space<hbm>> -> memref<81x128xi32, #tpu.memory_space<hbm>>
      %dma_start3A_12 = arith.constant 0 : i32
      %dma_start3A_13 = arith.constant 0 : i32
      %dma_start3A_14 = tpu.memref_slice %arg3[%add3A, %dma_start3A_12, %dma_start3A_13] : memref<32x81x128xi32, #tpu.memory_space<hbm>> -> memref<1x81x128xi32, #tpu.memory_space<hbm>>
      %dma_start3A_15 = tpu.memref_squeeze %dma_start3A_14 : memref<1x81x128xi32, #tpu.memory_space<hbm>> -> memref<81x128xi32, #tpu.memory_space<hbm>>
      tpu.enqueue_dma source(%dma_start3A_15 : memref<81x128xi32, #tpu.memory_space<hbm>>) target(%arg7 : memref<81x128xi32, #tpu.memory_space<vmem>>) target_semaphore(%run_scoped3A : memref<!tpu.dma_semaphore, #tpu.memory_space<semaphore_mem>>)
      %dma_wait3A = arith.constant 0 : i32
      %dma_wait3A_16 = arith.constant 0 : i32
      %dma_wait3A_17 = tpu.memref_slice %arg3[%add3A, %dma_wait3A, %dma_wait3A_16] : memref<32x81x128xi32, #tpu.memory_space<hbm>> -> memref<1x81x128xi32, #tpu.memory_space<hbm>>
      %dma_wait3A_18 = tpu.memref_squeeze %dma_wait3A_17 : memref<1x81x128xi32, #tpu.memory_space<hbm>> -> memref<81x128xi32, #tpu.memory_space<hbm>>
      %dma_wait3A_19 = arith.constant 0 : i32
      %dma_wait3A_20 = arith.constant 0 : i32
      %dma_wait3A_21 = tpu.memref_slice %arg3[%add3A, %dma_wait3A_19, %dma_wait3A_20] : memref<32x81x128xi32, #tpu.memory_space<hbm>> -> memref<1x81x128xi32, #tpu.memory_space<hbm>>
      %dma_wait3A_22 = tpu.memref_squeeze %dma_wait3A_21 : memref<1x81x128xi32, #tpu.memory_space<hbm>> -> memref<81x128xi32, #tpu.memory_space<hbm>>
      tpu.wait_dma2 semaphore(%run_scoped3A : memref<!tpu.dma_semaphore, #tpu.memory_space<semaphore_mem>>) src(%dma_wait3A_22 : memref<81x128xi32, #tpu.memory_space<hbm>>) dst(%arg7 : memref<81x128xi32, #tpu.memory_space<vmem>>)
      tpu.yield
    }) : () -> ()
    "tpu.region"() ({
      %run_scoped3A = tpu.sem_alloc : memref<!tpu.dma_semaphore, #tpu.memory_space<semaphore_mem>>
      %dma_start3A = arith.constant 0 : i32
      %dma_start3A_9 = arith.constant 0 : i32
      %dma_start3A_10 = tpu.memref_slice %arg4[%add3A, %dma_start3A, %dma_start3A_9] : memref<32x81x128xi32, #tpu.memory_space<hbm>> -> memref<1x81x128xi32, #tpu.memory_space<hbm>>
      %dma_start3A_11 = tpu.memref_squeeze %dma_start3A_10 : memref<1x81x128xi32, #tpu.memory_space<hbm>> -> memref<81x128xi32, #tpu.memory_space<hbm>>
      %dma_start3A_12 = arith.constant 0 : i32
      %dma_start3A_13 = arith.constant 0 : i32
      %dma_start3A_14 = tpu.memref_slice %arg4[%add3A, %dma_start3A_12, %dma_start3A_13] : memref<32x81x128xi32, #tpu.memory_space<hbm>> -> memref<1x81x128xi32, #tpu.memory_space<hbm>>
      %dma_start3A_15 = tpu.memref_squeeze %dma_start3A_14 : memref<1x81x128xi32, #tpu.memory_space<hbm>> -> memref<81x128xi32, #tpu.memory_space<hbm>>
      tpu.enqueue_dma source(%dma_start3A_15 : memref<81x128xi32, #tpu.memory_space<hbm>>) target(%arg8 : memref<81x128xi32, #tpu.memory_space<vmem>>) target_semaphore(%run_scoped3A : memref<!tpu.dma_semaphore, #tpu.memory_space<semaphore_mem>>)
      %dma_wait3A = arith.constant 0 : i32
      %dma_wait3A_16 = arith.constant 0 : i32
      %dma_wait3A_17 = tpu.memref_slice %arg4[%add3A, %dma_wait3A, %dma_wait3A_16] : memref<32x81x128xi32, #tpu.memory_space<hbm>> -> memref<1x81x128xi32, #tpu.memory_space<hbm>>
      %dma_wait3A_18 = tpu.memref_squeeze %dma_wait3A_17 : memref<1x81x128xi32, #tpu.memory_space<hbm>> -> memref<81x128xi32, #tpu.memory_space<hbm>>
      %dma_wait3A_19 = arith.constant 0 : i32
      %dma_wait3A_20 = arith.constant 0 : i32
      %dma_wait3A_21 = tpu.memref_slice %arg4[%add3A, %dma_wait3A_19, %dma_wait3A_20] : memref<32x81x128xi32, #tpu.memory_space<hbm>> -> memref<1x81x128xi32, #tpu.memory_space<hbm>>
      %dma_wait3A_22 = tpu.memref_squeeze %dma_wait3A_21 : memref<1x81x128xi32, #tpu.memory_space<hbm>> -> memref<81x128xi32, #tpu.memory_space<hbm>>
      tpu.wait_dma2 semaphore(%run_scoped3A : memref<!tpu.dma_semaphore, #tpu.memory_space<semaphore_mem>>) src(%dma_wait3A_22 : memref<81x128xi32, #tpu.memory_space<hbm>>) dst(%arg8 : memref<81x128xi32, #tpu.memory_space<vmem>>)
      tpu.yield
    }) : () -> ()
    %barrier3A = arith.constant 0 : index
    tpu.barrier barrier_id(%barrier3A)
    %scan3A = arith.constant 0 : i32
    %scan3A_3 = arith.constant 0 : i32
    %scan3A_4 = arith.constant 80 : i32
    %scan3A_5 = arith.addi %scan3A_3, %scan3A_4 : i32
    %scan3A_6 = arith.constant 1 : i32
    scf.for %scan3A_9 = %scan3A_3 to %scan3A_5 step %scan3A_6  : i32 {
      %dma_start3A = arith.constant 0 : i32
      %dma_start3A_10 = tpu.memref_slice %arg7[%scan3A_9, %dma_start3A] : memref<81x128xi32, #tpu.memory_space<vmem>> -> memref<1x128xi32, #tpu.memory_space<vmem>>
      %dma_start3A_11 = tpu.memref_squeeze %dma_start3A_10 : memref<1x128xi32, #tpu.memory_space<vmem>> -> memref<128xi32, #tpu.memory_space<vmem>>
      %dma_start3A_12 = arith.constant 0 : i32
      %dma_start3A_13 = arith.constant 0 : i32
      %dma_start3A_14 = tpu.memref_slice %arg2[%dma_start3A_12, %dma_start3A_13] : memref<10000x128xf32, #tpu.memory_space<hbm>> -> memref<10000x128xf32, #tpu.memory_space<hbm>>
      tpu.enqueue_indirect_dma source(%dma_start3A_14 : memref<10000x128xf32, #tpu.memory_space<hbm>>) target(%arg9 : memref<128x128xf32, #tpu.memory_space<vmem>>) offsets(%dma_start3A_11 : memref<128xi32, #tpu.memory_space<vmem>>) semaphore(%arg11 : memref<!tpu.dma_semaphore, #tpu.memory_space<semaphore_mem>>)
      %dma_wait3A = arith.constant 0 : i32
      %dma_wait3A_15 = tpu.memref_slice %arg7[%scan3A_9, %dma_wait3A] : memref<81x128xi32, #tpu.memory_space<vmem>> -> memref<1x128xi32, #tpu.memory_space<vmem>>
      %dma_wait3A_16 = tpu.memref_squeeze %dma_wait3A_15 : memref<1x128xi32, #tpu.memory_space<vmem>> -> memref<128xi32, #tpu.memory_space<vmem>>
      %dma_wait3A_17 = arith.constant 0 : i32
      %dma_wait3A_18 = arith.constant 0 : i32
      %dma_wait3A_19 = tpu.memref_slice %arg2[%dma_wait3A_17, %dma_wait3A_18] : memref<10000x128xf32, #tpu.memory_space<hbm>> -> memref<10000x128xf32, #tpu.memory_space<hbm>>
      tpu.wait_indirect_dma semaphore(%arg11 : memref<!tpu.dma_semaphore, #tpu.memory_space<semaphore_mem>>) src(%dma_wait3A_19 : memref<10000x128xf32, #tpu.memory_space<hbm>>) dst(%arg9 : memref<128x128xf32, #tpu.memory_space<vmem>>)
      "tpu.region"() ({
        %run_scoped3A = tpu.sem_alloc : memref<!tpu.dma_semaphore, #tpu.memory_space<semaphore_mem>>
        %dma_start3A_20 = arith.constant 0 : i32
        %dma_start3A_21 = tpu.memref_slice %arg8[%scan3A_9, %dma_start3A_20] : memref<81x128xi32, #tpu.memory_space<vmem>> -> memref<1x128xi32, #tpu.memory_space<vmem>>
        %dma_start3A_22 = tpu.memref_squeeze %dma_start3A_21 : memref<1x128xi32, #tpu.memory_space<vmem>> -> memref<128xi32, #tpu.memory_space<vmem>>
        %dma_start3A_23 = arith.constant 0 : i32
        %dma_start3A_24 = arith.constant 0 : i32
        %dma_start3A_25 = tpu.memref_slice %arg10[%dma_start3A_23, %dma_start3A_24] : memref<10240x128xf32, #tpu.memory_space<vmem_shared>> -> memref<10240x128xf32, #tpu.memory_space<vmem_shared>>
        tpu.enqueue_indirect_dma source(%arg9 : memref<128x128xf32, #tpu.memory_space<vmem>>) target(%dma_start3A_25 : memref<10240x128xf32, #tpu.memory_space<vmem_shared>>) offsets(%dma_start3A_22 : memref<128xi32, #tpu.memory_space<vmem>>) semaphore(%run_scoped3A : memref<!tpu.dma_semaphore, #tpu.memory_space<semaphore_mem>>) {add = true}
        %dma_wait3A_26 = arith.constant 0 : i32
        %dma_wait3A_27 = tpu.memref_slice %arg8[%scan3A_9, %dma_wait3A_26] : memref<81x128xi32, #tpu.memory_space<vmem>> -> memref<1x128xi32, #tpu.memory_space<vmem>>
        %dma_wait3A_28 = tpu.memref_squeeze %dma_wait3A_27 : memref<1x128xi32, #tpu.memory_space<vmem>> -> memref<128xi32, #tpu.memory_space<vmem>>
        %dma_wait3A_29 = arith.constant 0 : i32
        %dma_wait3A_30 = arith.constant 0 : i32
        %dma_wait3A_31 = tpu.memref_slice %arg10[%dma_wait3A_29, %dma_wait3A_30] : memref<10240x128xf32, #tpu.memory_space<vmem_shared>> -> memref<10240x128xf32, #tpu.memory_space<vmem_shared>>
        tpu.wait_indirect_dma semaphore(%run_scoped3A : memref<!tpu.dma_semaphore, #tpu.memory_space<semaphore_mem>>) src(%arg9 : memref<128x128xf32, #tpu.memory_space<vmem>>) dst(%dma_wait3A_31 : memref<10240x128xf32, #tpu.memory_space<vmem_shared>>)
        tpu.yield
      }) : () -> ()
    }
    %scan3A_7 = arith.constant 80 : i32
    %barrier3A_8 = arith.constant 0 : index
    tpu.barrier barrier_id(%barrier3A_8)
    "tpu.region"() ({
      %run_scoped3A = tpu.sem_alloc : memref<!tpu.dma_semaphore, #tpu.memory_space<semaphore_mem>>
      %dma_start3A = arith.constant 0 : i32
      %dma_start3A_9 = tpu.memref_slice %arg6[%arg0, %mul3A_2, %dma_start3A] : memref<2x10240x128xf32, #tpu.memory_space<hbm>> -> memref<1x640x128xf32, #tpu.memory_space<hbm>>
      %dma_start3A_10 = tpu.memref_squeeze %dma_start3A_9 : memref<1x640x128xf32, #tpu.memory_space<hbm>> -> memref<640x128xf32, #tpu.memory_space<hbm>>
      %dma_start3A_11 = arith.constant 0 : i32
      %dma_start3A_12 = tpu.memref_slice %arg10[%mul3A_2, %dma_start3A_11] : memref<10240x128xf32, #tpu.memory_space<vmem_shared>> -> memref<640x128xf32, #tpu.memory_space<vmem_shared>>
      tpu.enqueue_dma source(%dma_start3A_12 : memref<640x128xf32, #tpu.memory_space<vmem_shared>>) target(%dma_start3A_10 : memref<640x128xf32, #tpu.memory_space<hbm>>) target_semaphore(%run_scoped3A : memref<!tpu.dma_semaphore, #tpu.memory_space<semaphore_mem>>)
      %dma_wait3A = arith.constant 0 : i32
      %dma_wait3A_13 = tpu.memref_slice %arg6[%arg0, %mul3A_2, %dma_wait3A] : memref<2x10240x128xf32, #tpu.memory_space<hbm>> -> memref<1x640x128xf32, #tpu.memory_space<hbm>>
      %dma_wait3A_14 = tpu.memref_squeeze %dma_wait3A_13 : memref<1x640x128xf32, #tpu.memory_space<hbm>> -> memref<640x128xf32, #tpu.memory_space<hbm>>
      %dma_wait3A_15 = arith.constant 0 : i32
      %dma_wait3A_16 = tpu.memref_slice %arg10[%mul3A_2, %dma_wait3A_15] : memref<10240x128xf32, #tpu.memory_space<vmem_shared>> -> memref<640x128xf32, #tpu.memory_space<vmem_shared>>
      tpu.wait_dma2 semaphore(%run_scoped3A : memref<!tpu.dma_semaphore, #tpu.memory_space<semaphore_mem>>) src(%dma_wait3A_16 : memref<640x128xf32, #tpu.memory_space<vmem_shared>>) dst(%dma_wait3A_14 : memref<640x128xf32, #tpu.memory_space<hbm>>)
      tpu.yield
    }) : () -> ()
    return
  }
}

#map = affine_map<(d0, d1) -> (0, 0, 0)>
#map1 = affine_map<(d0, d1) -> (0, 0)>
module attributes {stable_mosaic.version = 14 : i64} {
  func.func @k(%arg0: i32, %arg1: i32, %arg2: memref<32x81x128xi32, #tpu.memory_space<hbm>>, %arg3: memref<128x128xf32, #tpu.memory_space<hbm>>, %arg4: memref<10240x128xf32, #tpu.memory_space<hbm>>, %arg5: memref<2x10240x128xf32, #tpu.memory_space<hbm>>, %arg6: memref<81x128xi32, #tpu.memory_space<vmem>>, %arg7: memref<128x128xf32, #tpu.memory_space<vmem>>, %arg8: memref<10240x128xf32, #tpu.memory_space<vmem_shared>>) attributes {dimension_semantics = [#tpu.dimension_semantics<core_parallel>, #tpu.dimension_semantics<subcore_parallel>], iteration_bounds = array<i64: 2, 16>, scalar_prefetch = 0 : i64, scratch_operands = 3 : i64, tpu.core_type = #tpu.core_type<sc_vector_subcore>, window_params = [{transform_indices = #map}, {transform_indices = #map1}, {transform_indices = #map1}, {transform_indices = #map}]} {
    %mul3A = arith.constant 2 : i32
    %mul3A_0 = arith.muli %arg1, %mul3A : i32
    %add3A = arith.addi %mul3A_0, %arg0 : i32
    %mul3A_1 = arith.constant 640 : i32
    %mul3A_2 = arith.muli %arg1, %mul3A_1 : i32
    "tpu.region"() ({
      %run_scoped3A = tpu.sem_alloc : memref<!tpu.dma_semaphore, #tpu.memory_space<semaphore_mem>>
      %dma_start3A = arith.constant 0 : i32
      %dma_start3A_9 = tpu.memref_slice %arg8[%mul3A_2, %dma_start3A] : memref<10240x128xf32, #tpu.memory_space<vmem_shared>> -> memref<640x128xf32, #tpu.memory_space<vmem_shared>>
      %dma_start3A_10 = arith.constant 0 : i32
      %dma_start3A_11 = tpu.memref_slice %arg4[%mul3A_2, %dma_start3A_10] : memref<10240x128xf32, #tpu.memory_space<hbm>> -> memref<640x128xf32, #tpu.memory_space<hbm>>
      tpu.enqueue_dma source(%dma_start3A_11 : memref<640x128xf32, #tpu.memory_space<hbm>>) target(%dma_start3A_9 : memref<640x128xf32, #tpu.memory_space<vmem_shared>>) target_semaphore(%run_scoped3A : memref<!tpu.dma_semaphore, #tpu.memory_space<semaphore_mem>>)
      %dma_wait3A = arith.constant 0 : i32
      %dma_wait3A_12 = tpu.memref_slice %arg8[%mul3A_2, %dma_wait3A] : memref<10240x128xf32, #tpu.memory_space<vmem_shared>> -> memref<640x128xf32, #tpu.memory_space<vmem_shared>>
      %dma_wait3A_13 = arith.constant 0 : i32
      %dma_wait3A_14 = tpu.memref_slice %arg4[%mul3A_2, %dma_wait3A_13] : memref<10240x128xf32, #tpu.memory_space<hbm>> -> memref<640x128xf32, #tpu.memory_space<hbm>>
      tpu.wait_dma2 semaphore(%run_scoped3A : memref<!tpu.dma_semaphore, #tpu.memory_space<semaphore_mem>>) src(%dma_wait3A_14 : memref<640x128xf32, #tpu.memory_space<hbm>>) dst(%dma_wait3A_12 : memref<640x128xf32, #tpu.memory_space<vmem_shared>>)
      tpu.yield
    }) : () -> ()
    "tpu.region"() ({
      %run_scoped3A = tpu.sem_alloc : memref<!tpu.dma_semaphore, #tpu.memory_space<semaphore_mem>>
      %dma_start3A = arith.constant 0 : i32
      %dma_start3A_9 = arith.constant 0 : i32
      %dma_start3A_10 = tpu.memref_slice %arg2[%add3A, %dma_start3A, %dma_start3A_9] : memref<32x81x128xi32, #tpu.memory_space<hbm>> -> memref<1x81x128xi32, #tpu.memory_space<hbm>>
      %dma_start3A_11 = tpu.memref_squeeze %dma_start3A_10 : memref<1x81x128xi32, #tpu.memory_space<hbm>> -> memref<81x128xi32, #tpu.memory_space<hbm>>
      %dma_start3A_12 = arith.constant 0 : i32
      %dma_start3A_13 = arith.constant 0 : i32
      %dma_start3A_14 = tpu.memref_slice %arg2[%add3A, %dma_start3A_12, %dma_start3A_13] : memref<32x81x128xi32, #tpu.memory_space<hbm>> -> memref<1x81x128xi32, #tpu.memory_space<hbm>>
      %dma_start3A_15 = tpu.memref_squeeze %dma_start3A_14 : memref<1x81x128xi32, #tpu.memory_space<hbm>> -> memref<81x128xi32, #tpu.memory_space<hbm>>
      tpu.enqueue_dma source(%dma_start3A_15 : memref<81x128xi32, #tpu.memory_space<hbm>>) target(%arg6 : memref<81x128xi32, #tpu.memory_space<vmem>>) target_semaphore(%run_scoped3A : memref<!tpu.dma_semaphore, #tpu.memory_space<semaphore_mem>>)
      %dma_wait3A = arith.constant 0 : i32
      %dma_wait3A_16 = arith.constant 0 : i32
      %dma_wait3A_17 = tpu.memref_slice %arg2[%add3A, %dma_wait3A, %dma_wait3A_16] : memref<32x81x128xi32, #tpu.memory_space<hbm>> -> memref<1x81x128xi32, #tpu.memory_space<hbm>>
      %dma_wait3A_18 = tpu.memref_squeeze %dma_wait3A_17 : memref<1x81x128xi32, #tpu.memory_space<hbm>> -> memref<81x128xi32, #tpu.memory_space<hbm>>
      %dma_wait3A_19 = arith.constant 0 : i32
      %dma_wait3A_20 = arith.constant 0 : i32
      %dma_wait3A_21 = tpu.memref_slice %arg2[%add3A, %dma_wait3A_19, %dma_wait3A_20] : memref<32x81x128xi32, #tpu.memory_space<hbm>> -> memref<1x81x128xi32, #tpu.memory_space<hbm>>
      %dma_wait3A_22 = tpu.memref_squeeze %dma_wait3A_21 : memref<1x81x128xi32, #tpu.memory_space<hbm>> -> memref<81x128xi32, #tpu.memory_space<hbm>>
      tpu.wait_dma2 semaphore(%run_scoped3A : memref<!tpu.dma_semaphore, #tpu.memory_space<semaphore_mem>>) src(%dma_wait3A_22 : memref<81x128xi32, #tpu.memory_space<hbm>>) dst(%arg6 : memref<81x128xi32, #tpu.memory_space<vmem>>)
      tpu.yield
    }) : () -> ()
    "tpu.region"() ({
      %run_scoped3A = tpu.sem_alloc : memref<!tpu.dma_semaphore, #tpu.memory_space<semaphore_mem>>
      tpu.enqueue_dma source(%arg3 : memref<128x128xf32, #tpu.memory_space<hbm>>) target(%arg7 : memref<128x128xf32, #tpu.memory_space<vmem>>) target_semaphore(%run_scoped3A : memref<!tpu.dma_semaphore, #tpu.memory_space<semaphore_mem>>)
      tpu.wait_dma2 semaphore(%run_scoped3A : memref<!tpu.dma_semaphore, #tpu.memory_space<semaphore_mem>>) src(%arg3 : memref<128x128xf32, #tpu.memory_space<hbm>>) dst(%arg7 : memref<128x128xf32, #tpu.memory_space<vmem>>)
      tpu.yield
    }) : () -> ()
    %barrier3A = arith.constant 0 : index
    tpu.barrier barrier_id(%barrier3A)
    %scan3A = arith.constant 0 : i32
    %scan3A_3 = arith.constant 0 : i32
    %scan3A_4 = arith.constant 80 : i32
    %scan3A_5 = arith.addi %scan3A_3, %scan3A_4 : i32
    %scan3A_6 = arith.constant 1 : i32
    scf.for %scan3A_9 = %scan3A_3 to %scan3A_5 step %scan3A_6  : i32 {
      "tpu.region"() ({
        %run_scoped3A = tpu.sem_alloc : memref<!tpu.dma_semaphore, #tpu.memory_space<semaphore_mem>>
        %dma_start3A = arith.constant 0 : i32
        %dma_start3A_10 = tpu.memref_slice %arg6[%scan3A_9, %dma_start3A] : memref<81x128xi32, #tpu.memory_space<vmem>> -> memref<1x128xi32, #tpu.memory_space<vmem>>
        %dma_start3A_11 = tpu.memref_squeeze %dma_start3A_10 : memref<1x128xi32, #tpu.memory_space<vmem>> -> memref<128xi32, #tpu.memory_space<vmem>>
        %dma_start3A_12 = arith.constant 0 : i32
        %dma_start3A_13 = arith.constant 0 : i32
        %dma_start3A_14 = tpu.memref_slice %arg8[%dma_start3A_12, %dma_start3A_13] : memref<10240x128xf32, #tpu.memory_space<vmem_shared>> -> memref<10240x128xf32, #tpu.memory_space<vmem_shared>>
        tpu.enqueue_indirect_dma source(%arg7 : memref<128x128xf32, #tpu.memory_space<vmem>>) target(%dma_start3A_14 : memref<10240x128xf32, #tpu.memory_space<vmem_shared>>) offsets(%dma_start3A_11 : memref<128xi32, #tpu.memory_space<vmem>>) semaphore(%run_scoped3A : memref<!tpu.dma_semaphore, #tpu.memory_space<semaphore_mem>>) {add = true}
        %dma_wait3A = arith.constant 0 : i32
        %dma_wait3A_15 = tpu.memref_slice %arg6[%scan3A_9, %dma_wait3A] : memref<81x128xi32, #tpu.memory_space<vmem>> -> memref<1x128xi32, #tpu.memory_space<vmem>>
        %dma_wait3A_16 = tpu.memref_squeeze %dma_wait3A_15 : memref<1x128xi32, #tpu.memory_space<vmem>> -> memref<128xi32, #tpu.memory_space<vmem>>
        %dma_wait3A_17 = arith.constant 0 : i32
        %dma_wait3A_18 = arith.constant 0 : i32
        %dma_wait3A_19 = tpu.memref_slice %arg8[%dma_wait3A_17, %dma_wait3A_18] : memref<10240x128xf32, #tpu.memory_space<vmem_shared>> -> memref<10240x128xf32, #tpu.memory_space<vmem_shared>>
        tpu.wait_indirect_dma semaphore(%run_scoped3A : memref<!tpu.dma_semaphore, #tpu.memory_space<semaphore_mem>>) src(%arg7 : memref<128x128xf32, #tpu.memory_space<vmem>>) dst(%dma_wait3A_19 : memref<10240x128xf32, #tpu.memory_space<vmem_shared>>)
        tpu.yield
      }) : () -> ()
    }
    %scan3A_7 = arith.constant 80 : i32
    %barrier3A_8 = arith.constant 0 : index
    tpu.barrier barrier_id(%barrier3A_8)
    "tpu.region"() ({
      %run_scoped3A = tpu.sem_alloc : memref<!tpu.dma_semaphore, #tpu.memory_space<semaphore_mem>>
      %dma_start3A = arith.constant 0 : i32
      %dma_start3A_9 = tpu.memref_slice %arg5[%arg0, %mul3A_2, %dma_start3A] : memref<2x10240x128xf32, #tpu.memory_space<hbm>> -> memref<1x640x128xf32, #tpu.memory_space<hbm>>
      %dma_start3A_10 = tpu.memref_squeeze %dma_start3A_9 : memref<1x640x128xf32, #tpu.memory_space<hbm>> -> memref<640x128xf32, #tpu.memory_space<hbm>>
      %dma_start3A_11 = arith.constant 0 : i32
      %dma_start3A_12 = tpu.memref_slice %arg8[%mul3A_2, %dma_start3A_11] : memref<10240x128xf32, #tpu.memory_space<vmem_shared>> -> memref<640x128xf32, #tpu.memory_space<vmem_shared>>
      tpu.enqueue_dma source(%dma_start3A_12 : memref<640x128xf32, #tpu.memory_space<vmem_shared>>) target(%dma_start3A_10 : memref<640x128xf32, #tpu.memory_space<hbm>>) target_semaphore(%run_scoped3A : memref<!tpu.dma_semaphore, #tpu.memory_space<semaphore_mem>>)
      %dma_wait3A = arith.constant 0 : i32
      %dma_wait3A_13 = tpu.memref_slice %arg5[%arg0, %mul3A_2, %dma_wait3A] : memref<2x10240x128xf32, #tpu.memory_space<hbm>> -> memref<1x640x128xf32, #tpu.memory_space<hbm>>
      %dma_wait3A_14 = tpu.memref_squeeze %dma_wait3A_13 : memref<1x640x128xf32, #tpu.memory_space<hbm>> -> memref<640x128xf32, #tpu.memory_space<hbm>>
      %dma_wait3A_15 = arith.constant 0 : i32
      %dma_wait3A_16 = tpu.memref_slice %arg8[%mul3A_2, %dma_wait3A_15] : memref<10240x128xf32, #tpu.memory_space<vmem_shared>> -> memref<640x128xf32, #tpu.memory_space<vmem_shared>>
      tpu.wait_dma2 semaphore(%run_scoped3A : memref<!tpu.dma_semaphore, #tpu.memory_space<semaphore_mem>>) src(%dma_wait3A_16 : memref<640x128xf32, #tpu.memory_space<vmem_shared>>) dst(%dma_wait3A_14 : memref<640x128xf32, #tpu.memory_space<hbm>>)
      tpu.yield
    }) : () -> ()
    return
  }
}

#map = affine_map<(d0, d1) -> (0, 0)>
#map1 = affine_map<(d0, d1) -> (0, 0, 0)>
module attributes {stable_mosaic.version = 14 : i64} {
  func.func @k(%arg0: i32, %arg1: i32, %arg2: memref<10000x128xf32, #tpu.memory_space<hbm>>, %arg3: memref<32x81x128xi32, #tpu.memory_space<hbm>>, %arg4: memref<32x81x128xi32, #tpu.memory_space<hbm>>, %arg5: memref<10240x128xf32, #tpu.memory_space<hbm>>, %arg6: memref<2x10240x128xf32, #tpu.memory_space<hbm>>, %arg7: memref<81x128xi32, #tpu.memory_space<vmem>>, %arg8: memref<81x128xi32, #tpu.memory_space<vmem>>, %arg9: memref<128x128xf32, #tpu.memory_space<vmem>>, %arg10: memref<10240x128xf32, #tpu.memory_space<vmem_shared>>, %arg11: memref<!tpu.dma_semaphore, #tpu.memory_space<semaphore_mem>>) attributes {dimension_semantics = [#tpu.dimension_semantics<core_parallel>, #tpu.dimension_semantics<subcore_parallel>], iteration_bounds = array<i64: 2, 16>, scalar_prefetch = 0 : i64, scratch_operands = 5 : i64, tpu.core_type = #tpu.core_type<sc_vector_subcore>, window_params = [{transform_indices = #map}, {transform_indices = #map1}, {transform_indices = #map1}, {transform_indices = #map}, {transform_indices = #map1}]} {
    %mul3A = arith.constant 2 : i32
    %mul3A_0 = arith.muli %arg1, %mul3A : i32
    %add3A = arith.addi %mul3A_0, %arg0 : i32
    %mul3A_1 = arith.constant 640 : i32
    %mul3A_2 = arith.muli %arg1, %mul3A_1 : i32
    "tpu.region"() ({
      %run_scoped3A = tpu.sem_alloc : memref<!tpu.dma_semaphore, #tpu.memory_space<semaphore_mem>>
      %dma_start3A = arith.constant 0 : i32
      %dma_start3A_9 = tpu.memref_slice %arg10[%mul3A_2, %dma_start3A] : memref<10240x128xf32, #tpu.memory_space<vmem_shared>> -> memref<640x128xf32, #tpu.memory_space<vmem_shared>>
      %dma_start3A_10 = arith.constant 0 : i32
      %dma_start3A_11 = tpu.memref_slice %arg5[%mul3A_2, %dma_start3A_10] : memref<10240x128xf32, #tpu.memory_space<hbm>> -> memref<640x128xf32, #tpu.memory_space<hbm>>
      tpu.enqueue_dma source(%dma_start3A_11 : memref<640x128xf32, #tpu.memory_space<hbm>>) target(%dma_start3A_9 : memref<640x128xf32, #tpu.memory_space<vmem_shared>>) target_semaphore(%run_scoped3A : memref<!tpu.dma_semaphore, #tpu.memory_space<semaphore_mem>>)
      %dma_wait3A = arith.constant 0 : i32
      %dma_wait3A_12 = tpu.memref_slice %arg10[%mul3A_2, %dma_wait3A] : memref<10240x128xf32, #tpu.memory_space<vmem_shared>> -> memref<640x128xf32, #tpu.memory_space<vmem_shared>>
      %dma_wait3A_13 = arith.constant 0 : i32
      %dma_wait3A_14 = tpu.memref_slice %arg5[%mul3A_2, %dma_wait3A_13] : memref<10240x128xf32, #tpu.memory_space<hbm>> -> memref<640x128xf32, #tpu.memory_space<hbm>>
      tpu.wait_dma2 semaphore(%run_scoped3A : memref<!tpu.dma_semaphore, #tpu.memory_space<semaphore_mem>>) src(%dma_wait3A_14 : memref<640x128xf32, #tpu.memory_space<hbm>>) dst(%dma_wait3A_12 : memref<640x128xf32, #tpu.memory_space<vmem_shared>>)
      tpu.yield
    }) : () -> ()
    "tpu.region"() ({
      %run_scoped3A = tpu.sem_alloc : memref<!tpu.dma_semaphore, #tpu.memory_space<semaphore_mem>>
      %dma_start3A = arith.constant 0 : i32
      %dma_start3A_9 = arith.constant 0 : i32
      %dma_start3A_10 = tpu.memref_slice %arg3[%add3A, %dma_start3A, %dma_start3A_9] : memref<32x81x128xi32, #tpu.memory_space<hbm>> -> memref<1x81x128xi32, #tpu.memory_space<hbm>>
      %dma_start3A_11 = tpu.memref_squeeze %dma_start3A_10 : memref<1x81x128xi32, #tpu.memory_space<hbm>> -> memref<81x128xi32, #tpu.memory_space<hbm>>
      %dma_start3A_12 = arith.constant 0 : i32
      %dma_start3A_13 = arith.constant 0 : i32
      %dma_start3A_14 = tpu.memref_slice %arg3[%add3A, %dma_start3A_12, %dma_start3A_13] : memref<32x81x128xi32, #tpu.memory_space<hbm>> -> memref<1x81x128xi32, #tpu.memory_space<hbm>>
      %dma_start3A_15 = tpu.memref_squeeze %dma_start3A_14 : memref<1x81x128xi32, #tpu.memory_space<hbm>> -> memref<81x128xi32, #tpu.memory_space<hbm>>
      tpu.enqueue_dma source(%dma_start3A_15 : memref<81x128xi32, #tpu.memory_space<hbm>>) target(%arg7 : memref<81x128xi32, #tpu.memory_space<vmem>>) target_semaphore(%run_scoped3A : memref<!tpu.dma_semaphore, #tpu.memory_space<semaphore_mem>>)
      %dma_wait3A = arith.constant 0 : i32
      %dma_wait3A_16 = arith.constant 0 : i32
      %dma_wait3A_17 = tpu.memref_slice %arg3[%add3A, %dma_wait3A, %dma_wait3A_16] : memref<32x81x128xi32, #tpu.memory_space<hbm>> -> memref<1x81x128xi32, #tpu.memory_space<hbm>>
      %dma_wait3A_18 = tpu.memref_squeeze %dma_wait3A_17 : memref<1x81x128xi32, #tpu.memory_space<hbm>> -> memref<81x128xi32, #tpu.memory_space<hbm>>
      %dma_wait3A_19 = arith.constant 0 : i32
      %dma_wait3A_20 = arith.constant 0 : i32
      %dma_wait3A_21 = tpu.memref_slice %arg3[%add3A, %dma_wait3A_19, %dma_wait3A_20] : memref<32x81x128xi32, #tpu.memory_space<hbm>> -> memref<1x81x128xi32, #tpu.memory_space<hbm>>
      %dma_wait3A_22 = tpu.memref_squeeze %dma_wait3A_21 : memref<1x81x128xi32, #tpu.memory_space<hbm>> -> memref<81x128xi32, #tpu.memory_space<hbm>>
      tpu.wait_dma2 semaphore(%run_scoped3A : memref<!tpu.dma_semaphore, #tpu.memory_space<semaphore_mem>>) src(%dma_wait3A_22 : memref<81x128xi32, #tpu.memory_space<hbm>>) dst(%arg7 : memref<81x128xi32, #tpu.memory_space<vmem>>)
      tpu.yield
    }) : () -> ()
    "tpu.region"() ({
      %run_scoped3A = tpu.sem_alloc : memref<!tpu.dma_semaphore, #tpu.memory_space<semaphore_mem>>
      %dma_start3A = arith.constant 0 : i32
      %dma_start3A_9 = arith.constant 0 : i32
      %dma_start3A_10 = tpu.memref_slice %arg4[%add3A, %dma_start3A, %dma_start3A_9] : memref<32x81x128xi32, #tpu.memory_space<hbm>> -> memref<1x81x128xi32, #tpu.memory_space<hbm>>
      %dma_start3A_11 = tpu.memref_squeeze %dma_start3A_10 : memref<1x81x128xi32, #tpu.memory_space<hbm>> -> memref<81x128xi32, #tpu.memory_space<hbm>>
      %dma_start3A_12 = arith.constant 0 : i32
      %dma_start3A_13 = arith.constant 0 : i32
      %dma_start3A_14 = tpu.memref_slice %arg4[%add3A, %dma_start3A_12, %dma_start3A_13] : memref<32x81x128xi32, #tpu.memory_space<hbm>> -> memref<1x81x128xi32, #tpu.memory_space<hbm>>
      %dma_start3A_15 = tpu.memref_squeeze %dma_start3A_14 : memref<1x81x128xi32, #tpu.memory_space<hbm>> -> memref<81x128xi32, #tpu.memory_space<hbm>>
      tpu.enqueue_dma source(%dma_start3A_15 : memref<81x128xi32, #tpu.memory_space<hbm>>) target(%arg8 : memref<81x128xi32, #tpu.memory_space<vmem>>) target_semaphore(%run_scoped3A : memref<!tpu.dma_semaphore, #tpu.memory_space<semaphore_mem>>)
      %dma_wait3A = arith.constant 0 : i32
      %dma_wait3A_16 = arith.constant 0 : i32
      %dma_wait3A_17 = tpu.memref_slice %arg4[%add3A, %dma_wait3A, %dma_wait3A_16] : memref<32x81x128xi32, #tpu.memory_space<hbm>> -> memref<1x81x128xi32, #tpu.memory_space<hbm>>
      %dma_wait3A_18 = tpu.memref_squeeze %dma_wait3A_17 : memref<1x81x128xi32, #tpu.memory_space<hbm>> -> memref<81x128xi32, #tpu.memory_space<hbm>>
      %dma_wait3A_19 = arith.constant 0 : i32
      %dma_wait3A_20 = arith.constant 0 : i32
      %dma_wait3A_21 = tpu.memref_slice %arg4[%add3A, %dma_wait3A_19, %dma_wait3A_20] : memref<32x81x128xi32, #tpu.memory_space<hbm>> -> memref<1x81x128xi32, #tpu.memory_space<hbm>>
      %dma_wait3A_22 = tpu.memref_squeeze %dma_wait3A_21 : memref<1x81x128xi32, #tpu.memory_space<hbm>> -> memref<81x128xi32, #tpu.memory_space<hbm>>
      tpu.wait_dma2 semaphore(%run_scoped3A : memref<!tpu.dma_semaphore, #tpu.memory_space<semaphore_mem>>) src(%dma_wait3A_22 : memref<81x128xi32, #tpu.memory_space<hbm>>) dst(%arg8 : memref<81x128xi32, #tpu.memory_space<vmem>>)
      tpu.yield
    }) : () -> ()
    %barrier3A = arith.constant 0 : index
    tpu.barrier barrier_id(%barrier3A)
    %scan3A = arith.constant 0 : i32
    %scan3A_3 = arith.constant 0 : i32
    %scan3A_4 = arith.constant 80 : i32
    %scan3A_5 = arith.addi %scan3A_3, %scan3A_4 : i32
    %scan3A_6 = arith.constant 1 : i32
    scf.for %scan3A_9 = %scan3A_3 to %scan3A_5 step %scan3A_6  : i32 {
      %dma_start3A = arith.constant 0 : i32
      %dma_start3A_10 = tpu.memref_slice %arg7[%scan3A_9, %dma_start3A] : memref<81x128xi32, #tpu.memory_space<vmem>> -> memref<1x128xi32, #tpu.memory_space<vmem>>
      %dma_start3A_11 = tpu.memref_squeeze %dma_start3A_10 : memref<1x128xi32, #tpu.memory_space<vmem>> -> memref<128xi32, #tpu.memory_space<vmem>>
      %dma_start3A_12 = arith.constant 0 : i32
      %dma_start3A_13 = arith.constant 0 : i32
      %dma_start3A_14 = tpu.memref_slice %arg2[%dma_start3A_12, %dma_start3A_13] : memref<10000x128xf32, #tpu.memory_space<hbm>> -> memref<10000x128xf32, #tpu.memory_space<hbm>>
      tpu.enqueue_indirect_dma source(%dma_start3A_14 : memref<10000x128xf32, #tpu.memory_space<hbm>>) target(%arg9 : memref<128x128xf32, #tpu.memory_space<vmem>>) offsets(%dma_start3A_11 : memref<128xi32, #tpu.memory_space<vmem>>) semaphore(%arg11 : memref<!tpu.dma_semaphore, #tpu.memory_space<semaphore_mem>>)
      %dma_wait3A = arith.constant 0 : i32
      %dma_wait3A_15 = tpu.memref_slice %arg7[%scan3A_9, %dma_wait3A] : memref<81x128xi32, #tpu.memory_space<vmem>> -> memref<1x128xi32, #tpu.memory_space<vmem>>
      %dma_wait3A_16 = tpu.memref_squeeze %dma_wait3A_15 : memref<1x128xi32, #tpu.memory_space<vmem>> -> memref<128xi32, #tpu.memory_space<vmem>>
      %dma_wait3A_17 = arith.constant 0 : i32
      %dma_wait3A_18 = arith.constant 0 : i32
      %dma_wait3A_19 = tpu.memref_slice %arg2[%dma_wait3A_17, %dma_wait3A_18] : memref<10000x128xf32, #tpu.memory_space<hbm>> -> memref<10000x128xf32, #tpu.memory_space<hbm>>
      tpu.wait_indirect_dma semaphore(%arg11 : memref<!tpu.dma_semaphore, #tpu.memory_space<semaphore_mem>>) src(%dma_wait3A_19 : memref<10000x128xf32, #tpu.memory_space<hbm>>) dst(%arg9 : memref<128x128xf32, #tpu.memory_space<vmem>>)
      "tpu.region"() ({
        %run_scoped3A = tpu.sem_alloc : memref<!tpu.dma_semaphore, #tpu.memory_space<semaphore_mem>>
        %dma_start3A_20 = arith.constant 0 : i32
        %dma_start3A_21 = tpu.memref_slice %arg8[%scan3A_9, %dma_start3A_20] : memref<81x128xi32, #tpu.memory_space<vmem>> -> memref<1x128xi32, #tpu.memory_space<vmem>>
        %dma_start3A_22 = tpu.memref_squeeze %dma_start3A_21 : memref<1x128xi32, #tpu.memory_space<vmem>> -> memref<128xi32, #tpu.memory_space<vmem>>
        %dma_start3A_23 = arith.constant 0 : i32
        %dma_start3A_24 = arith.constant 0 : i32
        %dma_start3A_25 = tpu.memref_slice %arg10[%dma_start3A_23, %dma_start3A_24] : memref<10240x128xf32, #tpu.memory_space<vmem_shared>> -> memref<10240x128xf32, #tpu.memory_space<vmem_shared>>
        tpu.enqueue_indirect_dma source(%arg9 : memref<128x128xf32, #tpu.memory_space<vmem>>) target(%dma_start3A_25 : memref<10240x128xf32, #tpu.memory_space<vmem_shared>>) offsets(%dma_start3A_22 : memref<128xi32, #tpu.memory_space<vmem>>) semaphore(%run_scoped3A : memref<!tpu.dma_semaphore, #tpu.memory_space<semaphore_mem>>) {add = true}
        %dma_wait3A_26 = arith.constant 0 : i32
        %dma_wait3A_27 = tpu.memref_slice %arg8[%scan3A_9, %dma_wait3A_26] : memref<81x128xi32, #tpu.memory_space<vmem>> -> memref<1x128xi32, #tpu.memory_space<vmem>>
        %dma_wait3A_28 = tpu.memref_squeeze %dma_wait3A_27 : memref<1x128xi32, #tpu.memory_space<vmem>> -> memref<128xi32, #tpu.memory_space<vmem>>
        %dma_wait3A_29 = arith.constant 0 : i32
        %dma_wait3A_30 = arith.constant 0 : i32
        %dma_wait3A_31 = tpu.memref_slice %arg10[%dma_wait3A_29, %dma_wait3A_30] : memref<10240x128xf32, #tpu.memory_space<vmem_shared>> -> memref<10240x128xf32, #tpu.memory_space<vmem_shared>>
        tpu.wait_indirect_dma semaphore(%run_scoped3A : memref<!tpu.dma_semaphore, #tpu.memory_space<semaphore_mem>>) src(%arg9 : memref<128x128xf32, #tpu.memory_space<vmem>>) dst(%dma_wait3A_31 : memref<10240x128xf32, #tpu.memory_space<vmem_shared>>)
        tpu.yield
      }) : () -> ()
    }
    %scan3A_7 = arith.constant 80 : i32
    %barrier3A_8 = arith.constant 0 : index
    tpu.barrier barrier_id(%barrier3A_8)
    "tpu.region"() ({
      %run_scoped3A = tpu.sem_alloc : memref<!tpu.dma_semaphore, #tpu.memory_space<semaphore_mem>>
      %dma_start3A = arith.constant 0 : i32
      %dma_start3A_9 = tpu.memref_slice %arg6[%arg0, %mul3A_2, %dma_start3A] : memref<2x10240x128xf32, #tpu.memory_space<hbm>> -> memref<1x640x128xf32, #tpu.memory_space<hbm>>
      %dma_start3A_10 = tpu.memref_squeeze %dma_start3A_9 : memref<1x640x128xf32, #tpu.memory_space<hbm>> -> memref<640x128xf32, #tpu.memory_space<hbm>>
      %dma_start3A_11 = arith.constant 0 : i32
      %dma_start3A_12 = tpu.memref_slice %arg10[%mul3A_2, %dma_start3A_11] : memref<10240x128xf32, #tpu.memory_space<vmem_shared>> -> memref<640x128xf32, #tpu.memory_space<vmem_shared>>
      tpu.enqueue_dma source(%dma_start3A_12 : memref<640x128xf32, #tpu.memory_space<vmem_shared>>) target(%dma_start3A_10 : memref<640x128xf32, #tpu.memory_space<hbm>>) target_semaphore(%run_scoped3A : memref<!tpu.dma_semaphore, #tpu.memory_space<semaphore_mem>>)
      %dma_wait3A = arith.constant 0 : i32
      %dma_wait3A_13 = tpu.memref_slice %arg6[%arg0, %mul3A_2, %dma_wait3A] : memref<2x10240x128xf32, #tpu.memory_space<hbm>> -> memref<1x640x128xf32, #tpu.memory_space<hbm>>
      %dma_wait3A_14 = tpu.memref_squeeze %dma_wait3A_13 : memref<1x640x128xf32, #tpu.memory_space<hbm>> -> memref<640x128xf32, #tpu.memory_space<hbm>>
      %dma_wait3A_15 = arith.constant 0 : i32
      %dma_wait3A_16 = tpu.memref_slice %arg10[%mul3A_2, %dma_wait3A_15] : memref<10240x128xf32, #tpu.memory_space<vmem_shared>> -> memref<640x128xf32, #tpu.memory_space<vmem_shared>>
      tpu.wait_dma2 semaphore(%run_scoped3A : memref<!tpu.dma_semaphore, #tpu.memory_space<semaphore_mem>>) src(%dma_wait3A_16 : memref<640x128xf32, #tpu.memory_space<vmem_shared>>) dst(%dma_wait3A_14 : memref<640x128xf32, #tpu.memory_space<hbm>>)
      tpu.yield
    }) : () -> ()
    return
  }
}

#map = affine_map<(d0, d1) -> (0, 0)>
#map1 = affine_map<(d0, d1) -> (0, 0, 0)>
module attributes {stable_mosaic.version = 14 : i64} {
  func.func @k(%arg0: i32, %arg1: i32, %arg2: memref<10000x128xf32, #tpu.memory_space<hbm>>, %arg3: memref<32x81x128xi32, #tpu.memory_space<hbm>>, %arg4: memref<32x81x128xi32, #tpu.memory_space<hbm>>, %arg5: memref<10240x128xf32, #tpu.memory_space<hbm>>, %arg6: memref<2x10240x128xf32, #tpu.memory_space<hbm>>, %arg7: memref<81x128xi32, #tpu.memory_space<vmem>>, %arg8: memref<81x128xi32, #tpu.memory_space<vmem>>, %arg9: memref<128x128xf32, #tpu.memory_space<vmem>>, %arg10: memref<10240x128xf32, #tpu.memory_space<vmem_shared>>, %arg11: memref<!tpu.dma_semaphore, #tpu.memory_space<semaphore_mem>>) attributes {dimension_semantics = [#tpu.dimension_semantics<core_parallel>, #tpu.dimension_semantics<subcore_parallel>], iteration_bounds = array<i64: 2, 16>, scalar_prefetch = 0 : i64, scratch_operands = 5 : i64, tpu.core_type = #tpu.core_type<sc_vector_subcore>, window_params = [{transform_indices = #map}, {transform_indices = #map1}, {transform_indices = #map1}, {transform_indices = #map}, {transform_indices = #map1}]} {
    %mul3A = arith.constant 2 : i32
    %mul3A_0 = arith.muli %arg1, %mul3A : i32
    %add3A = arith.addi %mul3A_0, %arg0 : i32
    %mul3A_1 = arith.constant 640 : i32
    %mul3A_2 = arith.muli %arg1, %mul3A_1 : i32
    "tpu.region"() ({
      %run_scoped3A = tpu.sem_alloc : memref<!tpu.dma_semaphore, #tpu.memory_space<semaphore_mem>>
      %dma_start3A = arith.constant 0 : i32
      %dma_start3A_9 = tpu.memref_slice %arg10[%mul3A_2, %dma_start3A] : memref<10240x128xf32, #tpu.memory_space<vmem_shared>> -> memref<640x128xf32, #tpu.memory_space<vmem_shared>>
      %dma_start3A_10 = arith.constant 0 : i32
      %dma_start3A_11 = tpu.memref_slice %arg5[%mul3A_2, %dma_start3A_10] : memref<10240x128xf32, #tpu.memory_space<hbm>> -> memref<640x128xf32, #tpu.memory_space<hbm>>
      tpu.enqueue_dma source(%dma_start3A_11 : memref<640x128xf32, #tpu.memory_space<hbm>>) target(%dma_start3A_9 : memref<640x128xf32, #tpu.memory_space<vmem_shared>>) target_semaphore(%run_scoped3A : memref<!tpu.dma_semaphore, #tpu.memory_space<semaphore_mem>>)
      %dma_wait3A = arith.constant 0 : i32
      %dma_wait3A_12 = tpu.memref_slice %arg10[%mul3A_2, %dma_wait3A] : memref<10240x128xf32, #tpu.memory_space<vmem_shared>> -> memref<640x128xf32, #tpu.memory_space<vmem_shared>>
      %dma_wait3A_13 = arith.constant 0 : i32
      %dma_wait3A_14 = tpu.memref_slice %arg5[%mul3A_2, %dma_wait3A_13] : memref<10240x128xf32, #tpu.memory_space<hbm>> -> memref<640x128xf32, #tpu.memory_space<hbm>>
      tpu.wait_dma2 semaphore(%run_scoped3A : memref<!tpu.dma_semaphore, #tpu.memory_space<semaphore_mem>>) src(%dma_wait3A_14 : memref<640x128xf32, #tpu.memory_space<hbm>>) dst(%dma_wait3A_12 : memref<640x128xf32, #tpu.memory_space<vmem_shared>>)
      tpu.yield
    }) : () -> ()
    "tpu.region"() ({
      %run_scoped3A = tpu.sem_alloc : memref<!tpu.dma_semaphore, #tpu.memory_space<semaphore_mem>>
      %dma_start3A = arith.constant 0 : i32
      %dma_start3A_9 = arith.constant 0 : i32
      %dma_start3A_10 = tpu.memref_slice %arg3[%add3A, %dma_start3A, %dma_start3A_9] : memref<32x81x128xi32, #tpu.memory_space<hbm>> -> memref<1x81x128xi32, #tpu.memory_space<hbm>>
      %dma_start3A_11 = tpu.memref_squeeze %dma_start3A_10 : memref<1x81x128xi32, #tpu.memory_space<hbm>> -> memref<81x128xi32, #tpu.memory_space<hbm>>
      %dma_start3A_12 = arith.constant 0 : i32
      %dma_start3A_13 = arith.constant 0 : i32
      %dma_start3A_14 = tpu.memref_slice %arg3[%add3A, %dma_start3A_12, %dma_start3A_13] : memref<32x81x128xi32, #tpu.memory_space<hbm>> -> memref<1x81x128xi32, #tpu.memory_space<hbm>>
      %dma_start3A_15 = tpu.memref_squeeze %dma_start3A_14 : memref<1x81x128xi32, #tpu.memory_space<hbm>> -> memref<81x128xi32, #tpu.memory_space<hbm>>
      tpu.enqueue_dma source(%dma_start3A_15 : memref<81x128xi32, #tpu.memory_space<hbm>>) target(%arg7 : memref<81x128xi32, #tpu.memory_space<vmem>>) target_semaphore(%run_scoped3A : memref<!tpu.dma_semaphore, #tpu.memory_space<semaphore_mem>>)
      %dma_wait3A = arith.constant 0 : i32
      %dma_wait3A_16 = arith.constant 0 : i32
      %dma_wait3A_17 = tpu.memref_slice %arg3[%add3A, %dma_wait3A, %dma_wait3A_16] : memref<32x81x128xi32, #tpu.memory_space<hbm>> -> memref<1x81x128xi32, #tpu.memory_space<hbm>>
      %dma_wait3A_18 = tpu.memref_squeeze %dma_wait3A_17 : memref<1x81x128xi32, #tpu.memory_space<hbm>> -> memref<81x128xi32, #tpu.memory_space<hbm>>
      %dma_wait3A_19 = arith.constant 0 : i32
      %dma_wait3A_20 = arith.constant 0 : i32
      %dma_wait3A_21 = tpu.memref_slice %arg3[%add3A, %dma_wait3A_19, %dma_wait3A_20] : memref<32x81x128xi32, #tpu.memory_space<hbm>> -> memref<1x81x128xi32, #tpu.memory_space<hbm>>
      %dma_wait3A_22 = tpu.memref_squeeze %dma_wait3A_21 : memref<1x81x128xi32, #tpu.memory_space<hbm>> -> memref<81x128xi32, #tpu.memory_space<hbm>>
      tpu.wait_dma2 semaphore(%run_scoped3A : memref<!tpu.dma_semaphore, #tpu.memory_space<semaphore_mem>>) src(%dma_wait3A_22 : memref<81x128xi32, #tpu.memory_space<hbm>>) dst(%arg7 : memref<81x128xi32, #tpu.memory_space<vmem>>)
      tpu.yield
    }) : () -> ()
    "tpu.region"() ({
      %run_scoped3A = tpu.sem_alloc : memref<!tpu.dma_semaphore, #tpu.memory_space<semaphore_mem>>
      %dma_start3A = arith.constant 0 : i32
      %dma_start3A_9 = arith.constant 0 : i32
      %dma_start3A_10 = tpu.memref_slice %arg4[%add3A, %dma_start3A, %dma_start3A_9] : memref<32x81x128xi32, #tpu.memory_space<hbm>> -> memref<1x81x128xi32, #tpu.memory_space<hbm>>
      %dma_start3A_11 = tpu.memref_squeeze %dma_start3A_10 : memref<1x81x128xi32, #tpu.memory_space<hbm>> -> memref<81x128xi32, #tpu.memory_space<hbm>>
      %dma_start3A_12 = arith.constant 0 : i32
      %dma_start3A_13 = arith.constant 0 : i32
      %dma_start3A_14 = tpu.memref_slice %arg4[%add3A, %dma_start3A_12, %dma_start3A_13] : memref<32x81x128xi32, #tpu.memory_space<hbm>> -> memref<1x81x128xi32, #tpu.memory_space<hbm>>
      %dma_start3A_15 = tpu.memref_squeeze %dma_start3A_14 : memref<1x81x128xi32, #tpu.memory_space<hbm>> -> memref<81x128xi32, #tpu.memory_space<hbm>>
      tpu.enqueue_dma source(%dma_start3A_15 : memref<81x128xi32, #tpu.memory_space<hbm>>) target(%arg8 : memref<81x128xi32, #tpu.memory_space<vmem>>) target_semaphore(%run_scoped3A : memref<!tpu.dma_semaphore, #tpu.memory_space<semaphore_mem>>)
      %dma_wait3A = arith.constant 0 : i32
      %dma_wait3A_16 = arith.constant 0 : i32
      %dma_wait3A_17 = tpu.memref_slice %arg4[%add3A, %dma_wait3A, %dma_wait3A_16] : memref<32x81x128xi32, #tpu.memory_space<hbm>> -> memref<1x81x128xi32, #tpu.memory_space<hbm>>
      %dma_wait3A_18 = tpu.memref_squeeze %dma_wait3A_17 : memref<1x81x128xi32, #tpu.memory_space<hbm>> -> memref<81x128xi32, #tpu.memory_space<hbm>>
      %dma_wait3A_19 = arith.constant 0 : i32
      %dma_wait3A_20 = arith.constant 0 : i32
      %dma_wait3A_21 = tpu.memref_slice %arg4[%add3A, %dma_wait3A_19, %dma_wait3A_20] : memref<32x81x128xi32, #tpu.memory_space<hbm>> -> memref<1x81x128xi32, #tpu.memory_space<hbm>>
      %dma_wait3A_22 = tpu.memref_squeeze %dma_wait3A_21 : memref<1x81x128xi32, #tpu.memory_space<hbm>> -> memref<81x128xi32, #tpu.memory_space<hbm>>
      tpu.wait_dma2 semaphore(%run_scoped3A : memref<!tpu.dma_semaphore, #tpu.memory_space<semaphore_mem>>) src(%dma_wait3A_22 : memref<81x128xi32, #tpu.memory_space<hbm>>) dst(%arg8 : memref<81x128xi32, #tpu.memory_space<vmem>>)
      tpu.yield
    }) : () -> ()
    %barrier3A = arith.constant 0 : index
    tpu.barrier barrier_id(%barrier3A)
    %scan3A = arith.constant 0 : i32
    %scan3A_3 = arith.constant 0 : i32
    %scan3A_4 = arith.constant 80 : i32
    %scan3A_5 = arith.addi %scan3A_3, %scan3A_4 : i32
    %scan3A_6 = arith.constant 1 : i32
    scf.for %scan3A_9 = %scan3A_3 to %scan3A_5 step %scan3A_6  : i32 {
      %dma_start3A = arith.constant 0 : i32
      %dma_start3A_10 = tpu.memref_slice %arg7[%scan3A_9, %dma_start3A] : memref<81x128xi32, #tpu.memory_space<vmem>> -> memref<1x128xi32, #tpu.memory_space<vmem>>
      %dma_start3A_11 = tpu.memref_squeeze %dma_start3A_10 : memref<1x128xi32, #tpu.memory_space<vmem>> -> memref<128xi32, #tpu.memory_space<vmem>>
      %dma_start3A_12 = arith.constant 0 : i32
      %dma_start3A_13 = arith.constant 0 : i32
      %dma_start3A_14 = tpu.memref_slice %arg2[%dma_start3A_12, %dma_start3A_13] : memref<10000x128xf32, #tpu.memory_space<hbm>> -> memref<10000x128xf32, #tpu.memory_space<hbm>>
      tpu.enqueue_indirect_dma source(%dma_start3A_14 : memref<10000x128xf32, #tpu.memory_space<hbm>>) target(%arg9 : memref<128x128xf32, #tpu.memory_space<vmem>>) offsets(%dma_start3A_11 : memref<128xi32, #tpu.memory_space<vmem>>) semaphore(%arg11 : memref<!tpu.dma_semaphore, #tpu.memory_space<semaphore_mem>>)
      %dma_wait3A = arith.constant 0 : i32
      %dma_wait3A_15 = tpu.memref_slice %arg7[%scan3A_9, %dma_wait3A] : memref<81x128xi32, #tpu.memory_space<vmem>> -> memref<1x128xi32, #tpu.memory_space<vmem>>
      %dma_wait3A_16 = tpu.memref_squeeze %dma_wait3A_15 : memref<1x128xi32, #tpu.memory_space<vmem>> -> memref<128xi32, #tpu.memory_space<vmem>>
      %dma_wait3A_17 = arith.constant 0 : i32
      %dma_wait3A_18 = arith.constant 0 : i32
      %dma_wait3A_19 = tpu.memref_slice %arg2[%dma_wait3A_17, %dma_wait3A_18] : memref<10000x128xf32, #tpu.memory_space<hbm>> -> memref<10000x128xf32, #tpu.memory_space<hbm>>
      tpu.wait_indirect_dma semaphore(%arg11 : memref<!tpu.dma_semaphore, #tpu.memory_space<semaphore_mem>>) src(%dma_wait3A_19 : memref<10000x128xf32, #tpu.memory_space<hbm>>) dst(%arg9 : memref<128x128xf32, #tpu.memory_space<vmem>>)
      "tpu.region"() ({
        %run_scoped3A = tpu.sem_alloc : memref<!tpu.dma_semaphore, #tpu.memory_space<semaphore_mem>>
        %dma_start3A_20 = arith.constant 0 : i32
        %dma_start3A_21 = tpu.memref_slice %arg8[%scan3A_9, %dma_start3A_20] : memref<81x128xi32, #tpu.memory_space<vmem>> -> memref<1x128xi32, #tpu.memory_space<vmem>>
        %dma_start3A_22 = tpu.memref_squeeze %dma_start3A_21 : memref<1x128xi32, #tpu.memory_space<vmem>> -> memref<128xi32, #tpu.memory_space<vmem>>
        %dma_start3A_23 = arith.constant 0 : i32
        %dma_start3A_24 = arith.constant 0 : i32
        %dma_start3A_25 = tpu.memref_slice %arg10[%dma_start3A_23, %dma_start3A_24] : memref<10240x128xf32, #tpu.memory_space<vmem_shared>> -> memref<10240x128xf32, #tpu.memory_space<vmem_shared>>
        tpu.enqueue_indirect_dma source(%arg9 : memref<128x128xf32, #tpu.memory_space<vmem>>) target(%dma_start3A_25 : memref<10240x128xf32, #tpu.memory_space<vmem_shared>>) offsets(%dma_start3A_22 : memref<128xi32, #tpu.memory_space<vmem>>) semaphore(%run_scoped3A : memref<!tpu.dma_semaphore, #tpu.memory_space<semaphore_mem>>) {add = true}
        %dma_wait3A_26 = arith.constant 0 : i32
        %dma_wait3A_27 = tpu.memref_slice %arg8[%scan3A_9, %dma_wait3A_26] : memref<81x128xi32, #tpu.memory_space<vmem>> -> memref<1x128xi32, #tpu.memory_space<vmem>>
        %dma_wait3A_28 = tpu.memref_squeeze %dma_wait3A_27 : memref<1x128xi32, #tpu.memory_space<vmem>> -> memref<128xi32, #tpu.memory_space<vmem>>
        %dma_wait3A_29 = arith.constant 0 : i32
        %dma_wait3A_30 = arith.constant 0 : i32
        %dma_wait3A_31 = tpu.memref_slice %arg10[%dma_wait3A_29, %dma_wait3A_30] : memref<10240x128xf32, #tpu.memory_space<vmem_shared>> -> memref<10240x128xf32, #tpu.memory_space<vmem_shared>>
        tpu.wait_indirect_dma semaphore(%run_scoped3A : memref<!tpu.dma_semaphore, #tpu.memory_space<semaphore_mem>>) src(%arg9 : memref<128x128xf32, #tpu.memory_space<vmem>>) dst(%dma_wait3A_31 : memref<10240x128xf32, #tpu.memory_space<vmem_shared>>)
        tpu.yield
      }) : () -> ()
    }
    %scan3A_7 = arith.constant 80 : i32
    %barrier3A_8 = arith.constant 0 : index
    tpu.barrier barrier_id(%barrier3A_8)
    "tpu.region"() ({
      %run_scoped3A = tpu.sem_alloc : memref<!tpu.dma_semaphore, #tpu.memory_space<semaphore_mem>>
      %dma_start3A = arith.constant 0 : i32
      %dma_start3A_9 = tpu.memref_slice %arg6[%arg0, %mul3A_2, %dma_start3A] : memref<2x10240x128xf32, #tpu.memory_space<hbm>> -> memref<1x640x128xf32, #tpu.memory_space<hbm>>
      %dma_start3A_10 = tpu.memref_squeeze %dma_start3A_9 : memref<1x640x128xf32, #tpu.memory_space<hbm>> -> memref<640x128xf32, #tpu.memory_space<hbm>>
      %dma_start3A_11 = arith.constant 0 : i32
      %dma_start3A_12 = tpu.memref_slice %arg10[%mul3A_2, %dma_start3A_11] : memref<10240x128xf32, #tpu.memory_space<vmem_shared>> -> memref<640x128xf32, #tpu.memory_space<vmem_shared>>
      tpu.enqueue_dma source(%dma_start3A_12 : memref<640x128xf32, #tpu.memory_space<vmem_shared>>) target(%dma_start3A_10 : memref<640x128xf32, #tpu.memory_space<hbm>>) target_semaphore(%run_scoped3A : memref<!tpu.dma_semaphore, #tpu.memory_space<semaphore_mem>>)
      %dma_wait3A = arith.constant 0 : i32
      %dma_wait3A_13 = tpu.memref_slice %arg6[%arg0, %mul3A_2, %dma_wait3A] : memref<2x10240x128xf32, #tpu.memory_space<hbm>> -> memref<1x640x128xf32, #tpu.memory_space<hbm>>
      %dma_wait3A_14 = tpu.memref_squeeze %dma_wait3A_13 : memref<1x640x128xf32, #tpu.memory_space<hbm>> -> memref<640x128xf32, #tpu.memory_space<hbm>>
      %dma_wait3A_15 = arith.constant 0 : i32
      %dma_wait3A_16 = tpu.memref_slice %arg10[%mul3A_2, %dma_wait3A_15] : memref<10240x128xf32, #tpu.memory_space<vmem_shared>> -> memref<640x128xf32, #tpu.memory_space<vmem_shared>>
      tpu.wait_dma2 semaphore(%run_scoped3A : memref<!tpu.dma_semaphore, #tpu.memory_space<semaphore_mem>>) src(%dma_wait3A_16 : memref<640x128xf32, #tpu.memory_space<vmem_shared>>) dst(%dma_wait3A_14 : memref<640x128xf32, #tpu.memory_space<hbm>>)
      tpu.yield
    }) : () -> ()
    return
  }
}

#map = affine_map<(d0, d1) -> (0, 0, 0)>
#map1 = affine_map<(d0, d1) -> (0, 0)>
module attributes {stable_mosaic.version = 14 : i64} {
  func.func @k(%arg0: i32, %arg1: i32, %arg2: memref<32x5x80xi32, #tpu.memory_space<hbm>>, %arg3: memref<80x128xf32, #tpu.memory_space<hbm>>, %arg4: memref<10240x128xf32, #tpu.memory_space<hbm>>, %arg5: memref<2x640x128xf32, #tpu.memory_space<hbm>>, %arg6: memref<5x80xi32, #tpu.memory_space<vmem>>, %arg7: memref<80x128xf32, #tpu.memory_space<vmem>>, %arg8: memref<640x128xf32, #tpu.memory_space<vmem_shared>>) attributes {dimension_semantics = [#tpu.dimension_semantics<core_parallel>, #tpu.dimension_semantics<subcore_parallel>], iteration_bounds = array<i64: 2, 16>, scalar_prefetch = 0 : i64, scratch_operands = 3 : i64, tpu.core_type = #tpu.core_type<sc_vector_subcore>, window_params = [{transform_indices = #map}, {transform_indices = #map1}, {transform_indices = #map1}, {transform_indices = #map}]} {
    %mul3A = arith.constant 2 : i32
    %mul3A_0 = arith.muli %arg1, %mul3A : i32
    %add3A = arith.addi %mul3A_0, %arg0 : i32
    %mul3A_1 = arith.constant 40 : i32
    %mul3A_2 = arith.muli %arg1, %mul3A_1 : i32
    "tpu.region"() ({
      %run_scoped3A = tpu.sem_alloc : memref<!tpu.dma_semaphore, #tpu.memory_space<semaphore_mem>>
      %dma_start3A = arith.constant 0 : i32
      %dma_start3A_9 = tpu.memref_slice %arg8[%mul3A_2, %dma_start3A] : memref<640x128xf32, #tpu.memory_space<vmem_shared>> -> memref<40x128xf32, #tpu.memory_space<vmem_shared>>
      %dma_start3A_10 = arith.constant 0 : i32
      %dma_start3A_11 = tpu.memref_slice %arg4[%mul3A_2, %dma_start3A_10] : memref<10240x128xf32, #tpu.memory_space<hbm>> -> memref<40x128xf32, #tpu.memory_space<hbm>>
      tpu.enqueue_dma source(%dma_start3A_11 : memref<40x128xf32, #tpu.memory_space<hbm>>) target(%dma_start3A_9 : memref<40x128xf32, #tpu.memory_space<vmem_shared>>) target_semaphore(%run_scoped3A : memref<!tpu.dma_semaphore, #tpu.memory_space<semaphore_mem>>)
      %dma_wait3A = arith.constant 0 : i32
      %dma_wait3A_12 = tpu.memref_slice %arg8[%mul3A_2, %dma_wait3A] : memref<640x128xf32, #tpu.memory_space<vmem_shared>> -> memref<40x128xf32, #tpu.memory_space<vmem_shared>>
      %dma_wait3A_13 = arith.constant 0 : i32
      %dma_wait3A_14 = tpu.memref_slice %arg4[%mul3A_2, %dma_wait3A_13] : memref<10240x128xf32, #tpu.memory_space<hbm>> -> memref<40x128xf32, #tpu.memory_space<hbm>>
      tpu.wait_dma2 semaphore(%run_scoped3A : memref<!tpu.dma_semaphore, #tpu.memory_space<semaphore_mem>>) src(%dma_wait3A_14 : memref<40x128xf32, #tpu.memory_space<hbm>>) dst(%dma_wait3A_12 : memref<40x128xf32, #tpu.memory_space<vmem_shared>>)
      tpu.yield
    }) : () -> ()
    "tpu.region"() ({
      %run_scoped3A = tpu.sem_alloc : memref<!tpu.dma_semaphore, #tpu.memory_space<semaphore_mem>>
      %dma_start3A = arith.constant 0 : i32
      %dma_start3A_9 = arith.constant 0 : i32
      %dma_start3A_10 = tpu.memref_slice %arg2[%add3A, %dma_start3A, %dma_start3A_9] : memref<32x5x80xi32, #tpu.memory_space<hbm>> -> memref<1x5x80xi32, #tpu.memory_space<hbm>>
      %dma_start3A_11 = tpu.memref_squeeze %dma_start3A_10 : memref<1x5x80xi32, #tpu.memory_space<hbm>> -> memref<5x80xi32, #tpu.memory_space<hbm>>
      %dma_start3A_12 = arith.constant 0 : i32
      %dma_start3A_13 = arith.constant 0 : i32
      %dma_start3A_14 = tpu.memref_slice %arg2[%add3A, %dma_start3A_12, %dma_start3A_13] : memref<32x5x80xi32, #tpu.memory_space<hbm>> -> memref<1x5x80xi32, #tpu.memory_space<hbm>>
      %dma_start3A_15 = tpu.memref_squeeze %dma_start3A_14 : memref<1x5x80xi32, #tpu.memory_space<hbm>> -> memref<5x80xi32, #tpu.memory_space<hbm>>
      tpu.enqueue_dma source(%dma_start3A_15 : memref<5x80xi32, #tpu.memory_space<hbm>>) target(%arg6 : memref<5x80xi32, #tpu.memory_space<vmem>>) target_semaphore(%run_scoped3A : memref<!tpu.dma_semaphore, #tpu.memory_space<semaphore_mem>>)
      %dma_wait3A = arith.constant 0 : i32
      %dma_wait3A_16 = arith.constant 0 : i32
      %dma_wait3A_17 = tpu.memref_slice %arg2[%add3A, %dma_wait3A, %dma_wait3A_16] : memref<32x5x80xi32, #tpu.memory_space<hbm>> -> memref<1x5x80xi32, #tpu.memory_space<hbm>>
      %dma_wait3A_18 = tpu.memref_squeeze %dma_wait3A_17 : memref<1x5x80xi32, #tpu.memory_space<hbm>> -> memref<5x80xi32, #tpu.memory_space<hbm>>
      %dma_wait3A_19 = arith.constant 0 : i32
      %dma_wait3A_20 = arith.constant 0 : i32
      %dma_wait3A_21 = tpu.memref_slice %arg2[%add3A, %dma_wait3A_19, %dma_wait3A_20] : memref<32x5x80xi32, #tpu.memory_space<hbm>> -> memref<1x5x80xi32, #tpu.memory_space<hbm>>
      %dma_wait3A_22 = tpu.memref_squeeze %dma_wait3A_21 : memref<1x5x80xi32, #tpu.memory_space<hbm>> -> memref<5x80xi32, #tpu.memory_space<hbm>>
      tpu.wait_dma2 semaphore(%run_scoped3A : memref<!tpu.dma_semaphore, #tpu.memory_space<semaphore_mem>>) src(%dma_wait3A_22 : memref<5x80xi32, #tpu.memory_space<hbm>>) dst(%arg6 : memref<5x80xi32, #tpu.memory_space<vmem>>)
      tpu.yield
    }) : () -> ()
    "tpu.region"() ({
      %run_scoped3A = tpu.sem_alloc : memref<!tpu.dma_semaphore, #tpu.memory_space<semaphore_mem>>
      tpu.enqueue_dma source(%arg3 : memref<80x128xf32, #tpu.memory_space<hbm>>) target(%arg7 : memref<80x128xf32, #tpu.memory_space<vmem>>) target_semaphore(%run_scoped3A : memref<!tpu.dma_semaphore, #tpu.memory_space<semaphore_mem>>)
      tpu.wait_dma2 semaphore(%run_scoped3A : memref<!tpu.dma_semaphore, #tpu.memory_space<semaphore_mem>>) src(%arg3 : memref<80x128xf32, #tpu.memory_space<hbm>>) dst(%arg7 : memref<80x128xf32, #tpu.memory_space<vmem>>)
      tpu.yield
    }) : () -> ()
    %barrier3A = arith.constant 0 : index
    tpu.barrier barrier_id(%barrier3A)
    %scan3A = arith.constant 0 : i32
    %scan3A_3 = arith.constant 0 : i32
    %scan3A_4 = arith.constant 4 : i32
    %scan3A_5 = arith.addi %scan3A_3, %scan3A_4 : i32
    %scan3A_6 = arith.constant 1 : i32
    scf.for %scan3A_9 = %scan3A_3 to %scan3A_5 step %scan3A_6  : i32 {
      "tpu.region"() ({
        %run_scoped3A = tpu.sem_alloc : memref<!tpu.dma_semaphore, #tpu.memory_space<semaphore_mem>>
        %dma_start3A = arith.constant 0 : i32
        %dma_start3A_10 = tpu.memref_slice %arg6[%scan3A_9, %dma_start3A] : memref<5x80xi32, #tpu.memory_space<vmem>> -> memref<1x80xi32, #tpu.memory_space<vmem>>
        %dma_start3A_11 = tpu.memref_squeeze %dma_start3A_10 : memref<1x80xi32, #tpu.memory_space<vmem>> -> memref<80xi32, #tpu.memory_space<vmem>>
        %dma_start3A_12 = arith.constant 0 : i32
        %dma_start3A_13 = arith.constant 0 : i32
        %dma_start3A_14 = tpu.memref_slice %arg8[%dma_start3A_12, %dma_start3A_13] : memref<640x128xf32, #tpu.memory_space<vmem_shared>> -> memref<640x128xf32, #tpu.memory_space<vmem_shared>>
        tpu.enqueue_indirect_dma source(%arg7 : memref<80x128xf32, #tpu.memory_space<vmem>>) target(%dma_start3A_14 : memref<640x128xf32, #tpu.memory_space<vmem_shared>>) offsets(%dma_start3A_11 : memref<80xi32, #tpu.memory_space<vmem>>) semaphore(%run_scoped3A : memref<!tpu.dma_semaphore, #tpu.memory_space<semaphore_mem>>) {add = true}
        %dma_wait3A = arith.constant 0 : i32
        %dma_wait3A_15 = tpu.memref_slice %arg6[%scan3A_9, %dma_wait3A] : memref<5x80xi32, #tpu.memory_space<vmem>> -> memref<1x80xi32, #tpu.memory_space<vmem>>
        %dma_wait3A_16 = tpu.memref_squeeze %dma_wait3A_15 : memref<1x80xi32, #tpu.memory_space<vmem>> -> memref<80xi32, #tpu.memory_space<vmem>>
        %dma_wait3A_17 = arith.constant 0 : i32
        %dma_wait3A_18 = arith.constant 0 : i32
        %dma_wait3A_19 = tpu.memref_slice %arg8[%dma_wait3A_17, %dma_wait3A_18] : memref<640x128xf32, #tpu.memory_space<vmem_shared>> -> memref<640x128xf32, #tpu.memory_space<vmem_shared>>
        tpu.wait_indirect_dma semaphore(%run_scoped3A : memref<!tpu.dma_semaphore, #tpu.memory_space<semaphore_mem>>) src(%arg7 : memref<80x128xf32, #tpu.memory_space<vmem>>) dst(%dma_wait3A_19 : memref<640x128xf32, #tpu.memory_space<vmem_shared>>)
        tpu.yield
      }) : () -> ()
    }
    %scan3A_7 = arith.constant 4 : i32
    %barrier3A_8 = arith.constant 0 : index
    tpu.barrier barrier_id(%barrier3A_8)
    "tpu.region"() ({
      %run_scoped3A = tpu.sem_alloc : memref<!tpu.dma_semaphore, #tpu.memory_space<semaphore_mem>>
      %dma_start3A = arith.constant 0 : i32
      %dma_start3A_9 = tpu.memref_slice %arg5[%arg0, %mul3A_2, %dma_start3A] : memref<2x640x128xf32, #tpu.memory_space<hbm>> -> memref<1x40x128xf32, #tpu.memory_space<hbm>>
      %dma_start3A_10 = tpu.memref_squeeze %dma_start3A_9 : memref<1x40x128xf32, #tpu.memory_space<hbm>> -> memref<40x128xf32, #tpu.memory_space<hbm>>
      %dma_start3A_11 = arith.constant 0 : i32
      %dma_start3A_12 = tpu.memref_slice %arg8[%mul3A_2, %dma_start3A_11] : memref<640x128xf32, #tpu.memory_space<vmem_shared>> -> memref<40x128xf32, #tpu.memory_space<vmem_shared>>
      tpu.enqueue_dma source(%dma_start3A_12 : memref<40x128xf32, #tpu.memory_space<vmem_shared>>) target(%dma_start3A_10 : memref<40x128xf32, #tpu.memory_space<hbm>>) target_semaphore(%run_scoped3A : memref<!tpu.dma_semaphore, #tpu.memory_space<semaphore_mem>>)
      %dma_wait3A = arith.constant 0 : i32
      %dma_wait3A_13 = tpu.memref_slice %arg5[%arg0, %mul3A_2, %dma_wait3A] : memref<2x640x128xf32, #tpu.memory_space<hbm>> -> memref<1x40x128xf32, #tpu.memory_space<hbm>>
      %dma_wait3A_14 = tpu.memref_squeeze %dma_wait3A_13 : memref<1x40x128xf32, #tpu.memory_space<hbm>> -> memref<40x128xf32, #tpu.memory_space<hbm>>
      %dma_wait3A_15 = arith.constant 0 : i32
      %dma_wait3A_16 = tpu.memref_slice %arg8[%mul3A_2, %dma_wait3A_15] : memref<640x128xf32, #tpu.memory_space<vmem_shared>> -> memref<40x128xf32, #tpu.memory_space<vmem_shared>>
      tpu.wait_dma2 semaphore(%run_scoped3A : memref<!tpu.dma_semaphore, #tpu.memory_space<semaphore_mem>>) src(%dma_wait3A_16 : memref<40x128xf32, #tpu.memory_space<vmem_shared>>) dst(%dma_wait3A_14 : memref<40x128xf32, #tpu.memory_space<hbm>>)
      tpu.yield
    }) : () -> ()
    return
  }
}

#map = affine_map<(d0, d1) -> (0, 0)>
#map1 = affine_map<(d0, d1) -> (0, 0, 0)>
module attributes {stable_mosaic.version = 14 : i64} {
  func.func @k(%arg0: i32, %arg1: i32, %arg2: memref<10000x128xf32, #tpu.memory_space<hbm>>, %arg3: memref<32x5x80xi32, #tpu.memory_space<hbm>>, %arg4: memref<32x5x80xi32, #tpu.memory_space<hbm>>, %arg5: memref<10240x128xf32, #tpu.memory_space<hbm>>, %arg6: memref<2x640x128xf32, #tpu.memory_space<hbm>>, %arg7: memref<5x80xi32, #tpu.memory_space<vmem>>, %arg8: memref<5x80xi32, #tpu.memory_space<vmem>>, %arg9: memref<80x128xf32, #tpu.memory_space<vmem>>, %arg10: memref<640x128xf32, #tpu.memory_space<vmem_shared>>, %arg11: memref<!tpu.dma_semaphore, #tpu.memory_space<semaphore_mem>>) attributes {dimension_semantics = [#tpu.dimension_semantics<core_parallel>, #tpu.dimension_semantics<subcore_parallel>], iteration_bounds = array<i64: 2, 16>, scalar_prefetch = 0 : i64, scratch_operands = 5 : i64, tpu.core_type = #tpu.core_type<sc_vector_subcore>, window_params = [{transform_indices = #map}, {transform_indices = #map1}, {transform_indices = #map1}, {transform_indices = #map}, {transform_indices = #map1}]} {
    %mul3A = arith.constant 2 : i32
    %mul3A_0 = arith.muli %arg1, %mul3A : i32
    %add3A = arith.addi %mul3A_0, %arg0 : i32
    %mul3A_1 = arith.constant 40 : i32
    %mul3A_2 = arith.muli %arg1, %mul3A_1 : i32
    "tpu.region"() ({
      %run_scoped3A = tpu.sem_alloc : memref<!tpu.dma_semaphore, #tpu.memory_space<semaphore_mem>>
      %dma_start3A = arith.constant 0 : i32
      %dma_start3A_9 = tpu.memref_slice %arg10[%mul3A_2, %dma_start3A] : memref<640x128xf32, #tpu.memory_space<vmem_shared>> -> memref<40x128xf32, #tpu.memory_space<vmem_shared>>
      %dma_start3A_10 = arith.constant 0 : i32
      %dma_start3A_11 = tpu.memref_slice %arg5[%mul3A_2, %dma_start3A_10] : memref<10240x128xf32, #tpu.memory_space<hbm>> -> memref<40x128xf32, #tpu.memory_space<hbm>>
      tpu.enqueue_dma source(%dma_start3A_11 : memref<40x128xf32, #tpu.memory_space<hbm>>) target(%dma_start3A_9 : memref<40x128xf32, #tpu.memory_space<vmem_shared>>) target_semaphore(%run_scoped3A : memref<!tpu.dma_semaphore, #tpu.memory_space<semaphore_mem>>)
      %dma_wait3A = arith.constant 0 : i32
      %dma_wait3A_12 = tpu.memref_slice %arg10[%mul3A_2, %dma_wait3A] : memref<640x128xf32, #tpu.memory_space<vmem_shared>> -> memref<40x128xf32, #tpu.memory_space<vmem_shared>>
      %dma_wait3A_13 = arith.constant 0 : i32
      %dma_wait3A_14 = tpu.memref_slice %arg5[%mul3A_2, %dma_wait3A_13] : memref<10240x128xf32, #tpu.memory_space<hbm>> -> memref<40x128xf32, #tpu.memory_space<hbm>>
      tpu.wait_dma2 semaphore(%run_scoped3A : memref<!tpu.dma_semaphore, #tpu.memory_space<semaphore_mem>>) src(%dma_wait3A_14 : memref<40x128xf32, #tpu.memory_space<hbm>>) dst(%dma_wait3A_12 : memref<40x128xf32, #tpu.memory_space<vmem_shared>>)
      tpu.yield
    }) : () -> ()
    "tpu.region"() ({
      %run_scoped3A = tpu.sem_alloc : memref<!tpu.dma_semaphore, #tpu.memory_space<semaphore_mem>>
      %dma_start3A = arith.constant 0 : i32
      %dma_start3A_9 = arith.constant 0 : i32
      %dma_start3A_10 = tpu.memref_slice %arg3[%add3A, %dma_start3A, %dma_start3A_9] : memref<32x5x80xi32, #tpu.memory_space<hbm>> -> memref<1x5x80xi32, #tpu.memory_space<hbm>>
      %dma_start3A_11 = tpu.memref_squeeze %dma_start3A_10 : memref<1x5x80xi32, #tpu.memory_space<hbm>> -> memref<5x80xi32, #tpu.memory_space<hbm>>
      %dma_start3A_12 = arith.constant 0 : i32
      %dma_start3A_13 = arith.constant 0 : i32
      %dma_start3A_14 = tpu.memref_slice %arg3[%add3A, %dma_start3A_12, %dma_start3A_13] : memref<32x5x80xi32, #tpu.memory_space<hbm>> -> memref<1x5x80xi32, #tpu.memory_space<hbm>>
      %dma_start3A_15 = tpu.memref_squeeze %dma_start3A_14 : memref<1x5x80xi32, #tpu.memory_space<hbm>> -> memref<5x80xi32, #tpu.memory_space<hbm>>
      tpu.enqueue_dma source(%dma_start3A_15 : memref<5x80xi32, #tpu.memory_space<hbm>>) target(%arg7 : memref<5x80xi32, #tpu.memory_space<vmem>>) target_semaphore(%run_scoped3A : memref<!tpu.dma_semaphore, #tpu.memory_space<semaphore_mem>>)
      %dma_wait3A = arith.constant 0 : i32
      %dma_wait3A_16 = arith.constant 0 : i32
      %dma_wait3A_17 = tpu.memref_slice %arg3[%add3A, %dma_wait3A, %dma_wait3A_16] : memref<32x5x80xi32, #tpu.memory_space<hbm>> -> memref<1x5x80xi32, #tpu.memory_space<hbm>>
      %dma_wait3A_18 = tpu.memref_squeeze %dma_wait3A_17 : memref<1x5x80xi32, #tpu.memory_space<hbm>> -> memref<5x80xi32, #tpu.memory_space<hbm>>
      %dma_wait3A_19 = arith.constant 0 : i32
      %dma_wait3A_20 = arith.constant 0 : i32
      %dma_wait3A_21 = tpu.memref_slice %arg3[%add3A, %dma_wait3A_19, %dma_wait3A_20] : memref<32x5x80xi32, #tpu.memory_space<hbm>> -> memref<1x5x80xi32, #tpu.memory_space<hbm>>
      %dma_wait3A_22 = tpu.memref_squeeze %dma_wait3A_21 : memref<1x5x80xi32, #tpu.memory_space<hbm>> -> memref<5x80xi32, #tpu.memory_space<hbm>>
      tpu.wait_dma2 semaphore(%run_scoped3A : memref<!tpu.dma_semaphore, #tpu.memory_space<semaphore_mem>>) src(%dma_wait3A_22 : memref<5x80xi32, #tpu.memory_space<hbm>>) dst(%arg7 : memref<5x80xi32, #tpu.memory_space<vmem>>)
      tpu.yield
    }) : () -> ()
    "tpu.region"() ({
      %run_scoped3A = tpu.sem_alloc : memref<!tpu.dma_semaphore, #tpu.memory_space<semaphore_mem>>
      %dma_start3A = arith.constant 0 : i32
      %dma_start3A_9 = arith.constant 0 : i32
      %dma_start3A_10 = tpu.memref_slice %arg4[%add3A, %dma_start3A, %dma_start3A_9] : memref<32x5x80xi32, #tpu.memory_space<hbm>> -> memref<1x5x80xi32, #tpu.memory_space<hbm>>
      %dma_start3A_11 = tpu.memref_squeeze %dma_start3A_10 : memref<1x5x80xi32, #tpu.memory_space<hbm>> -> memref<5x80xi32, #tpu.memory_space<hbm>>
      %dma_start3A_12 = arith.constant 0 : i32
      %dma_start3A_13 = arith.constant 0 : i32
      %dma_start3A_14 = tpu.memref_slice %arg4[%add3A, %dma_start3A_12, %dma_start3A_13] : memref<32x5x80xi32, #tpu.memory_space<hbm>> -> memref<1x5x80xi32, #tpu.memory_space<hbm>>
      %dma_start3A_15 = tpu.memref_squeeze %dma_start3A_14 : memref<1x5x80xi32, #tpu.memory_space<hbm>> -> memref<5x80xi32, #tpu.memory_space<hbm>>
      tpu.enqueue_dma source(%dma_start3A_15 : memref<5x80xi32, #tpu.memory_space<hbm>>) target(%arg8 : memref<5x80xi32, #tpu.memory_space<vmem>>) target_semaphore(%run_scoped3A : memref<!tpu.dma_semaphore, #tpu.memory_space<semaphore_mem>>)
      %dma_wait3A = arith.constant 0 : i32
      %dma_wait3A_16 = arith.constant 0 : i32
      %dma_wait3A_17 = tpu.memref_slice %arg4[%add3A, %dma_wait3A, %dma_wait3A_16] : memref<32x5x80xi32, #tpu.memory_space<hbm>> -> memref<1x5x80xi32, #tpu.memory_space<hbm>>
      %dma_wait3A_18 = tpu.memref_squeeze %dma_wait3A_17 : memref<1x5x80xi32, #tpu.memory_space<hbm>> -> memref<5x80xi32, #tpu.memory_space<hbm>>
      %dma_wait3A_19 = arith.constant 0 : i32
      %dma_wait3A_20 = arith.constant 0 : i32
      %dma_wait3A_21 = tpu.memref_slice %arg4[%add3A, %dma_wait3A_19, %dma_wait3A_20] : memref<32x5x80xi32, #tpu.memory_space<hbm>> -> memref<1x5x80xi32, #tpu.memory_space<hbm>>
      %dma_wait3A_22 = tpu.memref_squeeze %dma_wait3A_21 : memref<1x5x80xi32, #tpu.memory_space<hbm>> -> memref<5x80xi32, #tpu.memory_space<hbm>>
      tpu.wait_dma2 semaphore(%run_scoped3A : memref<!tpu.dma_semaphore, #tpu.memory_space<semaphore_mem>>) src(%dma_wait3A_22 : memref<5x80xi32, #tpu.memory_space<hbm>>) dst(%arg8 : memref<5x80xi32, #tpu.memory_space<vmem>>)
      tpu.yield
    }) : () -> ()
    %barrier3A = arith.constant 0 : index
    tpu.barrier barrier_id(%barrier3A)
    %scan3A = arith.constant 0 : i32
    %scan3A_3 = arith.constant 0 : i32
    %scan3A_4 = arith.constant 4 : i32
    %scan3A_5 = arith.addi %scan3A_3, %scan3A_4 : i32
    %scan3A_6 = arith.constant 1 : i32
    scf.for %scan3A_9 = %scan3A_3 to %scan3A_5 step %scan3A_6  : i32 {
      %dma_start3A = arith.constant 0 : i32
      %dma_start3A_10 = tpu.memref_slice %arg7[%scan3A_9, %dma_start3A] : memref<5x80xi32, #tpu.memory_space<vmem>> -> memref<1x80xi32, #tpu.memory_space<vmem>>
      %dma_start3A_11 = tpu.memref_squeeze %dma_start3A_10 : memref<1x80xi32, #tpu.memory_space<vmem>> -> memref<80xi32, #tpu.memory_space<vmem>>
      %dma_start3A_12 = arith.constant 0 : i32
      %dma_start3A_13 = arith.constant 0 : i32
      %dma_start3A_14 = tpu.memref_slice %arg2[%dma_start3A_12, %dma_start3A_13] : memref<10000x128xf32, #tpu.memory_space<hbm>> -> memref<10000x128xf32, #tpu.memory_space<hbm>>
      tpu.enqueue_indirect_dma source(%dma_start3A_14 : memref<10000x128xf32, #tpu.memory_space<hbm>>) target(%arg9 : memref<80x128xf32, #tpu.memory_space<vmem>>) offsets(%dma_start3A_11 : memref<80xi32, #tpu.memory_space<vmem>>) semaphore(%arg11 : memref<!tpu.dma_semaphore, #tpu.memory_space<semaphore_mem>>)
      %dma_wait3A = arith.constant 0 : i32
      %dma_wait3A_15 = tpu.memref_slice %arg7[%scan3A_9, %dma_wait3A] : memref<5x80xi32, #tpu.memory_space<vmem>> -> memref<1x80xi32, #tpu.memory_space<vmem>>
      %dma_wait3A_16 = tpu.memref_squeeze %dma_wait3A_15 : memref<1x80xi32, #tpu.memory_space<vmem>> -> memref<80xi32, #tpu.memory_space<vmem>>
      %dma_wait3A_17 = arith.constant 0 : i32
      %dma_wait3A_18 = arith.constant 0 : i32
      %dma_wait3A_19 = tpu.memref_slice %arg2[%dma_wait3A_17, %dma_wait3A_18] : memref<10000x128xf32, #tpu.memory_space<hbm>> -> memref<10000x128xf32, #tpu.memory_space<hbm>>
      tpu.wait_indirect_dma semaphore(%arg11 : memref<!tpu.dma_semaphore, #tpu.memory_space<semaphore_mem>>) src(%dma_wait3A_19 : memref<10000x128xf32, #tpu.memory_space<hbm>>) dst(%arg9 : memref<80x128xf32, #tpu.memory_space<vmem>>)
      "tpu.region"() ({
        %run_scoped3A = tpu.sem_alloc : memref<!tpu.dma_semaphore, #tpu.memory_space<semaphore_mem>>
        %dma_start3A_20 = arith.constant 0 : i32
        %dma_start3A_21 = tpu.memref_slice %arg8[%scan3A_9, %dma_start3A_20] : memref<5x80xi32, #tpu.memory_space<vmem>> -> memref<1x80xi32, #tpu.memory_space<vmem>>
        %dma_start3A_22 = tpu.memref_squeeze %dma_start3A_21 : memref<1x80xi32, #tpu.memory_space<vmem>> -> memref<80xi32, #tpu.memory_space<vmem>>
        %dma_start3A_23 = arith.constant 0 : i32
        %dma_start3A_24 = arith.constant 0 : i32
        %dma_start3A_25 = tpu.memref_slice %arg10[%dma_start3A_23, %dma_start3A_24] : memref<640x128xf32, #tpu.memory_space<vmem_shared>> -> memref<640x128xf32, #tpu.memory_space<vmem_shared>>
        tpu.enqueue_indirect_dma source(%arg9 : memref<80x128xf32, #tpu.memory_space<vmem>>) target(%dma_start3A_25 : memref<640x128xf32, #tpu.memory_space<vmem_shared>>) offsets(%dma_start3A_22 : memref<80xi32, #tpu.memory_space<vmem>>) semaphore(%run_scoped3A : memref<!tpu.dma_semaphore, #tpu.memory_space<semaphore_mem>>) {add = true}
        %dma_wait3A_26 = arith.constant 0 : i32
        %dma_wait3A_27 = tpu.memref_slice %arg8[%scan3A_9, %dma_wait3A_26] : memref<5x80xi32, #tpu.memory_space<vmem>> -> memref<1x80xi32, #tpu.memory_space<vmem>>
        %dma_wait3A_28 = tpu.memref_squeeze %dma_wait3A_27 : memref<1x80xi32, #tpu.memory_space<vmem>> -> memref<80xi32, #tpu.memory_space<vmem>>
        %dma_wait3A_29 = arith.constant 0 : i32
        %dma_wait3A_30 = arith.constant 0 : i32
        %dma_wait3A_31 = tpu.memref_slice %arg10[%dma_wait3A_29, %dma_wait3A_30] : memref<640x128xf32, #tpu.memory_space<vmem_shared>> -> memref<640x128xf32, #tpu.memory_space<vmem_shared>>
        tpu.wait_indirect_dma semaphore(%run_scoped3A : memref<!tpu.dma_semaphore, #tpu.memory_space<semaphore_mem>>) src(%arg9 : memref<80x128xf32, #tpu.memory_space<vmem>>) dst(%dma_wait3A_31 : memref<640x128xf32, #tpu.memory_space<vmem_shared>>)
        tpu.yield
      }) : () -> ()
    }
    %scan3A_7 = arith.constant 4 : i32
    %barrier3A_8 = arith.constant 0 : index
    tpu.barrier barrier_id(%barrier3A_8)
    "tpu.region"() ({
      %run_scoped3A = tpu.sem_alloc : memref<!tpu.dma_semaphore, #tpu.memory_space<semaphore_mem>>
      %dma_start3A = arith.constant 0 : i32
      %dma_start3A_9 = tpu.memref_slice %arg6[%arg0, %mul3A_2, %dma_start3A] : memref<2x640x128xf32, #tpu.memory_space<hbm>> -> memref<1x40x128xf32, #tpu.memory_space<hbm>>
      %dma_start3A_10 = tpu.memref_squeeze %dma_start3A_9 : memref<1x40x128xf32, #tpu.memory_space<hbm>> -> memref<40x128xf32, #tpu.memory_space<hbm>>
      %dma_start3A_11 = arith.constant 0 : i32
      %dma_start3A_12 = tpu.memref_slice %arg10[%mul3A_2, %dma_start3A_11] : memref<640x128xf32, #tpu.memory_space<vmem_shared>> -> memref<40x128xf32, #tpu.memory_space<vmem_shared>>
      tpu.enqueue_dma source(%dma_start3A_12 : memref<40x128xf32, #tpu.memory_space<vmem_shared>>) target(%dma_start3A_10 : memref<40x128xf32, #tpu.memory_space<hbm>>) target_semaphore(%run_scoped3A : memref<!tpu.dma_semaphore, #tpu.memory_space<semaphore_mem>>)
      %dma_wait3A = arith.constant 0 : i32
      %dma_wait3A_13 = tpu.memref_slice %arg6[%arg0, %mul3A_2, %dma_wait3A] : memref<2x640x128xf32, #tpu.memory_space<hbm>> -> memref<1x40x128xf32, #tpu.memory_space<hbm>>
      %dma_wait3A_14 = tpu.memref_squeeze %dma_wait3A_13 : memref<1x40x128xf32, #tpu.memory_space<hbm>> -> memref<40x128xf32, #tpu.memory_space<hbm>>
      %dma_wait3A_15 = arith.constant 0 : i32
      %dma_wait3A_16 = tpu.memref_slice %arg10[%mul3A_2, %dma_wait3A_15] : memref<640x128xf32, #tpu.memory_space<vmem_shared>> -> memref<40x128xf32, #tpu.memory_space<vmem_shared>>
      tpu.wait_dma2 semaphore(%run_scoped3A : memref<!tpu.dma_semaphore, #tpu.memory_space<semaphore_mem>>) src(%dma_wait3A_16 : memref<40x128xf32, #tpu.memory_space<vmem_shared>>) dst(%dma_wait3A_14 : memref<40x128xf32, #tpu.memory_space<hbm>>)
      tpu.yield
    }) : () -> ()
    return
  }
}

module attributes {stable_mosaic.version = 14 : i64} {
  func.func @_tc_init_body(%arg0: i32, %arg1: memref<2000x128xf32, #tpu.memory_space<vmem>>, %arg2: memref<128x128xf32, #tpu.memory_space<vmem>>, %arg3: memref<1x128xf32, #tpu.memory_space<vmem>>, %arg4: memref<2000x128xf32, #tpu.memory_space<vmem>>) attributes {dimension_semantics = [#tpu.dimension_semantics<arbitrary>], iteration_bounds = array<i64: 5>, scalar_prefetch = 0 : i64, scratch_operands = 0 : i64, tpu.core_type = #tpu.core_type<tc>, window_params = [{transform_indices = @transform_0, window_bounds = array<i64: 2000, 128>}, {pipeline_mode = #tpu.pipeline_mode<synchronous>, transform_indices = @transform_1, window_bounds = array<i64: 128, 128>}, {pipeline_mode = #tpu.pipeline_mode<synchronous>, transform_indices = @transform_2, window_bounds = array<i64: 1, 128>}, {transform_indices = @transform_3, window_bounds = array<i64: 2000, 128>}]} {
    %get3A = arith.constant 0 : index
    %get3A_0 = arith.constant 0 : index
    %get3A_1 = vector.load %arg1[%get3A, %get3A_0] : memref<2000x128xf32, #tpu.memory_space<vmem>>, vector<2000x128xf32>
    %get3A_2 = arith.constant 0 : index
    %get3A_3 = arith.constant 0 : index
    %get3A_4 = vector.load %arg2[%get3A_2, %get3A_3] : memref<128x128xf32, #tpu.memory_space<vmem>>, vector<128x128xf32>
    %dot_general3A = arith.constant dense<0.000000e+00> : vector<2000x128xf32>
    %dot_general3A_5 = tpu.matmul %get3A_1, %get3A_4, %dot_general3A {dimension_numbers = #tpu.dot_dimension_numbers<[1], [0], [0], [1], [0, 0, 1, 1], [], []>, transpose_lhs_hint = false} : vector<2000x128xf32>, vector<128x128xf32>, vector<2000x128xf32> -> vector<2000x128xf32>
    %get3A_6 = arith.constant 0 : index
    %get3A_7 = arith.constant 0 : index
    %get3A_8 = vector.load %arg3[%get3A_6, %get3A_7] : memref<1x128xf32, #tpu.memory_space<vmem>>, vector<1x128xf32>
    %add3A = vector.broadcast %get3A_8 : vector<1x128xf32> to vector<2000x128xf32>
    %add3A_9 = arith.addf %dot_general3A_5, %add3A : vector<2000x128xf32>
    %swap3A = arith.constant 0 : index
    %swap3A_10 = arith.constant 0 : index
    %swap3A_11 = vector.load %arg4[%swap3A, %swap3A_10] : memref<2000x128xf32, #tpu.memory_space<vmem>>, vector<2000x128xf32>
    tpu.vector_store %arg4[%swap3A, %swap3A_10], %add3A_9 {strides = array<i32>} : memref<2000x128xf32, #tpu.memory_space<vmem>>, vector<2000x128xf32>,
    return
  }
  func.func @transform_0(%arg0: i32) -> (i32, i32) {
    %c0_i32 = arith.constant 0 : i32
    %c0_i32_0 = arith.constant 0 : i32
    return %arg0, %c0_i32 : i32, i32
  }
  func.func @transform_1(%arg0: i32) -> (i32, i32) {
    %c0_i32 = arith.constant 0 : i32
    %c0_i32_0 = arith.constant 0 : i32
    %c0_i32_1 = arith.constant 0 : i32
    return %c0_i32, %c0_i32_0 : i32, i32
  }
  func.func @transform_2(%arg0: i32) -> (i32, i32) {
    %c0_i32 = arith.constant 0 : i32
    %c0_i32_0 = arith.constant 0 : i32
    %c0_i32_1 = arith.constant 0 : i32
    return %c0_i32, %c0_i32_0 : i32, i32
  }
  func.func @transform_3(%arg0: i32) -> (i32, i32) {
    %c0_i32 = arith.constant 0 : i32
    %c0_i32_0 = arith.constant 0 : i32
    return %arg0, %c0_i32 : i32, i32
  }
}

module attributes {stable_mosaic.version = 14 : i64} {
  func.func @_tc_layer_body(%arg0: i32, %arg1: memref<2000x128xf32, #tpu.memory_space<vmem>>, %arg2: memref<2000x128xf32, #tpu.memory_space<vmem>>, %arg3: memref<2000x128xf32, #tpu.memory_space<vmem>>, %arg4: memref<2000x128xf32, #tpu.memory_space<vmem>>, %arg5: memref<2000x128xf32, #tpu.memory_space<vmem>>, %arg6: memref<128x128xf32, #tpu.memory_space<vmem>>, %arg7: memref<1x128xf32, #tpu.memory_space<vmem>>, %arg8: memref<128x128xf32, #tpu.memory_space<vmem>>, %arg9: memref<1x128xf32, #tpu.memory_space<vmem>>, %arg10: memref<1x128xf32, #tpu.memory_space<vmem>>, %arg11: memref<128x128xf32, #tpu.memory_space<vmem>>, %arg12: memref<1x128xf32, #tpu.memory_space<vmem>>, %arg13: memref<128x128xf32, #tpu.memory_space<vmem>>, %arg14: memref<1x128xf32, #tpu.memory_space<vmem>>, %arg15: memref<1x128xf32, #tpu.memory_space<vmem>>, %arg16: memref<1x128xf32, #tpu.memory_space<vmem>>, %arg17: memref<2000x128xf32, #tpu.memory_space<vmem>>) attributes {dimension_semantics = [#tpu.dimension_semantics<arbitrary>], iteration_bounds = array<i64: 5>, scalar_prefetch = 0 : i64, scratch_operands = 0 : i64, tpu.core_type = #tpu.core_type<tc>, window_params = [{transform_indices = @transform_0, window_bounds = array<i64: 2000, 128>}, {transform_indices = @transform_1, window_bounds = array<i64: 2000, 128>}, {transform_indices = @transform_2, window_bounds = array<i64: 2000, 128>}, {transform_indices = @transform_3, window_bounds = array<i64: 2000, 128>}, {transform_indices = @transform_4, window_bounds = array<i64: 2000, 128>}, {pipeline_mode = #tpu.pipeline_mode<synchronous>, transform_indices = @transform_5, window_bounds = array<i64: 128, 128>}, {pipeline_mode = #tpu.pipeline_mode<synchronous>, transform_indices = @transform_6, window_bounds = array<i64: 1, 128>}, {pipeline_mode = #tpu.pipeline_mode<synchronous>, transform_indices = @transform_7, window_bounds = array<i64: 128, 128>}, {pipeline_mode = #tpu.pipeline_mode<synchronous>, transform_indices = @transform_8, window_bounds = array<i64: 1, 128>}, {pipeline_mode = #tpu.pipeline_mode<synchronous>, transform_indices = @transform_9, window_bounds = array<i64: 1, 128>}, {pipeline_mode = #tpu.pipeline_mode<synchronous>, transform_indices = @transform_10, window_bounds = array<i64: 128, 128>}, {pipeline_mode = #tpu.pipeline_mode<synchronous>, transform_indices = @transform_11, window_bounds = array<i64: 1, 128>}, {pipeline_mode = #tpu.pipeline_mode<synchronous>, transform_indices = @transform_12, window_bounds = array<i64: 128, 128>}, {pipeline_mode = #tpu.pipeline_mode<synchronous>, transform_indices = @transform_13, window_bounds = array<i64: 1, 128>}, {pipeline_mode = #tpu.pipeline_mode<synchronous>, transform_indices = @transform_14, window_bounds = array<i64: 1, 128>}, {pipeline_mode = #tpu.pipeline_mode<synchronous>, transform_indices = @transform_15, window_bounds = array<i64: 1, 128>}, {transform_indices = @transform_16, window_bounds = array<i64: 2000, 128>}]} {
    %get3A = arith.constant 0 : index
    %get3A_0 = arith.constant 0 : index
    %get3A_1 = vector.load %arg4[%get3A, %get3A_0] : memref<2000x128xf32, #tpu.memory_space<vmem>>, vector<2000x1xf32>
    %get3A_2 = arith.constant 0 : index
    %get3A_3 = arith.constant 0 : index
    %get3A_4 = vector.load %arg5[%get3A_2, %get3A_3] : memref<2000x128xf32, #tpu.memory_space<vmem>>, vector<2000x1xf32>
    %add3A = arith.addf %get3A_1, %get3A_4 : vector<2000x1xf32>
    %max3A = arith.constant 1.000000e+00 : f32
    %max3A_5 = vector.broadcast %max3A : f32 to vector<2000x1xf32>
    %max3A_6 = arith.maximumf %add3A, %max3A_5 : vector<2000x1xf32>
    %get3A_7 = arith.constant 0 : index
    %get3A_8 = arith.constant 0 : index
    %get3A_9 = vector.load %arg1[%get3A_7, %get3A_8] : memref<2000x128xf32, #tpu.memory_space<vmem>>, vector<2000x128xf32>
    %get3A_10 = arith.constant 0 : index
    %get3A_11 = arith.constant 0 : index
    %get3A_12 = vector.load %arg2[%get3A_10, %get3A_11] : memref<2000x128xf32, #tpu.memory_space<vmem>>, vector<2000x128xf32>
    %get3A_13 = arith.constant 0 : index
    %get3A_14 = arith.constant 0 : index
    %get3A_15 = vector.load %arg3[%get3A_13, %get3A_14] : memref<2000x128xf32, #tpu.memory_space<vmem>>, vector<2000x128xf32>
    %add3A_16 = arith.addf %get3A_12, %get3A_15 : vector<2000x128xf32>
    %div3A = vector.broadcast %max3A_6 : vector<2000x1xf32> to vector<2000x128xf32>
    %div3A_17 = arith.divf %add3A_16, %div3A : vector<2000x128xf32>
    %get3A_18 = arith.constant 0 : index
    %get3A_19 = arith.constant 0 : index
    %get3A_20 = vector.load %arg6[%get3A_18, %get3A_19] : memref<128x128xf32, #tpu.memory_space<vmem>>, vector<128x128xf32>
    %dot_general3A = arith.constant dense<0.000000e+00> : vector<2000x128xf32>
    %dot_general3A_21 = tpu.matmul %div3A_17, %get3A_20, %dot_general3A {dimension_numbers = #tpu.dot_dimension_numbers<[1], [0], [0], [1], [0, 0, 1, 1], [], []>, transpose_lhs_hint = false} : vector<2000x128xf32>, vector<128x128xf32>, vector<2000x128xf32> -> vector<2000x128xf32>
    %get3A_22 = arith.constant 0 : index
    %get3A_23 = arith.constant 0 : index
    %get3A_24 = vector.load %arg7[%get3A_22, %get3A_23] : memref<1x128xf32, #tpu.memory_space<vmem>>, vector<1x128xf32>
    %add3A_25 = vector.broadcast %get3A_24 : vector<1x128xf32> to vector<2000x128xf32>
    %add3A_26 = arith.addf %dot_general3A_21, %add3A_25 : vector<2000x128xf32>
    %get3A_27 = arith.constant 0 : index
    %get3A_28 = arith.constant 0 : index
    %get3A_29 = vector.load %arg8[%get3A_27, %get3A_28] : memref<128x128xf32, #tpu.memory_space<vmem>>, vector<128x128xf32>
    %dot_general3A_30 = arith.constant dense<0.000000e+00> : vector<2000x128xf32>
    %dot_general3A_31 = tpu.matmul %get3A_9, %get3A_29, %dot_general3A_30 {dimension_numbers = #tpu.dot_dimension_numbers<[1], [0], [0], [1], [0, 0, 1, 1], [], []>, transpose_lhs_hint = false} : vector<2000x128xf32>, vector<128x128xf32>, vector<2000x128xf32> -> vector<2000x128xf32>
    %add3A_32 = arith.addf %add3A_26, %dot_general3A_31 : vector<2000x128xf32>
    %add3A_33 = arith.addf %add3A_32, %get3A_9 : vector<2000x128xf32>
    %get3A_34 = arith.constant 0 : index
    %get3A_35 = arith.constant 0 : index
    %get3A_36 = vector.load %arg9[%get3A_34, %get3A_35] : memref<1x128xf32, #tpu.memory_space<vmem>>, vector<1x128xf32>
    %get3A_37 = arith.constant 0 : index
    %get3A_38 = arith.constant 0 : index
    %get3A_39 = vector.load %arg10[%get3A_37, %get3A_38] : memref<1x128xf32, #tpu.memory_space<vmem>>, vector<1x128xf32>
    %reduce_sum3A = arith.constant dense<0.000000e+00> : vector<2000xf32>
    %reduce_sum3A_40 = vector.multi_reduction <add>, %add3A_33, %reduce_sum3A [1] : vector<2000x128xf32> to vector<2000xf32>
    %broadcast_in_dim3A = vector.shape_cast %reduce_sum3A_40 : vector<2000xf32> to vector<2000x1xf32>
    %div3A_41 = arith.constant 1.280000e+02 : f32
    %div3A_42 = vector.broadcast %div3A_41 : f32 to vector<2000x1xf32>
    %div3A_43 = arith.divf %broadcast_in_dim3A, %div3A_42 : vector<2000x1xf32>
    %sub3A = vector.broadcast %div3A_43 : vector<2000x1xf32> to vector<2000x128xf32>
    %sub3A_44 = arith.subf %add3A_33, %sub3A : vector<2000x128xf32>
    %sub3A_45 = vector.broadcast %div3A_43 : vector<2000x1xf32> to vector<2000x128xf32>
    %sub3A_46 = arith.subf %add3A_33, %sub3A_45 : vector<2000x128xf32>
    %mul3A = arith.mulf %sub3A_44, %sub3A_46 : vector<2000x128xf32>
    %reduce_sum3A_47 = arith.constant dense<0.000000e+00> : vector<2000xf32>
    %reduce_sum3A_48 = vector.multi_reduction <add>, %mul3A, %reduce_sum3A_47 [1] : vector<2000x128xf32> to vector<2000xf32>
    %broadcast_in_dim3A_49 = vector.shape_cast %reduce_sum3A_48 : vector<2000xf32> to vector<2000x1xf32>
    %div3A_50 = arith.constant 1.280000e+02 : f32
    %div3A_51 = vector.broadcast %div3A_50 : f32 to vector<2000x1xf32>
    %div3A_52 = arith.divf %broadcast_in_dim3A_49, %div3A_51 : vector<2000x1xf32>
    %sub3A_53 = vector.broadcast %div3A_43 : vector<2000x1xf32> to vector<2000x128xf32>
    %sub3A_54 = arith.subf %add3A_33, %sub3A_53 : vector<2000x128xf32>
    %add3A_55 = arith.constant 9.99999974E-6 : f32
    %add3A_56 = vector.broadcast %add3A_55 : f32 to vector<2000x1xf32>
    %add3A_57 = arith.addf %div3A_52, %add3A_56 : vector<2000x1xf32>
    %sqrt3A = math.sqrt %add3A_57 : vector<2000x1xf32>
    %div3A_58 = vector.broadcast %sqrt3A : vector<2000x1xf32> to vector<2000x128xf32>
    %div3A_59 = arith.divf %sub3A_54, %div3A_58 : vector<2000x128xf32>
    %mul3A_60 = vector.broadcast %get3A_36 : vector<1x128xf32> to vector<2000x128xf32>
    %mul3A_61 = arith.mulf %div3A_59, %mul3A_60 : vector<2000x128xf32>
    %add3A_62 = vector.broadcast %get3A_39 : vector<1x128xf32> to vector<2000x128xf32>
    %add3A_63 = arith.addf %mul3A_61, %add3A_62 : vector<2000x128xf32>
    %get3A_64 = arith.constant 0 : index
    %get3A_65 = arith.constant 0 : index
    %get3A_66 = vector.load %arg11[%get3A_64, %get3A_65] : memref<128x128xf32, #tpu.memory_space<vmem>>, vector<128x128xf32>
    %dot_general3A_67 = arith.constant dense<0.000000e+00> : vector<2000x128xf32>
    %dot_general3A_68 = tpu.matmul %add3A_63, %get3A_66, %dot_general3A_67 {dimension_numbers = #tpu.dot_dimension_numbers<[1], [0], [0], [1], [0, 0, 1, 1], [], []>, transpose_lhs_hint = false} : vector<2000x128xf32>, vector<128x128xf32>, vector<2000x128xf32> -> vector<2000x128xf32>
    %get3A_69 = arith.constant 0 : index
    %get3A_70 = arith.constant 0 : index
    %get3A_71 = vector.load %arg12[%get3A_69, %get3A_70] : memref<1x128xf32, #tpu.memory_space<vmem>>, vector<1x128xf32>
    %add3A_72 = vector.broadcast %get3A_71 : vector<1x128xf32> to vector<2000x128xf32>
    %add3A_73 = arith.addf %dot_general3A_68, %add3A_72 : vector<2000x128xf32>
    %gt3A = arith.constant 0.000000e+00 : f32
    %gt3A_74 = vector.broadcast %gt3A : f32 to vector<2000x128xf32>
    %gt3A_75 = arith.cmpf ogt, %add3A_73, %gt3A_74 : vector<2000x128xf32>
    %min3A = arith.constant 0.000000e+00 : f32
    %min3A_76 = vector.broadcast %min3A : f32 to vector<2000x128xf32>
    %min3A_77 = arith.minimumf %add3A_73, %min3A_76 : vector<2000x128xf32>
    %exp3A = math.exp %min3A_77 : vector<2000x128xf32>
    %sub3A_78 = arith.constant 1.000000e+00 : f32
    %sub3A_79 = vector.broadcast %sub3A_78 : f32 to vector<2000x128xf32>
    %sub3A_80 = arith.subf %exp3A, %sub3A_79 : vector<2000x128xf32>
    %select_n3A = arith.select %gt3A_75, %add3A_73, %sub3A_80 : vector<2000x128xi1>, vector<2000x128xf32>
    %get3A_81 = arith.constant 0 : index
    %get3A_82 = arith.constant 0 : index
    %get3A_83 = vector.load %arg13[%get3A_81, %get3A_82] : memref<128x128xf32, #tpu.memory_space<vmem>>, vector<128x128xf32>
    %dot_general3A_84 = arith.constant dense<0.000000e+00> : vector<2000x128xf32>
    %dot_general3A_85 = tpu.matmul %select_n3A, %get3A_83, %dot_general3A_84 {dimension_numbers = #tpu.dot_dimension_numbers<[1], [0], [0], [1], [0, 0, 1, 1], [], []>, transpose_lhs_hint = false} : vector<2000x128xf32>, vector<128x128xf32>, vector<2000x128xf32> -> vector<2000x128xf32>
    %get3A_86 = arith.constant 0 : index
    %get3A_87 = arith.constant 0 : index
    %get3A_88 = vector.load %arg14[%get3A_86, %get3A_87] : memref<1x128xf32, #tpu.memory_space<vmem>>, vector<1x128xf32>
    %add3A_89 = vector.broadcast %get3A_88 : vector<1x128xf32> to vector<2000x128xf32>
    %add3A_90 = arith.addf %dot_general3A_85, %add3A_89 : vector<2000x128xf32>
    %add3A_91 = arith.addf %add3A_90, %add3A_63 : vector<2000x128xf32>
    %get3A_92 = arith.constant 0 : index
    %get3A_93 = arith.constant 0 : index
    %get3A_94 = vector.load %arg15[%get3A_92, %get3A_93] : memref<1x128xf32, #tpu.memory_space<vmem>>, vector<1x128xf32>
    %get3A_95 = arith.constant 0 : index
    %get3A_96 = arith.constant 0 : index
    %get3A_97 = vector.load %arg16[%get3A_95, %get3A_96] : memref<1x128xf32, #tpu.memory_space<vmem>>, vector<1x128xf32>
    %reduce_sum3A_98 = arith.constant dense<0.000000e+00> : vector<2000xf32>
    %reduce_sum3A_99 = vector.multi_reduction <add>, %add3A_91, %reduce_sum3A_98 [1] : vector<2000x128xf32> to vector<2000xf32>
    %broadcast_in_dim3A_100 = vector.shape_cast %reduce_sum3A_99 : vector<2000xf32> to vector<2000x1xf32>
    %div3A_101 = arith.constant 1.280000e+02 : f32
    %div3A_102 = vector.broadcast %div3A_101 : f32 to vector<2000x1xf32>
    %div3A_103 = arith.divf %broadcast_in_dim3A_100, %div3A_102 : vector<2000x1xf32>
    %sub3A_104 = vector.broadcast %div3A_103 : vector<2000x1xf32> to vector<2000x128xf32>
    %sub3A_105 = arith.subf %add3A_91, %sub3A_104 : vector<2000x128xf32>
    %sub3A_106 = vector.broadcast %div3A_103 : vector<2000x1xf32> to vector<2000x128xf32>
    %sub3A_107 = arith.subf %add3A_91, %sub3A_106 : vector<2000x128xf32>
    %mul3A_108 = arith.mulf %sub3A_105, %sub3A_107 : vector<2000x128xf32>
    %reduce_sum3A_109 = arith.constant dense<0.000000e+00> : vector<2000xf32>
    %reduce_sum3A_110 = vector.multi_reduction <add>, %mul3A_108, %reduce_sum3A_109 [1] : vector<2000x128xf32> to vector<2000xf32>
    %broadcast_in_dim3A_111 = vector.shape_cast %reduce_sum3A_110 : vector<2000xf32> to vector<2000x1xf32>
    %div3A_112 = arith.constant 1.280000e+02 : f32
    %div3A_113 = vector.broadcast %div3A_112 : f32 to vector<2000x1xf32>
    %div3A_114 = arith.divf %broadcast_in_dim3A_111, %div3A_113 : vector<2000x1xf32>
    %sub3A_115 = vector.broadcast %div3A_103 : vector<2000x1xf32> to vector<2000x128xf32>
    %sub3A_116 = arith.subf %add3A_91, %sub3A_115 : vector<2000x128xf32>
    %add3A_117 = arith.constant 9.99999974E-6 : f32
    %add3A_118 = vector.broadcast %add3A_117 : f32 to vector<2000x1xf32>
    %add3A_119 = arith.addf %div3A_114, %add3A_118 : vector<2000x1xf32>
    %sqrt3A_120 = math.sqrt %add3A_119 : vector<2000x1xf32>
    %div3A_121 = vector.broadcast %sqrt3A_120 : vector<2000x1xf32> to vector<2000x128xf32>
    %div3A_122 = arith.divf %sub3A_116, %div3A_121 : vector<2000x128xf32>
    %mul3A_123 = vector.broadcast %get3A_94 : vector<1x128xf32> to vector<2000x128xf32>
    %mul3A_124 = arith.mulf %div3A_122, %mul3A_123 : vector<2000x128xf32>
    %add3A_125 = vector.broadcast %get3A_97 : vector<1x128xf32> to vector<2000x128xf32>
    %add3A_126 = arith.addf %mul3A_124, %add3A_125 : vector<2000x128xf32>
    %swap3A = arith.constant 0 : index
    %swap3A_127 = arith.constant 0 : index
    %swap3A_128 = vector.load %arg17[%swap3A, %swap3A_127] : memref<2000x128xf32, #tpu.memory_space<vmem>>, vector<2000x128xf32>
    tpu.vector_store %arg17[%swap3A, %swap3A_127], %add3A_126 {strides = array<i32>} : memref<2000x128xf32, #tpu.memory_space<vmem>>, vector<2000x128xf32>,
    return
  }
  func.func @transform_0(%arg0: i32) -> (i32, i32) {
    %c0_i32 = arith.constant 0 : i32
    %c0_i32_0 = arith.constant 0 : i32
    return %arg0, %c0_i32 : i32, i32
  }
  func.func @transform_1(%arg0: i32) -> (i32, i32) {
    %c0_i32 = arith.constant 0 : i32
    %c0_i32_0 = arith.constant 0 : i32
    return %arg0, %c0_i32 : i32, i32
  }
  func.func @transform_2(%arg0: i32) -> (i32, i32) {
    %c0_i32 = arith.constant 0 : i32
    %c0_i32_0 = arith.constant 0 : i32
    return %arg0, %c0_i32 : i32, i32
  }
  func.func @transform_3(%arg0: i32) -> (i32, i32) {
    %c0_i32 = arith.constant 0 : i32
    %c0_i32_0 = arith.constant 0 : i32
    return %arg0, %c0_i32 : i32, i32
  }
  func.func @transform_4(%arg0: i32) -> (i32, i32) {
    %c0_i32 = arith.constant 0 : i32
    %c0_i32_0 = arith.constant 0 : i32
    return %arg0, %c0_i32 : i32, i32
  }
  func.func @transform_5(%arg0: i32) -> (i32, i32) {
    %c0_i32 = arith.constant 0 : i32
    %c0_i32_0 = arith.constant 0 : i32
    %c0_i32_1 = arith.constant 0 : i32
    return %c0_i32, %c0_i32_0 : i32, i32
  }
  func.func @transform_6(%arg0: i32) -> (i32, i32) {
    %c0_i32 = arith.constant 0 : i32
    %c0_i32_0 = arith.constant 0 : i32
    %c0_i32_1 = arith.constant 0 : i32
    return %c0_i32, %c0_i32_0 : i32, i32
  }
  func.func @transform_7(%arg0: i32) -> (i32, i32) {
    %c0_i32 = arith.constant 0 : i32
    %c0_i32_0 = arith.constant 0 : i32
    %c0_i32_1 = arith.constant 0 : i32
    return %c0_i32, %c0_i32_0 : i32, i32
  }
  func.func @transform_8(%arg0: i32) -> (i32, i32) {
    %c0_i32 = arith.constant 0 : i32
    %c0_i32_0 = arith.constant 0 : i32
    %c0_i32_1 = arith.constant 0 : i32
    return %c0_i32, %c0_i32_0 : i32, i32
  }
  func.func @transform_9(%arg0: i32) -> (i32, i32) {
    %c0_i32 = arith.constant 0 : i32
    %c0_i32_0 = arith.constant 0 : i32
    %c0_i32_1 = arith.constant 0 : i32
    return %c0_i32, %c0_i32_0 : i32, i32
  }
  func.func @transform_10(%arg0: i32) -> (i32, i32) {
    %c0_i32 = arith.constant 0 : i32
    %c0_i32_0 = arith.constant 0 : i32
    %c0_i32_1 = arith.constant 0 : i32
    return %c0_i32, %c0_i32_0 : i32, i32
  }
  func.func @transform_11(%arg0: i32) -> (i32, i32) {
    %c0_i32 = arith.constant 0 : i32
    %c0_i32_0 = arith.constant 0 : i32
    %c0_i32_1 = arith.constant 0 : i32
    return %c0_i32, %c0_i32_0 : i32, i32
  }
  func.func @transform_12(%arg0: i32) -> (i32, i32) {
    %c0_i32 = arith.constant 0 : i32
    %c0_i32_0 = arith.constant 0 : i32
    %c0_i32_1 = arith.constant 0 : i32
    return %c0_i32, %c0_i32_0 : i32, i32
  }
  func.func @transform_13(%arg0: i32) -> (i32, i32) {
    %c0_i32 = arith.constant 0 : i32
    %c0_i32_0 = arith.constant 0 : i32
    %c0_i32_1 = arith.constant 0 : i32
    return %c0_i32, %c0_i32_0 : i32, i32
  }
  func.func @transform_14(%arg0: i32) -> (i32, i32) {
    %c0_i32 = arith.constant 0 : i32
    %c0_i32_0 = arith.constant 0 : i32
    %c0_i32_1 = arith.constant 0 : i32
    return %c0_i32, %c0_i32_0 : i32, i32
  }
  func.func @transform_15(%arg0: i32) -> (i32, i32) {
    %c0_i32 = arith.constant 0 : i32
    %c0_i32_0 = arith.constant 0 : i32
    %c0_i32_1 = arith.constant 0 : i32
    return %c0_i32, %c0_i32_0 : i32, i32
  }
  func.func @transform_16(%arg0: i32) -> (i32, i32) {
    %c0_i32 = arith.constant 0 : i32
    %c0_i32_0 = arith.constant 0 : i32
    return %arg0, %c0_i32 : i32, i32
  }
}

module attributes {stable_mosaic.version = 14 : i64} {
  func.func @_tc_final_body(%arg0: memref<512x128xf32, #tpu.memory_space<vmem>>, %arg1: memref<512x128xf32, #tpu.memory_space<vmem>>, %arg2: memref<512x128xf32, #tpu.memory_space<vmem>>, %arg3: memref<512x128xf32, #tpu.memory_space<vmem>>, %arg4: memref<512x104xf32, #tpu.memory_space<vmem>>, %arg5: memref<1x128xf32, #tpu.memory_space<vmem>>, %arg6: memref<1x128xf32, #tpu.memory_space<vmem>>, %arg7: memref<128x128xf32, #tpu.memory_space<vmem>>, %arg8: memref<1x128xf32, #tpu.memory_space<vmem>>, %arg9: memref<128x128xf32, #tpu.memory_space<vmem>>, %arg10: memref<1x128xf32, #tpu.memory_space<vmem>>, %arg11: memref<1x128xf32, #tpu.memory_space<vmem>>, %arg12: memref<1x128xf32, #tpu.memory_space<vmem>>, %arg13: memref<104x128xf32, #tpu.memory_space<vmem>>, %arg14: memref<1x128xf32, #tpu.memory_space<vmem>>, %arg15: memref<128x256xf32, #tpu.memory_space<vmem>>, %arg16: memref<128x256xf32, #tpu.memory_space<vmem>>, %arg17: memref<1x256xf32, #tpu.memory_space<vmem>>, %arg18: memref<256x256xf32, #tpu.memory_space<vmem>>, %arg19: memref<1x256xf32, #tpu.memory_space<vmem>>, %arg20: memref<256x256xf32, #tpu.memory_space<vmem>>, %arg21: memref<1x256xf32, #tpu.memory_space<vmem>>, %arg22: memref<256x128xf32, #tpu.memory_space<vmem>>, %arg23: memref<1x128xf32, #tpu.memory_space<vmem>>, %arg24: memref<512x128xf32, #tpu.memory_space<vmem>>) attributes {dimension_semantics = [], scalar_prefetch = 0 : i64, scratch_operands = 0 : i64, tpu.core_type = #tpu.core_type<tc>} {
    %get3A = arith.constant 0 : index
    %get3A_0 = arith.constant 0 : index
    %get3A_1 = vector.load %arg2[%get3A, %get3A_0] : memref<512x128xf32, #tpu.memory_space<vmem>>, vector<512x1xf32>
    %get3A_2 = arith.constant 0 : index
    %get3A_3 = arith.constant 0 : index
    %get3A_4 = vector.load %arg3[%get3A_2, %get3A_3] : memref<512x128xf32, #tpu.memory_space<vmem>>, vector<512x1xf32>
    %add3A = arith.addf %get3A_1, %get3A_4 : vector<512x1xf32>
    %max3A = arith.constant 1.000000e+00 : f32
    %max3A_5 = vector.broadcast %max3A : f32 to vector<512x1xf32>
    %max3A_6 = arith.maximumf %add3A, %max3A_5 : vector<512x1xf32>
    %get3A_7 = arith.constant 0 : index
    %get3A_8 = arith.constant 0 : index
    %get3A_9 = vector.load %arg0[%get3A_7, %get3A_8] : memref<512x128xf32, #tpu.memory_space<vmem>>, vector<512x128xf32>
    %get3A_10 = arith.constant 0 : index
    %get3A_11 = arith.constant 0 : index
    %get3A_12 = vector.load %arg1[%get3A_10, %get3A_11] : memref<512x128xf32, #tpu.memory_space<vmem>>, vector<512x128xf32>
    %add3A_13 = arith.addf %get3A_9, %get3A_12 : vector<512x128xf32>
    %div3A = vector.broadcast %max3A_6 : vector<512x1xf32> to vector<512x128xf32>
    %div3A_14 = arith.divf %add3A_13, %div3A : vector<512x128xf32>
    %get3A_15 = arith.constant 0 : index
    %get3A_16 = arith.constant 0 : index
    %get3A_17 = vector.load %arg5[%get3A_15, %get3A_16] : memref<1x128xf32, #tpu.memory_space<vmem>>, vector<1x128xf32>
    %get3A_18 = arith.constant 0 : index
    %get3A_19 = arith.constant 0 : index
    %get3A_20 = vector.load %arg6[%get3A_18, %get3A_19] : memref<1x128xf32, #tpu.memory_space<vmem>>, vector<1x128xf32>
    %reduce_sum3A = arith.constant dense<0.000000e+00> : vector<512xf32>
    %reduce_sum3A_21 = vector.multi_reduction <add>, %div3A_14, %reduce_sum3A [1] : vector<512x128xf32> to vector<512xf32>
    %broadcast_in_dim3A = vector.shape_cast %reduce_sum3A_21 : vector<512xf32> to vector<512x1xf32>
    %div3A_22 = arith.constant 1.280000e+02 : f32
    %div3A_23 = vector.broadcast %div3A_22 : f32 to vector<512x1xf32>
    %div3A_24 = arith.divf %broadcast_in_dim3A, %div3A_23 : vector<512x1xf32>
    %sub3A = vector.broadcast %div3A_24 : vector<512x1xf32> to vector<512x128xf32>
    %sub3A_25 = arith.subf %div3A_14, %sub3A : vector<512x128xf32>
    %sub3A_26 = vector.broadcast %div3A_24 : vector<512x1xf32> to vector<512x128xf32>
    %sub3A_27 = arith.subf %div3A_14, %sub3A_26 : vector<512x128xf32>
    %mul3A = arith.mulf %sub3A_25, %sub3A_27 : vector<512x128xf32>
    %reduce_sum3A_28 = arith.constant dense<0.000000e+00> : vector<512xf32>
    %reduce_sum3A_29 = vector.multi_reduction <add>, %mul3A, %reduce_sum3A_28 [1] : vector<512x128xf32> to vector<512xf32>
    %broadcast_in_dim3A_30 = vector.shape_cast %reduce_sum3A_29 : vector<512xf32> to vector<512x1xf32>
    %div3A_31 = arith.constant 1.280000e+02 : f32
    %div3A_32 = vector.broadcast %div3A_31 : f32 to vector<512x1xf32>
    %div3A_33 = arith.divf %broadcast_in_dim3A_30, %div3A_32 : vector<512x1xf32>
    %sub3A_34 = vector.broadcast %div3A_24 : vector<512x1xf32> to vector<512x128xf32>
    %sub3A_35 = arith.subf %div3A_14, %sub3A_34 : vector<512x128xf32>
    %add3A_36 = arith.constant 9.99999974E-6 : f32
    %add3A_37 = vector.broadcast %add3A_36 : f32 to vector<512x1xf32>
    %add3A_38 = arith.addf %div3A_33, %add3A_37 : vector<512x1xf32>
    %sqrt3A = math.sqrt %add3A_38 : vector<512x1xf32>
    %div3A_39 = vector.broadcast %sqrt3A : vector<512x1xf32> to vector<512x128xf32>
    %div3A_40 = arith.divf %sub3A_35, %div3A_39 : vector<512x128xf32>
    %mul3A_41 = vector.broadcast %get3A_17 : vector<1x128xf32> to vector<512x128xf32>
    %mul3A_42 = arith.mulf %div3A_40, %mul3A_41 : vector<512x128xf32>
    %add3A_43 = vector.broadcast %get3A_20 : vector<1x128xf32> to vector<512x128xf32>
    %add3A_44 = arith.addf %mul3A_42, %add3A_43 : vector<512x128xf32>
    %get3A_45 = arith.constant 0 : index
    %get3A_46 = arith.constant 0 : index
    %get3A_47 = vector.load %arg7[%get3A_45, %get3A_46] : memref<128x128xf32, #tpu.memory_space<vmem>>, vector<128x128xf32>
    %dot_general3A = arith.constant dense<0.000000e+00> : vector<512x128xf32>
    %dot_general3A_48 = tpu.matmul %add3A_44, %get3A_47, %dot_general3A {dimension_numbers = #tpu.dot_dimension_numbers<[1], [0], [0], [1], [0, 0, 1, 1], [], []>, transpose_lhs_hint = false} : vector<512x128xf32>, vector<128x128xf32>, vector<512x128xf32> -> vector<512x128xf32>
    %get3A_49 = arith.constant 0 : index
    %get3A_50 = arith.constant 0 : index
    %get3A_51 = vector.load %arg8[%get3A_49, %get3A_50] : memref<1x128xf32, #tpu.memory_space<vmem>>, vector<1x128xf32>
    %add3A_52 = vector.broadcast %get3A_51 : vector<1x128xf32> to vector<512x128xf32>
    %add3A_53 = arith.addf %dot_general3A_48, %add3A_52 : vector<512x128xf32>
    %gt3A = arith.constant 0.000000e+00 : f32
    %gt3A_54 = vector.broadcast %gt3A : f32 to vector<512x128xf32>
    %gt3A_55 = arith.cmpf ogt, %add3A_53, %gt3A_54 : vector<512x128xf32>
    %min3A = arith.constant 0.000000e+00 : f32
    %min3A_56 = vector.broadcast %min3A : f32 to vector<512x128xf32>
    %min3A_57 = arith.minimumf %add3A_53, %min3A_56 : vector<512x128xf32>
    %exp3A = math.exp %min3A_57 : vector<512x128xf32>
    %sub3A_58 = arith.constant 1.000000e+00 : f32
    %sub3A_59 = vector.broadcast %sub3A_58 : f32 to vector<512x128xf32>
    %sub3A_60 = arith.subf %exp3A, %sub3A_59 : vector<512x128xf32>
    %select_n3A = arith.select %gt3A_55, %add3A_53, %sub3A_60 : vector<512x128xi1>, vector<512x128xf32>
    %get3A_61 = arith.constant 0 : index
    %get3A_62 = arith.constant 0 : index
    %get3A_63 = vector.load %arg9[%get3A_61, %get3A_62] : memref<128x128xf32, #tpu.memory_space<vmem>>, vector<128x128xf32>
    %dot_general3A_64 = arith.constant dense<0.000000e+00> : vector<512x128xf32>
    %dot_general3A_65 = tpu.matmul %select_n3A, %get3A_63, %dot_general3A_64 {dimension_numbers = #tpu.dot_dimension_numbers<[1], [0], [0], [1], [0, 0, 1, 1], [], []>, transpose_lhs_hint = false} : vector<512x128xf32>, vector<128x128xf32>, vector<512x128xf32> -> vector<512x128xf32>
    %get3A_66 = arith.constant 0 : index
    %get3A_67 = arith.constant 0 : index
    %get3A_68 = vector.load %arg10[%get3A_66, %get3A_67] : memref<1x128xf32, #tpu.memory_space<vmem>>, vector<1x128xf32>
    %add3A_69 = vector.broadcast %get3A_68 : vector<1x128xf32> to vector<512x128xf32>
    %add3A_70 = arith.addf %dot_general3A_65, %add3A_69 : vector<512x128xf32>
    %add3A_71 = arith.addf %add3A_70, %add3A_44 : vector<512x128xf32>
    %get3A_72 = arith.constant 0 : index
    %get3A_73 = arith.constant 0 : index
    %get3A_74 = vector.load %arg11[%get3A_72, %get3A_73] : memref<1x128xf32, #tpu.memory_space<vmem>>, vector<1x128xf32>
    %get3A_75 = arith.constant 0 : index
    %get3A_76 = arith.constant 0 : index
    %get3A_77 = vector.load %arg12[%get3A_75, %get3A_76] : memref<1x128xf32, #tpu.memory_space<vmem>>, vector<1x128xf32>
    %reduce_sum3A_78 = arith.constant dense<0.000000e+00> : vector<512xf32>
    %reduce_sum3A_79 = vector.multi_reduction <add>, %add3A_71, %reduce_sum3A_78 [1] : vector<512x128xf32> to vector<512xf32>
    %broadcast_in_dim3A_80 = vector.shape_cast %reduce_sum3A_79 : vector<512xf32> to vector<512x1xf32>
    %div3A_81 = arith.constant 1.280000e+02 : f32
    %div3A_82 = vector.broadcast %div3A_81 : f32 to vector<512x1xf32>
    %div3A_83 = arith.divf %broadcast_in_dim3A_80, %div3A_82 : vector<512x1xf32>
    %sub3A_84 = vector.broadcast %div3A_83 : vector<512x1xf32> to vector<512x128xf32>
    %sub3A_85 = arith.subf %add3A_71, %sub3A_84 : vector<512x128xf32>
    %sub3A_86 = vector.broadcast %div3A_83 : vector<512x1xf32> to vector<512x128xf32>
    %sub3A_87 = arith.subf %add3A_71, %sub3A_86 : vector<512x128xf32>
    %mul3A_88 = arith.mulf %sub3A_85, %sub3A_87 : vector<512x128xf32>
    %reduce_sum3A_89 = arith.constant dense<0.000000e+00> : vector<512xf32>
    %reduce_sum3A_90 = vector.multi_reduction <add>, %mul3A_88, %reduce_sum3A_89 [1] : vector<512x128xf32> to vector<512xf32>
    %broadcast_in_dim3A_91 = vector.shape_cast %reduce_sum3A_90 : vector<512xf32> to vector<512x1xf32>
    %div3A_92 = arith.constant 1.280000e+02 : f32
    %div3A_93 = vector.broadcast %div3A_92 : f32 to vector<512x1xf32>
    %div3A_94 = arith.divf %broadcast_in_dim3A_91, %div3A_93 : vector<512x1xf32>
    %sub3A_95 = vector.broadcast %div3A_83 : vector<512x1xf32> to vector<512x128xf32>
    %sub3A_96 = arith.subf %add3A_71, %sub3A_95 : vector<512x128xf32>
    %add3A_97 = arith.constant 9.99999974E-6 : f32
    %add3A_98 = vector.broadcast %add3A_97 : f32 to vector<512x1xf32>
    %add3A_99 = arith.addf %div3A_94, %add3A_98 : vector<512x1xf32>
    %sqrt3A_100 = math.sqrt %add3A_99 : vector<512x1xf32>
    %div3A_101 = vector.broadcast %sqrt3A_100 : vector<512x1xf32> to vector<512x128xf32>
    %div3A_102 = arith.divf %sub3A_96, %div3A_101 : vector<512x128xf32>
    %mul3A_103 = vector.broadcast %get3A_74 : vector<1x128xf32> to vector<512x128xf32>
    %mul3A_104 = arith.mulf %div3A_102, %mul3A_103 : vector<512x128xf32>
    %add3A_105 = vector.broadcast %get3A_77 : vector<1x128xf32> to vector<512x128xf32>
    %add3A_106 = arith.addf %mul3A_104, %add3A_105 : vector<512x128xf32>
    %get3A_107 = arith.constant 0 : index
    %get3A_108 = arith.constant 0 : index
    %get3A_109 = vector.load %arg4[%get3A_107, %get3A_108] : memref<512x104xf32, #tpu.memory_space<vmem>>, vector<512x104xf32>
    %get3A_110 = arith.constant 0 : index
    %get3A_111 = arith.constant 0 : index
    %get3A_112 = vector.load %arg13[%get3A_110, %get3A_111] : memref<104x128xf32, #tpu.memory_space<vmem>>, vector<104x128xf32>
    %dot_general3A_113 = arith.constant dense<0.000000e+00> : vector<512x128xf32>
    %dot_general3A_114 = tpu.matmul %get3A_109, %get3A_112, %dot_general3A_113 {dimension_numbers = #tpu.dot_dimension_numbers<[1], [0], [0], [1], [0, 0, 1, 1], [], []>, transpose_lhs_hint = false} : vector<512x104xf32>, vector<104x128xf32>, vector<512x128xf32> -> vector<512x128xf32>
    %get3A_115 = arith.constant 0 : index
    %get3A_116 = arith.constant 0 : index
    %get3A_117 = vector.load %arg14[%get3A_115, %get3A_116] : memref<1x128xf32, #tpu.memory_space<vmem>>, vector<1x128xf32>
    %add3A_118 = vector.broadcast %get3A_117 : vector<1x128xf32> to vector<512x128xf32>
    %add3A_119 = arith.addf %dot_general3A_114, %add3A_118 : vector<512x128xf32>
    %get3A_120 = arith.constant 0 : index
    %get3A_121 = arith.constant 0 : index
    %get3A_122 = vector.load %arg15[%get3A_120, %get3A_121] : memref<128x256xf32, #tpu.memory_space<vmem>>, vector<128x256xf32>
    %dot_general3A_123 = arith.constant dense<0.000000e+00> : vector<512x256xf32>
    %dot_general3A_124 = tpu.matmul %add3A_106, %get3A_122, %dot_general3A_123 {dimension_numbers = #tpu.dot_dimension_numbers<[1], [0], [0], [1], [0, 0, 1, 1], [], []>, transpose_lhs_hint = false} : vector<512x128xf32>, vector<128x256xf32>, vector<512x256xf32> -> vector<512x256xf32>
    %get3A_125 = arith.constant 0 : index
    %get3A_126 = arith.constant 0 : index
    %get3A_127 = vector.load %arg16[%get3A_125, %get3A_126] : memref<128x256xf32, #tpu.memory_space<vmem>>, vector<128x256xf32>
    %dot_general3A_128 = arith.constant dense<0.000000e+00> : vector<512x256xf32>
    %dot_general3A_129 = tpu.matmul %add3A_119, %get3A_127, %dot_general3A_128 {dimension_numbers = #tpu.dot_dimension_numbers<[1], [0], [0], [1], [0, 0, 1, 1], [], []>, transpose_lhs_hint = false} : vector<512x128xf32>, vector<128x256xf32>, vector<512x256xf32> -> vector<512x256xf32>
    %add3A_130 = arith.addf %dot_general3A_124, %dot_general3A_129 : vector<512x256xf32>
    %get3A_131 = arith.constant 0 : index
    %get3A_132 = arith.constant 0 : index
    %get3A_133 = vector.load %arg17[%get3A_131, %get3A_132] : memref<1x256xf32, #tpu.memory_space<vmem>>, vector<1x256xf32>
    %add3A_134 = vector.broadcast %get3A_133 : vector<1x256xf32> to vector<512x256xf32>
    %add3A_135 = arith.addf %add3A_130, %add3A_134 : vector<512x256xf32>
    %gt3A_136 = arith.constant 0.000000e+00 : f32
    %gt3A_137 = vector.broadcast %gt3A_136 : f32 to vector<512x256xf32>
    %gt3A_138 = arith.cmpf ogt, %add3A_135, %gt3A_137 : vector<512x256xf32>
    %min3A_139 = arith.constant 0.000000e+00 : f32
    %min3A_140 = vector.broadcast %min3A_139 : f32 to vector<512x256xf32>
    %min3A_141 = arith.minimumf %add3A_135, %min3A_140 : vector<512x256xf32>
    %exp3A_142 = math.exp %min3A_141 : vector<512x256xf32>
    %sub3A_143 = arith.constant 1.000000e+00 : f32
    %sub3A_144 = vector.broadcast %sub3A_143 : f32 to vector<512x256xf32>
    %sub3A_145 = arith.subf %exp3A_142, %sub3A_144 : vector<512x256xf32>
    %select_n3A_146 = arith.select %gt3A_138, %add3A_135, %sub3A_145 : vector<512x256xi1>, vector<512x256xf32>
    %get3A_147 = arith.constant 0 : index
    %get3A_148 = arith.constant 0 : index
    %get3A_149 = vector.load %arg18[%get3A_147, %get3A_148] : memref<256x256xf32, #tpu.memory_space<vmem>>, vector<256x256xf32>
    %dot_general3A_150 = arith.constant dense<0.000000e+00> : vector<512x256xf32>
    %dot_general3A_151 = tpu.matmul %select_n3A_146, %get3A_149, %dot_general3A_150 {dimension_numbers = #tpu.dot_dimension_numbers<[1], [0], [0], [1], [0, 0, 1, 1], [], []>, transpose_lhs_hint = false} : vector<512x256xf32>, vector<256x256xf32>, vector<512x256xf32> -> vector<512x256xf32>
    %get3A_152 = arith.constant 0 : index
    %get3A_153 = arith.constant 0 : index
    %get3A_154 = vector.load %arg19[%get3A_152, %get3A_153] : memref<1x256xf32, #tpu.memory_space<vmem>>, vector<1x256xf32>
    %add3A_155 = vector.broadcast %get3A_154 : vector<1x256xf32> to vector<512x256xf32>
    %add3A_156 = arith.addf %dot_general3A_151, %add3A_155 : vector<512x256xf32>
    %gt3A_157 = arith.constant 0.000000e+00 : f32
    %gt3A_158 = vector.broadcast %gt3A_157 : f32 to vector<512x256xf32>
    %gt3A_159 = arith.cmpf ogt, %add3A_156, %gt3A_158 : vector<512x256xf32>
    %min3A_160 = arith.constant 0.000000e+00 : f32
    %min3A_161 = vector.broadcast %min3A_160 : f32 to vector<512x256xf32>
    %min3A_162 = arith.minimumf %add3A_156, %min3A_161 : vector<512x256xf32>
    %exp3A_163 = math.exp %min3A_162 : vector<512x256xf32>
    %sub3A_164 = arith.constant 1.000000e+00 : f32
    %sub3A_165 = vector.broadcast %sub3A_164 : f32 to vector<512x256xf32>
    %sub3A_166 = arith.subf %exp3A_163, %sub3A_165 : vector<512x256xf32>
    %select_n3A_167 = arith.select %gt3A_159, %add3A_156, %sub3A_166 : vector<512x256xi1>, vector<512x256xf32>
    %get3A_168 = arith.constant 0 : index
    %get3A_169 = arith.constant 0 : index
    %get3A_170 = vector.load %arg20[%get3A_168, %get3A_169] : memref<256x256xf32, #tpu.memory_space<vmem>>, vector<256x256xf32>
    %dot_general3A_171 = arith.constant dense<0.000000e+00> : vector<512x256xf32>
    %dot_general3A_172 = tpu.matmul %select_n3A_167, %get3A_170, %dot_general3A_171 {dimension_numbers = #tpu.dot_dimension_numbers<[1], [0], [0], [1], [0, 0, 1, 1], [], []>, transpose_lhs_hint = false} : vector<512x256xf32>, vector<256x256xf32>, vector<512x256xf32> -> vector<512x256xf32>
    %get3A_173 = arith.constant 0 : index
    %get3A_174 = arith.constant 0 : index
    %get3A_175 = vector.load %arg21[%get3A_173, %get3A_174] : memref<1x256xf32, #tpu.memory_space<vmem>>, vector<1x256xf32>
    %add3A_176 = vector.broadcast %get3A_175 : vector<1x256xf32> to vector<512x256xf32>
    %add3A_177 = arith.addf %dot_general3A_172, %add3A_176 : vector<512x256xf32>
    %gt3A_178 = arith.constant 0.000000e+00 : f32
    %gt3A_179 = vector.broadcast %gt3A_178 : f32 to vector<512x256xf32>
    %gt3A_180 = arith.cmpf ogt, %add3A_177, %gt3A_179 : vector<512x256xf32>
    %min3A_181 = arith.constant 0.000000e+00 : f32
    %min3A_182 = vector.broadcast %min3A_181 : f32 to vector<512x256xf32>
    %min3A_183 = arith.minimumf %add3A_177, %min3A_182 : vector<512x256xf32>
    %exp3A_184 = math.exp %min3A_183 : vector<512x256xf32>
    %sub3A_185 = arith.constant 1.000000e+00 : f32
    %sub3A_186 = vector.broadcast %sub3A_185 : f32 to vector<512x256xf32>
    %sub3A_187 = arith.subf %exp3A_184, %sub3A_186 : vector<512x256xf32>
    %select_n3A_188 = arith.select %gt3A_180, %add3A_177, %sub3A_187 : vector<512x256xi1>, vector<512x256xf32>
    %get3A_189 = arith.constant 0 : index
    %get3A_190 = arith.constant 0 : index
    %get3A_191 = vector.load %arg22[%get3A_189, %get3A_190] : memref<256x128xf32, #tpu.memory_space<vmem>>, vector<256x128xf32>
    %dot_general3A_192 = arith.constant dense<0.000000e+00> : vector<512x128xf32>
    %dot_general3A_193 = tpu.matmul %select_n3A_188, %get3A_191, %dot_general3A_192 {dimension_numbers = #tpu.dot_dimension_numbers<[1], [0], [0], [1], [0, 0, 1, 1], [], []>, transpose_lhs_hint = false} : vector<512x256xf32>, vector<256x128xf32>, vector<512x128xf32> -> vector<512x128xf32>
    %get3A_194 = arith.constant 0 : index
    %get3A_195 = arith.constant 0 : index
    %get3A_196 = vector.load %arg23[%get3A_194, %get3A_195] : memref<1x128xf32, #tpu.memory_space<vmem>>, vector<1x128xf32>
    %add3A_197 = vector.broadcast %get3A_196 : vector<1x128xf32> to vector<512x128xf32>
    %add3A_198 = arith.addf %dot_general3A_193, %add3A_197 : vector<512x128xf32>
    %swap3A = arith.constant 0 : index
    %swap3A_199 = arith.constant 0 : index
    %swap3A_200 = vector.load %arg24[%swap3A, %swap3A_199] : memref<512x128xf32, #tpu.memory_space<vmem>>, vector<512x128xf32>
    tpu.vector_store %arg24[%swap3A, %swap3A_199], %add3A_198 {strides = array<i32>} : memref<512x128xf32, #tpu.memory_space<vmem>>, vector<512x128xf32>,
    return
  }
}

</mosaic_0001>

<sc_bundles>
// kernel: kernel.13.cloned.1.call-start
scs
__scs_entry_jumppad:
0x0: {  	(pc) =	sbr.rel $0x88, $3  }
0x1: {  	(tag) =	ssettag $0x0;
	lr =	simm.s32 $0x1  }
0x2: {  	[smem:$0x3F68] =	sst lr;
	_ =	strace $0xD0000000  }
0x3: {  	_ = 	snop  }
0x4: {  	_ = 	snop  }
0x5: {  	_ = 	snop  }
0x6: {  	_ = 	snop  }
0x7: {  	_ = 	snop  }
__scs_overlays_trampoline_lowered:
0x8: {  	[smem:$0x3F77] =	sst s0  }
0x9: {  	[smem:$0x3F78] =	sst s1  }
0xa: {  	[smem:$0x3F79] =	sst s2  }
0xb: {  	[smem:$0x3F7A] =	sst s3  }
0xc: {  	[smem:$0x3F7B] =	sst s4  }
0xd: {  	[smem:$0x3F7C] =	sst s5  }
0xe: {  	[smem:$0x3F7D] =	sst s6  }
0xf: {  	[smem:$0x3F7E] =	sst s7  }
0x10: {  	[smem:$0x3F7F] =	sst s8  }
0x11: {  	[smem:$0x3F80] =	sst s9;
	s0 =	simm.s32 @!p0 $0x0  }
0x12: {  	s1 =	sld [smem:$0x3F66];
	s0 =	simm.s32 @p0 $0x1  }
0x13: {  	[smem:$0x3F81] =	sst s0;
	s0 =	simm.s32 @!p1 $0x0  }
0x14: {  	s2 =	sld [smem:$0x3F65];
	s0 =	simm.s32 @p1 $0x1  }
0x15: {  	[smem:$0x3F82] =	sst s0;
	s0 =	simm.s32 @!p2 $0x0  }
0x16: {  	s3 =	sld [smem:$0x3FDB];
	s0 =	simm.s32 @p2 $0x1  }
0x17: {  	s4 =	simm.s32 $0x1BF5;
	[smem:$0x3F84] =	sst s0  }
0x18: {  	s0 =	sld [smem:$0x3F67];
	_ =	swait.ge [sflag:s4], $0x0  }
0x19: {  	s7 =	sld [smem:$0x3F68]  }
0x1a: {  	s8 =	sadd.s32 $0xFFFFE003, lr  }
0x1b: {  	s9 =	sadd.s32 $0xFFFFFEF7, lr;
	s5 =	simm.s32 $0xFFFFFFFF;
	p2 =	slt.u32 s8, $0xFFFFF086  }
0x1c: {  	p1 =	slt.u32 s9, $0xF7A;
	s5 =	simm.s32 @!p2 $0x0  }
0x1d: {  	s5 =	simm.s32 @p1 $0x1;
	p0 =	seq.s32 s7, s2  }
0x1e: {  	s7 =	smul.u32 @!p0 $0xF7A, s2;
	p2 =	seq.s32 @!p0 s5, $0x0  }
0x1f: {  	s9 =	smul.u32 $0xF7A, s1;
	s8 =	simm.s32 @!p0 $0x1BF5;
	p2 =	por !p2, p0  }
0x20: {  	[sflag:s8] =	ssyncset.s32 @!p0 $0xFFFFF086;
	s6 =	sadd.s32 @!p0 s3, s7;
	s7 =	simm.s32 @!p0 $0x108  }
0x21: {  	s3 =	sadd.s32 s3, s9;
	s6 =	sadd.s32 @!p0 $0x88, s6;
	s7 =	simm.s32 @p2 $0x1082  }
0x22: {  	[simem:s7], [sflag:s8] =	dma.local @!p0 [hbm:s6], $0xF7A  }
0x23: {  	s9 =	sor.u32 $0xD0000000, s2;
	s6 =	simm.s32 $0x108;
	_ =	swait.ge @!p0 [sflag:s8], $0x0  }
0x24: {  	s3 =	sadd.s32 $0x88, s3;
	s6 =	simm.s32 @!p1 $0x1082;
	[sflag:s4] =	ssyncset.s32 $0xFFFFF086  }
0x25: {  	[simem:s6], [sflag:s4] =	dma.local [hbm:s3], $0xF7A  }
0x26: {  	[smem:$0x3F68] =	sst s1;
	(tag) =	ssettag s2;
	_ =	strace s9  }
0x27: {  	s1 =	sld [smem:$0x3F78]  }
0x28: {  	s2 =	sld [smem:$0x3F79]  }
0x29: {  	s4 =	sld [smem:$0x3F7B]  }
0x2a: {  	p0 =	seq.s32 s5, $0x0;
	s5 =	sld [smem:$0x3F7C]  }
0x2b: {  	s6 =	sld [smem:$0x3F7D]  }
0x2c: {  	s7 =	sld [smem:$0x3F7E]  }
0x2d: {  	s3 =	simm.s32 $0x108;
	s8 =	sld [smem:$0x3F7F]  }
0x2e: {  	s3 =	simm.s32 @!p0 $0x1082;
	s9 =	sld [smem:$0x3F80]  }
0x2f: {  	lr =	sadd.s32 s0, s3;
	s0 =	sld [smem:$0x3F77]  }
0x30: {  	s3 =	sld [smem:$0x3F7A]  }
0x31: {  	[smem:$0x3F83] =	sst s10  }
0x32: {  	s10 =	sld [smem:$0x3F81];
	_ =	sdelay $0x3  }
0x33: {  	p0 =	seq.s32 s10, $0x1;
	s10 =	sld [smem:$0x3F83];
	_ =	sdelay $0x3  }
0x34: {  	[smem:$0x3F83] =	sst s10  }
0x35: {  	s10 =	sld [smem:$0x3F82];
	_ =	sdelay $0x3  }
0x36: {  	p1 =	seq.s32 s10, $0x1;
	s10 =	sld [smem:$0x3F83];
	_ =	sdelay $0x3  }
0x37: {  	[smem:$0x3F83] =	sst s10  }
0x38: {  	s10 =	sld [smem:$0x3F84]  }
0x39: {  	_ = 	snop;
	(pc) =	sbr.ind lr, $3  }
0x3a: {  	_ = 	snop  }
0x3b: {  	_ = 	snop  }
0x3c: {  	p2 =	seq.s32 s10, $0x1;
	s10 =	sld [smem:$0x3F83]  }
0x3d: {  	_ =	shalt  }
0x3e: {  	_ =	shalt  }
0x3f: {  	_ =	shalt  }
0x40: {  	_ =	shalt  }
0x41: {  	_ =	shalt  }
0x42: {  	_ =	shalt  }
0x43: {  	_ =	shalt  }
0x44: {  	_ =	shalt  }
0x45: {  	_ =	shalt  }
0x46: {  	_ =	shalt  }
0x47: {  	_ =	shalt  }
0x48: {  	_ =	shalt  }
0x49: {  	_ =	shalt  }
0x4a: {  	_ =	shalt  }
0x4b: {  	_ =	shalt  }
0x4c: {  	_ =	shalt  }
0x4d: {  	_ =	shalt  }
0x4e: {  	_ =	shalt  }
0x4f: {  	_ =	shalt  }
0x50: {  	_ =	shalt  }
0x51: {  	_ =	shalt  }
0x52: {  	_ =	shalt  }
0x53: {  	_ =	shalt  }
0x54: {  	_ =	shalt  }
0x55: {  	_ =	shalt  }
0x56: {  	_ =	shalt  }
0x57: {  	_ =	shalt  }
0x58: {  	_ =	shalt  }
0x59: {  	_ =	shalt  }
0x5a: {  	_ =	shalt  }
0x5b: {  	_ =	shalt  }
0x5c: {  	_ =	shalt  }
0x5d: {  	_ =	shalt  }
0x5e: {  	_ =	shalt  }
0x5f: {  	_ =	shalt  }
0x60: {  	_ =	shalt  }
0x61: {  	_ =	shalt  }
0x62: {  	_ =	shalt  }
0x63: {  	_ =	shalt  }
0x64: {  	_ =	shalt  }
0x65: {  	_ =	shalt  }
0x66: {  	_ =	shalt  }
0x67: {  	_ =	shalt  }
0x68: {  	_ =	shalt  }
0x69: {  	_ =	shalt  }
0x6a: {  	_ =	shalt  }
0x6b: {  	_ =	shalt  }
0x6c: {  	_ =	shalt  }
0x6d: {  	_ =	shalt  }
0x6e: {  	_ =	shalt  }
0x6f: {  	_ =	shalt  }
0x70: {  	_ =	shalt  }
0x71: {  	_ =	shalt  }
0x72: {  	_ =	shalt  }
0x73: {  	_ =	shalt  }
0x74: {  	_ =	shalt  }
0x75: {  	_ =	shalt  }
0x76: {  	_ =	shalt  }
0x77: {  	_ =	shalt  }
0x78: {  	_ =	shalt  }
0x79: {  	_ =	shalt  }
0x7a: {  	_ =	shalt  }
0x7b: {  	_ =	shalt  }
0x7c: {  	_ =	shalt  }
0x7d: {  	_ =	shalt  }
0x7e: {  	_ =	shalt  }
0x7f: {  	_ =	shalt  }
0x80: {  	_ =	shalt  }
0x81: {  	_ =	shalt  }
0x82: {  	_ =	shalt  }
0x83: {  	_ =	shalt  }
0x84: {  	_ =	shalt  }
0x85: {  	_ =	shalt  }
0x86: {  	_ =	shalt  }
0x87: {  	_ =	shalt  }
.Lfunc_end0:
.L_simem_size_0:
called_computation_lowered:
.L_overlay_start_0:
0x88: {  	s2 =	sld [smem:$0x3FD9]  }
0x89: {  	s3 =	sld [smem:$0x3FFE];
	_ =	sdelay $0x1  }
0x8a: {  	s1 =	srdreg.scid  }
0x8b: {  	s0 =	sand.u32 $0x1, s1  }
0x8c: {  	s16 =	sshll.u32 s0, $0xA;
	s2 =	sadd.s32 s3, s2  }
0x8d: {  	s2 =	sadd.s32 s2, s16  }
0x8e: {  	[smem:$0x3F8F] =	sst s2  }
0x8f: {  	_ = 	snop  }
0x90: {  	(tm) =	ssettm $0x1  }
0x91: {  	s17 =	sld [smem:$0x3FFB];
	_ =	sdelay $0x3  }
0x92: {  	_ =	strace s17  }
0x93: {  	s2 =	sld [smem:$0x3FFC];
	_ =	sdelay $0x3  }
0x94: {  	_ =	strace s2  }
0x95: {  	s2 =	sld [smem:$0x3FFD];
	_ =	sdelay $0x3  }
0x96: {  	_ =	strace s2  }
0x97: {  	_ =	strace $0x8FFFFFFF  }
0x98: {  	s18 =	sld [smem:$0x3FDB];
	_ =	sdelay $0x1  }
0x99: {  	s19 =	simm.s32 $_scs_section_size  }
0x9a: {  	s4 =	simm.s32 $_size__tile_overlayer_lowered;
	s5 =	simm.s32 $_tile_overlayer_lowered  }
0x9b: {  	s22 =	simm.s32 $0x1BFF;
	s21 =	sshll.u32 s5, $0x1;
	s2 =	sadd.s32 s19, s18  }
0x9c: {  	s6 =	simm.s32 $0x0;
	s20 =	sshll.u32 s4, $0x1;
	s4 =	sadd.s32 s21, s2  }
0x9d: {  	[timem:s6], [sflag:s22] =	dma.local [hbm:s4], s20  }
0x9e: {  	_ =	swait.ge [sflag:s22], s20  }
0x9f: {  	s3 =	ssub.s32 $0x0, s20;
	[sflag:s22] =	ssyncset.done $0x0  }
0xa0: {  	[sflag:s22] =	ssyncadd.s32 s3;
	_ =	sdelay $0x1  }
0xa1: {  	s23 =	simm.s32 $0x1B8B  }
0xa2: {  	_ =	swait.ge [sflag:s23], $0x1  }
0xa3: {  	[sflag:s23] =	ssyncset.done $0x0  }
0xa4: {  	s25 =	simm.s32 $0x1B8E;
	s24 =	sld [smem:$0x3FFE];
	[sflag:s23] =	ssyncadd.s32 $0xFFFFFFFF  }
0xa5: {  	s26 =	simm.s32 $execute0_lowered;
	[smem:$0x3FD2] =	sst s25  }
0xa6: {  	s4 =	sshll.u32 s26, $0x1;
	_ =	strace $0x80000046;
	[dreg:$0x1] =	wrdreg $0xFFFFFFFF  }
0xa7: {  	s28 =	simm.s32 $_size_execute0_lowered;
	s2 =	sadd.s32 s2, s4;
	[dreg:$0x0] =	wrdreg $0x0  }
0xa8: {  	s4 =	sshll.u32 s28, $0x1;
	[dreg:$0x2] =	wrdreg s2  }
0xa9: {  	[dreg:$0x3] =	wrdreg s4  }
0xaa: {  	[dreg:$0x4] =	wrdreg $0xC0  }
0xab: {  	_ =	task [dreg:s6], $0x5FFFF  }
0xac: {  	[dreg:$0x1] =	wrdreg $0xFFFFFFFF  }
0xad: {  	[dreg:$0x0] =	wrdreg $0x60  }
0xae: {  	[dreg:$0x2] =	wrdreg s24  }
0xaf: {  	[dreg:$0x3] =	wrdreg $0x6C000  }
0xb0: {  	[dreg:$0x4] =	wrdreg $0x9  }
0xb1: {  	_ =	task.clear_ibuf [dreg:s6], $0x5FFFF;
	_ =	strace $0x90000046  }
0xb2: {  	s29 =	simm.s32 $0x9;
	_ =	strace $0x80000048  }
0xb3: {  	_ =	swait.ge [sflag:s29], $0x1  }
0xb4: {  	[sflag:s29] =	ssyncadd.s32 $0xFFFFFFFF  }
0xb5: {  	_ =	strace $0x90000048  }
0xb6: {  	_ =	sfence  }
0xb7: {  	s30 =	sld [smem:$0x0];
	_ =	sdelay $0x2  }
0xb8: {  	s31 =	sshll.u32 s1, $0xD;
	s1 =	sshrl.u32 s1, $0x2  }
0xb9: {  	s3 =	sand.u32 $0x4000, s31;
	s1 =	sadd.s32 s1, s30  }
0xba: {  	s0 =	sor.u32 s3, s0;
	s1 =	sshll.u32 s1, $0x11  }
0xbb: {  	s0 =	sor.u32 s1, s0  }
0xbc: {  	s0 =	sadd.s32 $0x8F2B, s0  }
0xbd: {  	[sflag:s0] =	ssyncadd.remote.s32 $0x1  }
0xbe: {  	_ =	sfence.sel $0xFFFF  }
0xbf: {  	[dreg:$0x0] =	wrdreg $0xFFFFFFFF;
	(pc) =	sbr.abs _section_cstart, $3  }
0xc0: {  	[dreg:$0x1] =	wrdreg $0xFFFFFFFF  }
0xc1: {  	_ =	task.clear_ibuf [dreg:s6], $0x2FFFF;
	_ =	strace $0x9FFFFFFF  }
0xc2: {  	(tm) =	ssettm $0x7FFFFFFF  }
0xc3: {  	_ =	shalt  }
tec
execute0_lowered:
.L_overlay_start_1:
0x0: {  	(tag) =	ssettag $0x1  }
0x1: {  	s1 =	srdreg.scid;
	s5 =	rddreg [dreg:$0x0]  }
0x2: {  	s0 =	stileid.u32;
	s2 =	rddreg [dreg:$0x1];
	s3 =	simm.s32 $0x0  }
0x3: {  	s14 =	simm.s32 $0x0;
	s6 =	sand.u32 $0x1, s1;
	s1 =	rddreg [dreg:$0x2]  }
0x4: {  	s28 =	sshll.u32 s0, $0x1;
	[smem:$0x7FF] =	sst s3;
	s7 =	smul.u32 $0x14000, s0  }
0x5: {  	s29 =	smul.u32 $0x50000, s0;
	s31 =	sshll.u32 s0, $0x6;
	s4 =	sor.u32 s6, s28  }
0x6: {  	_ =	strace $0x80000047;
	s8 =	smul.u32 $0x140000, s6;
	s6 =	ssub.s32 $0x2, s6  }
0x7: {  	s4 =	smul.u32 $0x580, s4;
	s10 =	sshrl.u32 s7, $0x3;
	s11 =	sshrl.u32 s6, $0x1  }
0x8: {  	s30 =	sshrl.u32 s29, $0x2;
	s7 =	sadd.s32 s7, s8;
	s10 =	sadd.s32 s10, s5  }
0x9: {  	s11 =	ssub.s32 s6, s11;
	s13 =	sadd.s32 s30, s2;
	s6 =	sor.u32 $0x1C01, s31  }
0xa: {  	s9 =	sadd.s32 s4, s5;
	s4 =	sadd.s32 $0x3E000, s5;
	s7 =	sshrl.u32 s7, $0x3  }
0xb: {  	s12 =	sadd.s32 s7, s5;
	s5 =	sadd.s32 $0x16000, s10;
	s7 =	sadd.s32 $0xB000, s9  }
0xc: {  	s9 =	smax.u32 s11, $0x1;
	s10 =	sshrl.u32 s13, $0x3;
	s11 =	simm.s32 $0x1  }
0xd: {  	s13 =	simm.s32 $0x80;
	s8 =	sadd.s32 $0x3E800, s12;
	s12 =	simm.s32 $0x2C00  }
.LBB2_1:
0xe: {  	[spmem:s10], [sflag:s6] =	dma.local [hbm:s5], $0x2800  }
0xf: {  	_ =	swait.ge [sflag:s11], $0x2800  }
0x10: {  	[sflag:s11] =	ssyncset.done $0x0  }
0x11: {  	[sflag:s11] =	ssyncadd.s32 $0xFFFFD800  }
0x12: {  	[tilespmem:s3], [sflag:$0x1] =	stream.linear.gather [hbm4b:s7+s3], $0x2880, $0x38;
	[tilespmem:$0x1AC00] =	vst v63  }
0x13: {  	_ =	swait.ge [sflag:s11], $0x2880  }
0x14: {  	[sflag:s11] =	ssyncset.done $0x0  }
0x15: {  	[sflag:s11] =	ssyncadd.s32 $0xFFFFD780  }
0x16: {  	[tilespmem:s12], [sflag:$0x1] =	stream.linear.gather [hbm4b:s4+s3], $0x4000, $0x38;
	[tilespmem:$0x1AC00] =	vst v63  }
0x17: {  	_ =	swait.ge [sflag:s11], $0x4000  }
0x18: {  	[sflag:s11] =	ssyncset.done $0x0  }
0x19: {  	[sflag:s11] =	ssyncadd.s32 $0xFFFFC000  }
0x1a: {  	s15 =	simm.s32 $0x0;
	[bflag:$0x0] =	sbarrier.arrive $0xFFFF  }
0x1b: {  	[spmem:s2] =	stream.indirect.scatter.add.f32 [tilespmem:s12], [sflag:$0x1], $0x80, s15, s13, $0xb8;
	[tilespmem:$0x1AC00] =	vst v63  }
0x1c: {  	_ =	swait.ge [sflag:s11], $0x4000  }
0x1d: {  	s15 =	simm.s32 $0x200;
	[sflag:s11] =	ssyncset.done $0x0  }
.LBB2_2:
0x1e: {  	s16 =	sshra.s32 s15, $0x2;
	[sflag:s11] =	ssyncadd.s32 $0xFFFFC000;
	p0 =	sne.s32 s15, $0x9E00  }
0x1f: {  	[spmem:s2] =	stream.indirect.scatter.add.f32 [tilespmem:s12], [sflag:$0x1], $0x80, s16, s13, $0xb8;
	[tilespmem:$0x1AC00] =	vst v63  }
.Ltmp0:
0x20: {  	_ = 	snop;
	(pc) =	sbr.rel @p0 .LBB2_2-.Ltmp0, $4  }
0x21: {  	_ = 	snop  }
0x22: {  	s15 =	sadd.s32 $0x200, s15  }
0x23: {  	_ =	swait.ge [sflag:s11], $0x4000  }
0x24: {  	[sflag:s11] =	ssyncset.done $0x0  }
0x25: {  	s14 =	sadd.s32 $0x1, s14  }
0x26: {  	[sflag:s11] =	ssyncadd.s32 $0xFFFFC000;
	p0 =	sne.s32 s14, s9  }
.Ltmp1:
0x27: {  	[bflag:$0x0] =	sbarrier.arrive $0xFFFF;
	(pc) =	sbr.rel @p0 .LBB2_1-.Ltmp1, $4  }
0x28: {  	[hbm:s8], [sflag:s6] =	dma.local [spmem:s10], $0x2800  }
0x29: {  	_ =	swait.ge [sflag:s11], $0x2800  }
0x2a: {  	[sflag:s11] =	ssyncset.done $0x0  }
0x2b: {  	[sflag:s11] =	ssyncadd.s32 $0xFFFFD800  }
0x2c: {  	_ =	sfence.sel $0x180000  }
0x2d: {  	[bflag:$0x0] =	sbarrier.arrive $0xFFFF  }
0x2e: {  	p0 =	sne.s32 s0, $0x0;
	_ =	strace $0x90000047  }
0x2f: {  	s0 =	sadd.s32 @!p0 $0x100000, s1;
	[bflag:$0x2] =	sbarrier.arrive $0xFFFF  }
0x30: {  	[sflag:s0] =	ssyncadd.tile.s32 @!p0 $0x1;
	_ =	shalt  }
.Lfunc_end2:
_tile_overlayer_lowered:
.L_overlay_start_2:
0x31: {  	(tag) =	ssettag $0x2  }
0x32: {  	s0 =	rddreg [dreg:$0x0];
	s2 =	stileid.u32  }
0x33: {  	s1 =	rddreg [dreg:$0x1];
	p0 =	sne.s32 s2, $0x0  }
0x34: {  	s3 =	rddreg [dreg:$0x2];
	[bflag:$0x3] =	sbarrier.arrive $0xFFFF;
	s2 =	simm.s32 @!p0 $0x1C01  }
0x35: {  	[timem:s3], [sflag:s2] =	dma.local @!p0 [hbm:s0], s1  }
0x36: {  	s0 =	simm.s32 @!p0 $0x1  }
0x37: {  	_ =	swait.ge @!p0 [sflag:s0], s1  }
0x38: {  	s1 =	ssub.s32 @!p0 $0x0, s1;
	[sflag:s0] =	ssyncset.done @!p0 $0x0  }
0x39: {  	[sflag:s0] =	ssyncadd.s32 @!p0 s1  }
0x3a: {  	[bflag:$0x3] =	sbarrier.arrive $0xFFFF  }
0x3b: {  	_ =	shalt  }

// kernel: kernel.16.cloned.1.call-start
scs
__scs_entry_jumppad:
0x0: {  	(pc) =	sbr.rel $0x88, $3  }
0x1: {  	(tag) =	ssettag $0x0;
	lr =	simm.s32 $0x1  }
0x2: {  	[smem:$0x3F68] =	sst lr;
	_ =	strace $0xD0000000  }
0x3: {  	_ = 	snop  }
0x4: {  	_ = 	snop  }
0x5: {  	_ = 	snop  }
0x6: {  	_ = 	snop  }
0x7: {  	_ = 	snop  }
__scs_overlays_trampoline_lowered:
0x8: {  	[smem:$0x3F77] =	sst s0  }
0x9: {  	[smem:$0x3F78] =	sst s1  }
0xa: {  	[smem:$0x3F79] =	sst s2  }
0xb: {  	[smem:$0x3F7A] =	sst s3  }
0xc: {  	[smem:$0x3F7B] =	sst s4  }
0xd: {  	[smem:$0x3F7C] =	sst s5  }
0xe: {  	[smem:$0x3F7D] =	sst s6  }
0xf: {  	[smem:$0x3F7E] =	sst s7  }
0x10: {  	[smem:$0x3F7F] =	sst s8  }
0x11: {  	[smem:$0x3F80] =	sst s9;
	s0 =	simm.s32 @!p0 $0x0  }
0x12: {  	s1 =	sld [smem:$0x3F66];
	s0 =	simm.s32 @p0 $0x1  }
0x13: {  	[smem:$0x3F81] =	sst s0;
	s0 =	simm.s32 @!p1 $0x0  }
0x14: {  	s2 =	sld [smem:$0x3F65];
	s0 =	simm.s32 @p1 $0x1  }
0x15: {  	[smem:$0x3F82] =	sst s0;
	s0 =	simm.s32 @!p2 $0x0  }
0x16: {  	s3 =	sld [smem:$0x3FDB];
	s0 =	simm.s32 @p2 $0x1  }
0x17: {  	s4 =	simm.s32 $0x1BF5;
	[smem:$0x3F84] =	sst s0  }
0x18: {  	s0 =	sld [smem:$0x3F67];
	_ =	swait.ge [sflag:s4], $0x0  }
0x19: {  	s7 =	sld [smem:$0x3F68]  }
0x1a: {  	s8 =	sadd.s32 $0xFFFFE003, lr  }
0x1b: {  	s9 =	sadd.s32 $0xFFFFFEF7, lr;
	s5 =	simm.s32 $0xFFFFFFFF;
	p2 =	slt.u32 s8, $0xFFFFF086  }
0x1c: {  	p1 =	slt.u32 s9, $0xF7A;
	s5 =	simm.s32 @!p2 $0x0  }
0x1d: {  	s5 =	simm.s32 @p1 $0x1;
	p0 =	seq.s32 s7, s2  }
0x1e: {  	s7 =	smul.u32 @!p0 $0xF7A, s2;
	p2 =	seq.s32 @!p0 s5, $0x0  }
0x1f: {  	s9 =	smul.u32 $0xF7A, s1;
	s8 =	simm.s32 @!p0 $0x1BF5;
	p2 =	por !p2, p0  }
0x20: {  	[sflag:s8] =	ssyncset.s32 @!p0 $0xFFFFF086;
	s6 =	sadd.s32 @!p0 s3, s7;
	s7 =	simm.s32 @!p0 $0x108  }
0x21: {  	s3 =	sadd.s32 s3, s9;
	s6 =	sadd.s32 @!p0 $0x88, s6;
	s7 =	simm.s32 @p2 $0x1082  }
0x22: {  	[simem:s7], [sflag:s8] =	dma.local @!p0 [hbm:s6], $0xF7A  }
0x23: {  	s9 =	sor.u32 $0xD0000000, s2;
	s6 =	simm.s32 $0x108;
	_ =	swait.ge @!p0 [sflag:s8], $0x0  }
0x24: {  	s3 =	sadd.s32 $0x88, s3;
	s6 =	simm.s32 @!p1 $0x1082;
	[sflag:s4] =	ssyncset.s32 $0xFFFFF086  }
0x25: {  	[simem:s6], [sflag:s4] =	dma.local [hbm:s3], $0xF7A  }
0x26: {  	[smem:$0x3F68] =	sst s1;
	(tag) =	ssettag s2;
	_ =	strace s9  }
0x27: {  	s1 =	sld [smem:$0x3F78]  }
0x28: {  	s2 =	sld [smem:$0x3F79]  }
0x29: {  	s4 =	sld [smem:$0x3F7B]  }
0x2a: {  	p0 =	seq.s32 s5, $0x0;
	s5 =	sld [smem:$0x3F7C]  }
0x2b: {  	s6 =	sld [smem:$0x3F7D]  }
0x2c: {  	s7 =	sld [smem:$0x3F7E]  }
0x2d: {  	s3 =	simm.s32 $0x108;
	s8 =	sld [smem:$0x3F7F]  }
0x2e: {  	s3 =	simm.s32 @!p0 $0x1082;
	s9 =	sld [smem:$0x3F80]  }
0x2f: {  	lr =	sadd.s32 s0, s3;
	s0 =	sld [smem:$0x3F77]  }
0x30: {  	s3 =	sld [smem:$0x3F7A]  }
0x31: {  	[smem:$0x3F83] =	sst s10  }
0x32: {  	s10 =	sld [smem:$0x3F81];
	_ =	sdelay $0x3  }
0x33: {  	p0 =	seq.s32 s10, $0x1;
	s10 =	sld [smem:$0x3F83];
	_ =	sdelay $0x3  }
0x34: {  	[smem:$0x3F83] =	sst s10  }
0x35: {  	s10 =	sld [smem:$0x3F82];
	_ =	sdelay $0x3  }
0x36: {  	p1 =	seq.s32 s10, $0x1;
	s10 =	sld [smem:$0x3F83];
	_ =	sdelay $0x3  }
0x37: {  	[smem:$0x3F83] =	sst s10  }
0x38: {  	s10 =	sld [smem:$0x3F84]  }
0x39: {  	_ = 	snop;
	(pc) =	sbr.ind lr, $3  }
0x3a: {  	_ = 	snop  }
0x3b: {  	_ = 	snop  }
0x3c: {  	p2 =	seq.s32 s10, $0x1;
	s10 =	sld [smem:$0x3F83]  }
0x3d: {  	_ =	shalt  }
0x3e: {  	_ =	shalt  }
0x3f: {  	_ =	shalt  }
0x40: {  	_ =	shalt  }
0x41: {  	_ =	shalt  }
0x42: {  	_ =	shalt  }
0x43: {  	_ =	shalt  }
0x44: {  	_ =	shalt  }
0x45: {  	_ =	shalt  }
0x46: {  	_ =	shalt  }
0x47: {  	_ =	shalt  }
0x48: {  	_ =	shalt  }
0x49: {  	_ =	shalt  }
0x4a: {  	_ =	shalt  }
0x4b: {  	_ =	shalt  }
0x4c: {  	_ =	shalt  }
0x4d: {  	_ =	shalt  }
0x4e: {  	_ =	shalt  }
0x4f: {  	_ =	shalt  }
0x50: {  	_ =	shalt  }
0x51: {  	_ =	shalt  }
0x52: {  	_ =	shalt  }
0x53: {  	_ =	shalt  }
0x54: {  	_ =	shalt  }
0x55: {  	_ =	shalt  }
0x56: {  	_ =	shalt  }
0x57: {  	_ =	shalt  }
0x58: {  	_ =	shalt  }
0x59: {  	_ =	shalt  }
0x5a: {  	_ =	shalt  }
0x5b: {  	_ =	shalt  }
0x5c: {  	_ =	shalt  }
0x5d: {  	_ =	shalt  }
0x5e: {  	_ =	shalt  }
0x5f: {  	_ =	shalt  }
0x60: {  	_ =	shalt  }
0x61: {  	_ =	shalt  }
0x62: {  	_ =	shalt  }
0x63: {  	_ =	shalt  }
0x64: {  	_ =	shalt  }
0x65: {  	_ =	shalt  }
0x66: {  	_ =	shalt  }
0x67: {  	_ =	shalt  }
0x68: {  	_ =	shalt  }
0x69: {  	_ =	shalt  }
0x6a: {  	_ =	shalt  }
0x6b: {  	_ =	shalt  }
0x6c: {  	_ =	shalt  }
0x6d: {  	_ =	shalt  }
0x6e: {  	_ =	shalt  }
0x6f: {  	_ =	shalt  }
0x70: {  	_ =	shalt  }
0x71: {  	_ =	shalt  }
0x72: {  	_ =	shalt  }
0x73: {  	_ =	shalt  }
0x74: {  	_ =	shalt  }
0x75: {  	_ =	shalt  }
0x76: {  	_ =	shalt  }
0x77: {  	_ =	shalt  }
0x78: {  	_ =	shalt  }
0x79: {  	_ =	shalt  }
0x7a: {  	_ =	shalt  }
0x7b: {  	_ =	shalt  }
0x7c: {  	_ =	shalt  }
0x7d: {  	_ =	shalt  }
0x7e: {  	_ =	shalt  }
0x7f: {  	_ =	shalt  }
0x80: {  	_ =	shalt  }
0x81: {  	_ =	shalt  }
0x82: {  	_ =	shalt  }
0x83: {  	_ =	shalt  }
0x84: {  	_ =	shalt  }
0x85: {  	_ =	shalt  }
0x86: {  	_ =	shalt  }
0x87: {  	_ =	shalt  }
.Lfunc_end0:
.L_simem_size_0:
called_computation.1_lowered:
.L_overlay_start_0:
0x88: {  	s2 =	sld [smem:$0x3FD9]  }
0x89: {  	s3 =	sld [smem:$0x3FFE];
	_ =	sdelay $0x1  }
0x8a: {  	s1 =	srdreg.scid  }
0x8b: {  	s0 =	sand.u32 $0x1, s1  }
0x8c: {  	s16 =	sshll.u32 s0, $0xA;
	s2 =	sadd.s32 s3, s2  }
0x8d: {  	s2 =	sadd.s32 s2, s16  }
0x8e: {  	[smem:$0x3F8F] =	sst s2  }
0x8f: {  	_ = 	snop  }
0x90: {  	(tm) =	ssettm $0x1  }
0x91: {  	s17 =	sld [smem:$0x3FFB];
	_ =	sdelay $0x3  }
0x92: {  	_ =	strace s17  }
0x93: {  	s2 =	sld [smem:$0x3FFC];
	_ =	sdelay $0x3  }
0x94: {  	_ =	strace s2  }
0x95: {  	s2 =	sld [smem:$0x3FFD];
	_ =	sdelay $0x3  }
0x96: {  	_ =	strace s2  }
0x97: {  	_ =	strace $0x8FFFFFFF  }
0x98: {  	s18 =	sld [smem:$0x3FDB];
	_ =	sdelay $0x1  }
0x99: {  	s19 =	simm.s32 $_scs_section_size  }
0x9a: {  	s4 =	simm.s32 $_size__tile_overlayer_lowered;
	s5 =	simm.s32 $_tile_overlayer_lowered  }
0x9b: {  	s22 =	simm.s32 $0x1BFF;
	s21 =	sshll.u32 s5, $0x1;
	s2 =	sadd.s32 s19, s18  }
0x9c: {  	s6 =	simm.s32 $0x0;
	s20 =	sshll.u32 s4, $0x1;
	s4 =	sadd.s32 s21, s2  }
0x9d: {  	[timem:s6], [sflag:s22] =	dma.local [hbm:s4], s20  }
0x9e: {  	_ =	swait.ge [sflag:s22], s20  }
0x9f: {  	s3 =	ssub.s32 $0x0, s20;
	[sflag:s22] =	ssyncset.done $0x0  }
0xa0: {  	[sflag:s22] =	ssyncadd.s32 s3;
	_ =	sdelay $0x1  }
0xa1: {  	s23 =	simm.s32 $0x1B8B  }
0xa2: {  	_ =	swait.ge [sflag:s23], $0x1  }
0xa3: {  	[sflag:s23] =	ssyncset.done $0x0  }
0xa4: {  	s25 =	simm.s32 $0x1B8E;
	s24 =	sld [smem:$0x3FFE];
	[sflag:s23] =	ssyncadd.s32 $0xFFFFFFFF  }
0xa5: {  	s26 =	simm.s32 $execute0_lowered;
	[smem:$0x3FD2] =	sst s25  }
0xa6: {  	s4 =	sshll.u32 s26, $0x1;
	_ =	strace $0x80000049;
	[dreg:$0x1] =	wrdreg $0xFFFFFFFF  }
0xa7: {  	s28 =	simm.s32 $_size_execute0_lowered;
	s2 =	sadd.s32 s2, s4;
	[dreg:$0x0] =	wrdreg $0x0  }
0xa8: {  	s4 =	sshll.u32 s28, $0x1;
	[dreg:$0x2] =	wrdreg s2  }
0xa9: {  	[dreg:$0x3] =	wrdreg s4  }
0xaa: {  	[dreg:$0x4] =	wrdreg $0xC0  }
0xab: {  	_ =	task [dreg:s6], $0x5FFFF  }
0xac: {  	[dreg:$0x1] =	wrdreg $0xFFFFFFFF  }
0xad: {  	[dreg:$0x0] =	wrdreg $0x60  }
0xae: {  	[dreg:$0x2] =	wrdreg s24  }
0xaf: {  	[dreg:$0x3] =	wrdreg $0x98000  }
0xb0: {  	[dreg:$0x4] =	wrdreg $0x9  }
0xb1: {  	_ =	task.clear_ibuf [dreg:s6], $0x5FFFF;
	_ =	strace $0x90000049  }
0xb2: {  	s29 =	simm.s32 $0x9;
	_ =	strace $0x8000004B  }
0xb3: {  	_ =	swait.ge [sflag:s29], $0x1  }
0xb4: {  	[sflag:s29] =	ssyncadd.s32 $0xFFFFFFFF  }
0xb5: {  	_ =	strace $0x9000004B  }
0xb6: {  	_ =	sfence  }
0xb7: {  	s30 =	sld [smem:$0x0];
	_ =	sdelay $0x2  }
0xb8: {  	s31 =	sshll.u32 s1, $0xD;
	s1 =	sshrl.u32 s1, $0x2  }
0xb9: {  	s3 =	sand.u32 $0x4000, s31;
	s1 =	sadd.s32 s1, s30  }
0xba: {  	s0 =	sor.u32 s3, s0;
	s1 =	sshll.u32 s1, $0x11  }
0xbb: {  	s0 =	sor.u32 s1, s0  }
0xbc: {  	s0 =	sadd.s32 $0x8F2B, s0  }
0xbd: {  	[sflag:s0] =	ssyncadd.remote.s32 $0x1  }
0xbe: {  	_ =	sfence.sel $0xFFFF  }
0xbf: {  	[dreg:$0x0] =	wrdreg $0xFFFFFFFF;
	(pc) =	sbr.abs _section_cstart, $3  }
0xc0: {  	[dreg:$0x1] =	wrdreg $0xFFFFFFFF  }
0xc1: {  	_ =	task.clear_ibuf [dreg:s6], $0x2FFFF;
	_ =	strace $0x9FFFFFFF  }
0xc2: {  	(tm) =	ssettm $0x7FFFFFFF  }
0xc3: {  	_ =	shalt  }
tec
execute0_lowered:
.L_overlay_start_1:
0x0: {  	(tag) =	ssettag $0x1  }
0x1: {  	s1 =	srdreg.scid;
	s5 =	rddreg [dreg:$0x0]  }
0x2: {  	s0 =	stileid.u32;
	s2 =	rddreg [dreg:$0x1];
	s3 =	simm.s32 $0x0  }
0x3: {  	s14 =	simm.s32 $0x80;
	s15 =	simm.s32 $0x5800;
	s16 =	simm.s32 $0x1  }
0x4: {  	s17 =	simm.s32 $0x0;
	s6 =	sand.u32 $0x1, s1;
	s1 =	rddreg [dreg:$0x2]  }
0x5: {  	s26 =	sshll.u32 s0, $0x1;
	[smem:$0x7FF] =	sst s3;
	s8 =	smul.u32 $0x14000, s0  }
0x6: {  	s29 =	smul.u32 $0x50000, s0;
	s31 =	sshll.u32 s0, $0x6;
	s4 =	sor.u32 s6, s26  }
0x7: {  	_ =	strace $0x8000004A;
	s9 =	smul.u32 $0x140000, s6;
	s6 =	ssub.s32 $0x2, s6  }
0x8: {  	s7 =	smul.u32 $0x580, s4;
	s4 =	sadd.s32 $0x8E800, s5;
	s28 =	sshrl.u32 s8, $0x3  }
0x9: {  	s11 =	sshrl.u32 s6, $0x1;
	s30 =	sshrl.u32 s29, $0x2;
	s8 =	sadd.s32 s8, s9  }
0xa: {  	s11 =	ssub.s32 s6, s11;
	s13 =	sadd.s32 s30, s2;
	s6 =	sor.u32 $0x1C02, s31  }
0xb: {  	s10 =	sadd.s32 s7, s5;
	s7 =	sadd.s32 s28, s5;
	s8 =	sshrl.u32 s8, $0x3  }
0xc: {  	s12 =	sadd.s32 s8, s5;
	s5 =	sadd.s32 $0x16000, s7;
	s7 =	sadd.s32 $0xB5A00, s10  }
0xd: {  	s8 =	sadd.s32 $0xB000, s10;
	s10 =	smax.u32 s11, $0x1;
	s11 =	sshrl.u32 s13, $0x3  }
0xe: {  	s13 =	simm.s32 $0x2C00;
	s9 =	sadd.s32 $0xC0A00, s12;
	s12 =	simm.s32 $0x2  }
.LBB2_1:
0xf: {  	[spmem:s11], [sflag:s6] =	dma.local [hbm:s5], $0x2800  }
0x10: {  	_ =	swait.ge [sflag:s12], $0x2800  }
0x11: {  	[sflag:s12] =	ssyncset.done $0x0  }
0x12: {  	[sflag:s12] =	ssyncadd.s32 $0xFFFFD800  }
0x13: {  	[tilespmem:s3], [sflag:$0x2] =	stream.linear.gather [hbm4b:s7+s3], $0x2880, $0x38;
	[tilespmem:$0x1D800] =	vst v63  }
0x14: {  	_ =	swait.ge [sflag:s12], $0x2880  }
0x15: {  	[sflag:s12] =	ssyncset.done $0x0  }
0x16: {  	[sflag:s12] =	ssyncadd.s32 $0xFFFFD780  }
0x17: {  	[tilespmem:s13], [sflag:$0x2] =	stream.linear.gather [hbm4b:s8+s3], $0x2880, $0x38;
	[tilespmem:$0x1D800] =	vst v63  }
0x18: {  	_ =	swait.ge [sflag:s12], $0x2880  }
0x19: {  	[sflag:s12] =	ssyncset.done $0x0  }
0x1a: {  	[sflag:s12] =	ssyncadd.s32 $0xFFFFD780  }
0x1b: {  	s18 =	simm.s32 $0x0;
	[bflag:$0x0] =	sbarrier.arrive $0xFFFF  }
0x1c: {  	[tilespmem:s15], [sflag:$0x1] =	stream.indirect.gather [hbm4b:s4+s14], $0x80, s18, s14, $0xb8;
	[tilespmem:$0x1D800] =	vst v63  }
0x1d: {  	_ =	swait.ge [sflag:s16], $0x4000  }
0x1e: {  	[sflag:s16] =	ssyncset.done $0x0  }
0x1f: {  	s31 =	simm.s32 $0x2C00;
	[sflag:s16] =	ssyncadd.s32 $0xFFFFC000  }
0x20: {  	[spmem:s2] =	stream.indirect.scatter.add.f32 [tilespmem:s15], [sflag:$0x2], $0x80, s31, s14, $0xb8;
	[tilespmem:$0x1D800] =	vst v63  }
0x21: {  	_ =	swait.ge [sflag:s12], $0x4000  }
0x22: {  	s19 =	simm.s32 $0x400;
	s18 =	simm.s32 $0x200;
	[sflag:s12] =	ssyncset.done $0x0  }
.LBB2_2:
0x23: {  	s20 =	sshra.s32 s18, $0x2  }
0x24: {  	[sflag:s12] =	ssyncadd.s32 $0xFFFFC000;
	s18 =	smov.u32 s19;
	s21 =	sadd.s32 $0x200, s19  }
0x25: {  	[tilespmem:s15], [sflag:$0x1] =	stream.indirect.gather [hbm4b:s4+s14], $0x80, s20, s14, $0xb8;
	[tilespmem:$0x1D800] =	vst v63  }
0x26: {  	p0 =	sne.s32 s19, $0x9E00;
	_ =	swait.ge [sflag:s16], $0x4000  }
.Ltmp0:
0x27: {  	[sflag:s16] =	ssyncset.done $0x0;
	(pc) =	sbr.rel @p0 .LBB2_2-.Ltmp0, $4  }
0x28: {  	s19 =	sadd.s32 $0x2C00, s20;
	[sflag:s16] =	ssyncadd.s32 $0xFFFFC000  }
0x29: {  	[spmem:s2] =	stream.indirect.scatter.add.f32 [tilespmem:s15], [sflag:$0x2], $0x80, s19, s14, $0xb8;
	[tilespmem:$0x1D800] =	vst v63  }
0x2a: {  	_ =	swait.ge [sflag:s12], $0x4000  }
0x2b: {  	s19 =	smov.u32 s21;
	[sflag:s12] =	ssyncset.done $0x0  }
0x2c: {  	s18 =	sshra.s32 s18, $0x2;
	[sflag:s12] =	ssyncadd.s32 $0xFFFFC000  }
0x2d: {  	[tilespmem:s15], [sflag:$0x1] =	stream.indirect.gather [hbm4b:s4+s14], $0x80, s18, s14, $0xb8;
	[tilespmem:$0x1D800] =	vst v63  }
0x2e: {  	_ =	swait.ge [sflag:s16], $0x4000  }
0x2f: {  	[sflag:s16] =	ssyncset.done $0x0  }
0x30: {  	s18 =	sadd.s32 $0x2C00, s18;
	[sflag:s16] =	ssyncadd.s32 $0xFFFFC000  }
0x31: {  	[spmem:s2] =	stream.indirect.scatter.add.f32 [tilespmem:s15], [sflag:$0x2], $0x80, s18, s14, $0xb8;
	[tilespmem:$0x1D800] =	vst v63  }
0x32: {  	_ =	swait.ge [sflag:s12], $0x4000  }
0x33: {  	s17 =	sadd.s32 $0x1, s17;
	[sflag:s12] =	ssyncset.done $0x0  }
0x34: {  	p0 =	sne.s32 s17, s10;
	[sflag:s12] =	ssyncadd.s32 $0xFFFFC000  }
.Ltmp1:
0x35: {  	[bflag:$0x0] =	sbarrier.arrive $0xFFFF;
	(pc) =	sbr.rel @p0 .LBB2_1-.Ltmp1, $4  }
0x36: {  	[hbm:s9], [sflag:s6] =	dma.local [spmem:s11], $0x2800  }
0x37: {  	_ =	swait.ge [sflag:s12], $0x2800  }
0x38: {  	[sflag:s12] =	ssyncset.done $0x0  }
0x39: {  	[sflag:s12] =	ssyncadd.s32 $0xFFFFD800  }
0x3a: {  	_ =	sfence.sel $0x180000  }
0x3b: {  	[bflag:$0x0] =	sbarrier.arrive $0xFFFF  }
0x3c: {  	p0 =	sne.s32 s0, $0x0;
	_ =	strace $0x9000004A  }
0x3d: {  	s0 =	sadd.s32 @!p0 $0x100000, s1;
	[bflag:$0x2] =	sbarrier.arrive $0xFFFF  }
0x3e: {  	[sflag:s0] =	ssyncadd.tile.s32 @!p0 $0x1;
	_ =	shalt  }
.Lfunc_end2:
_tile_overlayer_lowered:
.L_overlay_start_2:
0x3f: {  	(tag) =	ssettag $0x2  }
0x40: {  	s0 =	rddreg [dreg:$0x0];
	s2 =	stileid.u32  }
0x41: {  	s1 =	rddreg [dreg:$0x1];
	p0 =	sne.s32 s2, $0x0  }
0x42: {  	s3 =	rddreg [dreg:$0x2];
	[bflag:$0x3] =	sbarrier.arrive $0xFFFF;
	s2 =	simm.s32 @!p0 $0x1C02  }
0x43: {  	[timem:s3], [sflag:s2] =	dma.local @!p0 [hbm:s0], s1  }
0x44: {  	s0 =	simm.s32 @!p0 $0x2  }
0x45: {  	_ =	swait.ge @!p0 [sflag:s0], s1  }
0x46: {  	s1 =	ssub.s32 @!p0 $0x0, s1;
	[sflag:s0] =	ssyncset.done @!p0 $0x0  }
0x47: {  	[sflag:s0] =	ssyncadd.s32 @!p0 s1  }
0x48: {  	[bflag:$0x3] =	sbarrier.arrive $0xFFFF  }
0x49: {  	_ =	shalt  }

// kernel: kernel.19.cloned.1.call-start
scs
__scs_entry_jumppad:
0x0: {  	(pc) =	sbr.rel $0x88, $3  }
0x1: {  	(tag) =	ssettag $0x0;
	lr =	simm.s32 $0x1  }
0x2: {  	[smem:$0x3F68] =	sst lr;
	_ =	strace $0xD0000000  }
0x3: {  	_ = 	snop  }
0x4: {  	_ = 	snop  }
0x5: {  	_ = 	snop  }
0x6: {  	_ = 	snop  }
0x7: {  	_ = 	snop  }
__scs_overlays_trampoline_lowered:
0x8: {  	[smem:$0x3F77] =	sst s0  }
0x9: {  	[smem:$0x3F78] =	sst s1  }
0xa: {  	[smem:$0x3F79] =	sst s2  }
0xb: {  	[smem:$0x3F7A] =	sst s3  }
0xc: {  	[smem:$0x3F7B] =	sst s4  }
0xd: {  	[smem:$0x3F7C] =	sst s5  }
0xe: {  	[smem:$0x3F7D] =	sst s6  }
0xf: {  	[smem:$0x3F7E] =	sst s7  }
0x10: {  	[smem:$0x3F7F] =	sst s8  }
0x11: {  	[smem:$0x3F80] =	sst s9;
	s0 =	simm.s32 @!p0 $0x0  }
0x12: {  	s1 =	sld [smem:$0x3F66];
	s0 =	simm.s32 @p0 $0x1  }
0x13: {  	[smem:$0x3F81] =	sst s0;
	s0 =	simm.s32 @!p1 $0x0  }
0x14: {  	s2 =	sld [smem:$0x3F65];
	s0 =	simm.s32 @p1 $0x1  }
0x15: {  	[smem:$0x3F82] =	sst s0;
	s0 =	simm.s32 @!p2 $0x0  }
0x16: {  	s3 =	sld [smem:$0x3FDB];
	s0 =	simm.s32 @p2 $0x1  }
0x17: {  	s4 =	simm.s32 $0x1BF5;
	[smem:$0x3F84] =	sst s0  }
0x18: {  	s0 =	sld [smem:$0x3F67];
	_ =	swait.ge [sflag:s4], $0x0  }
0x19: {  	s7 =	sld [smem:$0x3F68]  }
0x1a: {  	s8 =	sadd.s32 $0xFFFFE003, lr  }
0x1b: {  	s9 =	sadd.s32 $0xFFFFFEF7, lr;
	s5 =	simm.s32 $0xFFFFFFFF;
	p2 =	slt.u32 s8, $0xFFFFF086  }
0x1c: {  	p1 =	slt.u32 s9, $0xF7A;
	s5 =	simm.s32 @!p2 $0x0  }
0x1d: {  	s5 =	simm.s32 @p1 $0x1;
	p0 =	seq.s32 s7, s2  }
0x1e: {  	s7 =	smul.u32 @!p0 $0xF7A, s2;
	p2 =	seq.s32 @!p0 s5, $0x0  }
0x1f: {  	s9 =	smul.u32 $0xF7A, s1;
	s8 =	simm.s32 @!p0 $0x1BF5;
	p2 =	por !p2, p0  }
0x20: {  	[sflag:s8] =	ssyncset.s32 @!p0 $0xFFFFF086;
	s6 =	sadd.s32 @!p0 s3, s7;
	s7 =	simm.s32 @!p0 $0x108  }
0x21: {  	s3 =	sadd.s32 s3, s9;
	s6 =	sadd.s32 @!p0 $0x88, s6;
	s7 =	simm.s32 @p2 $0x1082  }
0x22: {  	[simem:s7], [sflag:s8] =	dma.local @!p0 [hbm:s6], $0xF7A  }
0x23: {  	s9 =	sor.u32 $0xD0000000, s2;
	s6 =	simm.s32 $0x108;
	_ =	swait.ge @!p0 [sflag:s8], $0x0  }
0x24: {  	s3 =	sadd.s32 $0x88, s3;
	s6 =	simm.s32 @!p1 $0x1082;
	[sflag:s4] =	ssyncset.s32 $0xFFFFF086  }
0x25: {  	[simem:s6], [sflag:s4] =	dma.local [hbm:s3], $0xF7A  }
0x26: {  	[smem:$0x3F68] =	sst s1;
	(tag) =	ssettag s2;
	_ =	strace s9  }
0x27: {  	s1 =	sld [smem:$0x3F78]  }
0x28: {  	s2 =	sld [smem:$0x3F79]  }
0x29: {  	s4 =	sld [smem:$0x3F7B]  }
0x2a: {  	p0 =	seq.s32 s5, $0x0;
	s5 =	sld [smem:$0x3F7C]  }
0x2b: {  	s6 =	sld [smem:$0x3F7D]  }
0x2c: {  	s7 =	sld [smem:$0x3F7E]  }
0x2d: {  	s3 =	simm.s32 $0x108;
	s8 =	sld [smem:$0x3F7F]  }
0x2e: {  	s3 =	simm.s32 @!p0 $0x1082;
	s9 =	sld [smem:$0x3F80]  }
0x2f: {  	lr =	sadd.s32 s0, s3;
	s0 =	sld [smem:$0x3F77]  }
0x30: {  	s3 =	sld [smem:$0x3F7A]  }
0x31: {  	[smem:$0x3F83] =	sst s10  }
0x32: {  	s10 =	sld [smem:$0x3F81];
	_ =	sdelay $0x3  }
0x33: {  	p0 =	seq.s32 s10, $0x1;
	s10 =	sld [smem:$0x3F83];
	_ =	sdelay $0x3  }
0x34: {  	[smem:$0x3F83] =	sst s10  }
0x35: {  	s10 =	sld [smem:$0x3F82];
	_ =	sdelay $0x3  }
0x36: {  	p1 =	seq.s32 s10, $0x1;
	s10 =	sld [smem:$0x3F83];
	_ =	sdelay $0x3  }
0x37: {  	[smem:$0x3F83] =	sst s10  }
0x38: {  	s10 =	sld [smem:$0x3F84]  }
0x39: {  	_ = 	snop;
	(pc) =	sbr.ind lr, $3  }
0x3a: {  	_ = 	snop  }
0x3b: {  	_ = 	snop  }
0x3c: {  	p2 =	seq.s32 s10, $0x1;
	s10 =	sld [smem:$0x3F83]  }
0x3d: {  	_ =	shalt  }
0x3e: {  	_ =	shalt  }
0x3f: {  	_ =	shalt  }
0x40: {  	_ =	shalt  }
0x41: {  	_ =	shalt  }
0x42: {  	_ =	shalt  }
0x43: {  	_ =	shalt  }
0x44: {  	_ =	shalt  }
0x45: {  	_ =	shalt  }
0x46: {  	_ =	shalt  }
0x47: {  	_ =	shalt  }
0x48: {  	_ =	shalt  }
0x49: {  	_ =	shalt  }
0x4a: {  	_ =	shalt  }
0x4b: {  	_ =	shalt  }
0x4c: {  	_ =	shalt  }
0x4d: {  	_ =	shalt  }
0x4e: {  	_ =	shalt  }
0x4f: {  	_ =	shalt  }
0x50: {  	_ =	shalt  }
0x51: {  	_ =	shalt  }
0x52: {  	_ =	shalt  }
0x53: {  	_ =	shalt  }
0x54: {  	_ =	shalt  }
0x55: {  	_ =	shalt  }
0x56: {  	_ =	shalt  }
0x57: {  	_ =	shalt  }
0x58: {  	_ =	shalt  }
0x59: {  	_ =	shalt  }
0x5a: {  	_ =	shalt  }
0x5b: {  	_ =	shalt  }
0x5c: {  	_ =	shalt  }
0x5d: {  	_ =	shalt  }
0x5e: {  	_ =	shalt  }
0x5f: {  	_ =	shalt  }
0x60: {  	_ =	shalt  }
0x61: {  	_ =	shalt  }
0x62: {  	_ =	shalt  }
0x63: {  	_ =	shalt  }
0x64: {  	_ =	shalt  }
0x65: {  	_ =	shalt  }
0x66: {  	_ =	shalt  }
0x67: {  	_ =	shalt  }
0x68: {  	_ =	shalt  }
0x69: {  	_ =	shalt  }
0x6a: {  	_ =	shalt  }
0x6b: {  	_ =	shalt  }
0x6c: {  	_ =	shalt  }
0x6d: {  	_ =	shalt  }
0x6e: {  	_ =	shalt  }
0x6f: {  	_ =	shalt  }
0x70: {  	_ =	shalt  }
0x71: {  	_ =	shalt  }
0x72: {  	_ =	shalt  }
0x73: {  	_ =	shalt  }
0x74: {  	_ =	shalt  }
0x75: {  	_ =	shalt  }
0x76: {  	_ =	shalt  }
0x77: {  	_ =	shalt  }
0x78: {  	_ =	shalt  }
0x79: {  	_ =	shalt  }
0x7a: {  	_ =	shalt  }
0x7b: {  	_ =	shalt  }
0x7c: {  	_ =	shalt  }
0x7d: {  	_ =	shalt  }
0x7e: {  	_ =	shalt  }
0x7f: {  	_ =	shalt  }
0x80: {  	_ =	shalt  }
0x81: {  	_ =	shalt  }
0x82: {  	_ =	shalt  }
0x83: {  	_ =	shalt  }
0x84: {  	_ =	shalt  }
0x85: {  	_ =	shalt  }
0x86: {  	_ =	shalt  }
0x87: {  	_ =	shalt  }
.Lfunc_end0:
.L_simem_size_0:
called_computation.2_lowered:
.L_overlay_start_0:
0x88: {  	s2 =	sld [smem:$0x3FD9]  }
0x89: {  	s3 =	sld [smem:$0x3FFE];
	_ =	sdelay $0x1  }
0x8a: {  	s1 =	srdreg.scid  }
0x8b: {  	s0 =	sand.u32 $0x1, s1  }
0x8c: {  	s16 =	sshll.u32 s0, $0xA;
	s2 =	sadd.s32 s3, s2  }
0x8d: {  	s2 =	sadd.s32 s2, s16  }
0x8e: {  	[smem:$0x3F8F] =	sst s2  }
0x8f: {  	_ = 	snop  }
0x90: {  	(tm) =	ssettm $0x1  }
0x91: {  	s17 =	sld [smem:$0x3FFB];
	_ =	sdelay $0x3  }
0x92: {  	_ =	strace s17  }
0x93: {  	s2 =	sld [smem:$0x3FFC];
	_ =	sdelay $0x3  }
0x94: {  	_ =	strace s2  }
0x95: {  	s2 =	sld [smem:$0x3FFD];
	_ =	sdelay $0x3  }
0x96: {  	_ =	strace s2  }
0x97: {  	_ =	strace $0x8FFFFFFF  }
0x98: {  	s18 =	sld [smem:$0x3FDB];
	_ =	sdelay $0x1  }
0x99: {  	s19 =	simm.s32 $_scs_section_size  }
0x9a: {  	s4 =	simm.s32 $_size__tile_overlayer_lowered;
	s5 =	simm.s32 $_tile_overlayer_lowered  }
0x9b: {  	s22 =	simm.s32 $0x1BFF;
	s21 =	sshll.u32 s5, $0x1;
	s2 =	sadd.s32 s19, s18  }
0x9c: {  	s6 =	simm.s32 $0x0;
	s20 =	sshll.u32 s4, $0x1;
	s4 =	sadd.s32 s21, s2  }
0x9d: {  	[timem:s6], [sflag:s22] =	dma.local [hbm:s4], s20  }
0x9e: {  	_ =	swait.ge [sflag:s22], s20  }
0x9f: {  	s3 =	ssub.s32 $0x0, s20;
	[sflag:s22] =	ssyncset.done $0x0  }
0xa0: {  	[sflag:s22] =	ssyncadd.s32 s3;
	_ =	sdelay $0x1  }
0xa1: {  	s23 =	simm.s32 $0x1B8B  }
0xa2: {  	_ =	swait.ge [sflag:s23], $0x1  }
0xa3: {  	[sflag:s23] =	ssyncset.done $0x0  }
0xa4: {  	s25 =	simm.s32 $0x1B8E;
	s24 =	sld [smem:$0x3FFE];
	[sflag:s23] =	ssyncadd.s32 $0xFFFFFFFF  }
0xa5: {  	s26 =	simm.s32 $execute0_lowered;
	[smem:$0x3FD2] =	sst s25  }
0xa6: {  	s4 =	sshll.u32 s26, $0x1;
	_ =	strace $0x8000004C;
	[dreg:$0x1] =	wrdreg $0xFFFFFFFF  }
0xa7: {  	s28 =	simm.s32 $_size_execute0_lowered;
	s2 =	sadd.s32 s2, s4;
	[dreg:$0x0] =	wrdreg $0x0  }
0xa8: {  	s4 =	sshll.u32 s28, $0x1;
	[dreg:$0x2] =	wrdreg s2  }
0xa9: {  	[dreg:$0x3] =	wrdreg s4  }
0xaa: {  	[dreg:$0x4] =	wrdreg $0xC0  }
0xab: {  	_ =	task [dreg:s6], $0x5FFFF  }
0xac: {  	[dreg:$0x1] =	wrdreg $0xFFFFFFFF  }
0xad: {  	[dreg:$0x0] =	wrdreg $0x60  }
0xae: {  	[dreg:$0x2] =	wrdreg s24  }
0xaf: {  	[dreg:$0x3] =	wrdreg $0x98000  }
0xb0: {  	[dreg:$0x4] =	wrdreg $0x9  }
0xb1: {  	_ =	task.clear_ibuf [dreg:s6], $0x5FFFF;
	_ =	strace $0x9000004C  }
0xb2: {  	s29 =	simm.s32 $0x9;
	_ =	strace $0x8000004E  }
0xb3: {  	_ =	swait.ge [sflag:s29], $0x1  }
0xb4: {  	[sflag:s29] =	ssyncadd.s32 $0xFFFFFFFF  }
0xb5: {  	_ =	strace $0x9000004E  }
0xb6: {  	_ =	sfence  }
0xb7: {  	s30 =	sld [smem:$0x0];
	_ =	sdelay $0x2  }
0xb8: {  	s31 =	sshll.u32 s1, $0xD;
	s1 =	sshrl.u32 s1, $0x2  }
0xb9: {  	s3 =	sand.u32 $0x4000, s31;
	s1 =	sadd.s32 s1, s30  }
0xba: {  	s0 =	sor.u32 s3, s0;
	s1 =	sshll.u32 s1, $0x11  }
0xbb: {  	s0 =	sor.u32 s1, s0  }
0xbc: {  	s0 =	sadd.s32 $0x8F2B, s0  }
0xbd: {  	[sflag:s0] =	ssyncadd.remote.s32 $0x1  }
0xbe: {  	_ =	sfence.sel $0xFFFF  }
0xbf: {  	[dreg:$0x0] =	wrdreg $0xFFFFFFFF;
	(pc) =	sbr.abs _section_cstart, $3  }
0xc0: {  	[dreg:$0x1] =	wrdreg $0xFFFFFFFF  }
0xc1: {  	_ =	task.clear_ibuf [dreg:s6], $0x2FFFF;
	_ =	strace $0x9FFFFFFF  }
0xc2: {  	(tm) =	ssettm $0x7FFFFFFF  }
0xc3: {  	_ =	shalt  }
tec
execute0_lowered:
.L_overlay_start_1:
0x0: {  	(tag) =	ssettag $0x1  }
0x1: {  	s1 =	srdreg.scid;
	s5 =	rddreg [dreg:$0x0]  }
0x2: {  	s0 =	stileid.u32;
	s2 =	rddreg [dreg:$0x1];
	s3 =	simm.s32 $0x0  }
0x3: {  	s14 =	simm.s32 $0x80;
	s15 =	simm.s32 $0x5800;
	s16 =	simm.s32 $0x1  }
0x4: {  	s17 =	simm.s32 $0x0;
	s6 =	sand.u32 $0x1, s1;
	s1 =	rddreg [dreg:$0x2]  }
0x5: {  	s26 =	sshll.u32 s0, $0x1;
	[smem:$0x7FF] =	sst s3;
	s8 =	smul.u32 $0x14000, s0  }
0x6: {  	s29 =	smul.u32 $0x50000, s0;
	s31 =	sshll.u32 s0, $0x6;
	s4 =	sor.u32 s6, s26  }
0x7: {  	_ =	strace $0x8000004D;
	s9 =	smul.u32 $0x140000, s6;
	s6 =	ssub.s32 $0x2, s6  }
0x8: {  	s7 =	smul.u32 $0x580, s4;
	s4 =	sadd.s32 $0x8E000, s5;
	s28 =	sshrl.u32 s8, $0x3  }
0x9: {  	s11 =	sshrl.u32 s6, $0x1;
	s30 =	sshrl.u32 s29, $0x2;
	s8 =	sadd.s32 s8, s9  }
0xa: {  	s11 =	ssub.s32 s6, s11;
	s13 =	sadd.s32 s30, s2;
	s6 =	sor.u32 $0x1C02, s31  }
0xb: {  	s10 =	sadd.s32 s7, s5;
	s7 =	sadd.s32 s28, s5;
	s8 =	sshrl.u32 s8, $0x3  }
0xc: {  	s12 =	sadd.s32 s8, s5;
	s5 =	sadd.s32 $0x16000, s7;
	s7 =	sadd.s32 $0xB5A00, s10  }
0xd: {  	s8 =	sadd.s32 $0xB000, s10;
	s10 =	smax.u32 s11, $0x1;
	s11 =	sshrl.u32 s13, $0x3  }
0xe: {  	s13 =	simm.s32 $0x2C00;
	s9 =	sadd.s32 $0xC0A00, s12;
	s12 =	simm.s32 $0x2  }
.LBB2_1:
0xf: {  	[spmem:s11], [sflag:s6] =	dma.local [hbm:s5], $0x2800  }
0x10: {  	_ =	swait.ge [sflag:s12], $0x2800  }
0x11: {  	[sflag:s12] =	ssyncset.done $0x0  }
0x12: {  	[sflag:s12] =	ssyncadd.s32 $0xFFFFD800  }
0x13: {  	[tilespmem:s3], [sflag:$0x2] =	stream.linear.gather [hbm4b:s7+s3], $0x2880, $0x38;
	[tilespmem:$0x1D800] =	vst v63  }
0x14: {  	_ =	swait.ge [sflag:s12], $0x2880  }
0x15: {  	[sflag:s12] =	ssyncset.done $0x0  }
0x16: {  	[sflag:s12] =	ssyncadd.s32 $0xFFFFD780  }
0x17: {  	[tilespmem:s13], [sflag:$0x2] =	stream.linear.gather [hbm4b:s8+s3], $0x2880, $0x38;
	[tilespmem:$0x1D800] =	vst v63  }
0x18: {  	_ =	swait.ge [sflag:s12], $0x2880  }
0x19: {  	[sflag:s12] =	ssyncset.done $0x0  }
0x1a: {  	[sflag:s12] =	ssyncadd.s32 $0xFFFFD780  }
0x1b: {  	s18 =	simm.s32 $0x0;
	[bflag:$0x0] =	sbarrier.arrive $0xFFFF  }
0x1c: {  	[tilespmem:s15], [sflag:$0x1] =	stream.indirect.gather [hbm4b:s4+s14], $0x80, s18, s14, $0xb8;
	[tilespmem:$0x1D800] =	vst v63  }
0x1d: {  	_ =	swait.ge [sflag:s16], $0x4000  }
0x1e: {  	[sflag:s16] =	ssyncset.done $0x0  }
0x1f: {  	s31 =	simm.s32 $0x2C00;
	[sflag:s16] =	ssyncadd.s32 $0xFFFFC000  }
0x20: {  	[spmem:s2] =	stream.indirect.scatter.add.f32 [tilespmem:s15], [sflag:$0x2], $0x80, s31, s14, $0xb8;
	[tilespmem:$0x1D800] =	vst v63  }
0x21: {  	_ =	swait.ge [sflag:s12], $0x4000  }
0x22: {  	s19 =	simm.s32 $0x400;
	s18 =	simm.s32 $0x200;
	[sflag:s12] =	ssyncset.done $0x0  }
.LBB2_2:
0x23: {  	s20 =	sshra.s32 s18, $0x2  }
0x24: {  	[sflag:s12] =	ssyncadd.s32 $0xFFFFC000;
	s18 =	smov.u32 s19;
	s21 =	sadd.s32 $0x200, s19  }
0x25: {  	[tilespmem:s15], [sflag:$0x1] =	stream.indirect.gather [hbm4b:s4+s14], $0x80, s20, s14, $0xb8;
	[tilespmem:$0x1D800] =	vst v63  }
0x26: {  	p0 =	sne.s32 s19, $0x9E00;
	_ =	swait.ge [sflag:s16], $0x4000  }
.Ltmp0:
0x27: {  	[sflag:s16] =	ssyncset.done $0x0;
	(pc) =	sbr.rel @p0 .LBB2_2-.Ltmp0, $4  }
0x28: {  	s19 =	sadd.s32 $0x2C00, s20;
	[sflag:s16] =	ssyncadd.s32 $0xFFFFC000  }
0x29: {  	[spmem:s2] =	stream.indirect.scatter.add.f32 [tilespmem:s15], [sflag:$0x2], $0x80, s19, s14, $0xb8;
	[tilespmem:$0x1D800] =	vst v63  }
0x2a: {  	_ =	swait.ge [sflag:s12], $0x4000  }
0x2b: {  	s19 =	smov.u32 s21;
	[sflag:s12] =	ssyncset.done $0x0  }
0x2c: {  	s18 =	sshra.s32 s18, $0x2;
	[sflag:s12] =	ssyncadd.s32 $0xFFFFC000  }
0x2d: {  	[tilespmem:s15], [sflag:$0x1] =	stream.indirect.gather [hbm4b:s4+s14], $0x80, s18, s14, $0xb8;
	[tilespmem:$0x1D800] =	vst v63  }
0x2e: {  	_ =	swait.ge [sflag:s16], $0x4000  }
0x2f: {  	[sflag:s16] =	ssyncset.done $0x0  }
0x30: {  	s18 =	sadd.s32 $0x2C00, s18;
	[sflag:s16] =	ssyncadd.s32 $0xFFFFC000  }
0x31: {  	[spmem:s2] =	stream.indirect.scatter.add.f32 [tilespmem:s15], [sflag:$0x2], $0x80, s18, s14, $0xb8;
	[tilespmem:$0x1D800] =	vst v63  }
0x32: {  	_ =	swait.ge [sflag:s12], $0x4000  }
0x33: {  	s17 =	sadd.s32 $0x1, s17;
	[sflag:s12] =	ssyncset.done $0x0  }
0x34: {  	p0 =	sne.s32 s17, s10;
	[sflag:s12] =	ssyncadd.s32 $0xFFFFC000  }
.Ltmp1:
0x35: {  	[bflag:$0x0] =	sbarrier.arrive $0xFFFF;
	(pc) =	sbr.rel @p0 .LBB2_1-.Ltmp1, $4  }
0x36: {  	[hbm:s9], [sflag:s6] =	dma.local [spmem:s11], $0x2800  }
0x37: {  	_ =	swait.ge [sflag:s12], $0x2800  }
0x38: {  	[sflag:s12] =	ssyncset.done $0x0  }
0x39: {  	[sflag:s12] =	ssyncadd.s32 $0xFFFFD800  }
0x3a: {  	_ =	sfence.sel $0x180000  }
0x3b: {  	[bflag:$0x0] =	sbarrier.arrive $0xFFFF  }
0x3c: {  	p0 =	sne.s32 s0, $0x0;
	_ =	strace $0x9000004D  }
0x3d: {  	s0 =	sadd.s32 @!p0 $0x100000, s1;
	[bflag:$0x2] =	sbarrier.arrive $0xFFFF  }
0x3e: {  	[sflag:s0] =	ssyncadd.tile.s32 @!p0 $0x1;
	_ =	shalt  }
.Lfunc_end2:
_tile_overlayer_lowered:
.L_overlay_start_2:
0x3f: {  	(tag) =	ssettag $0x2  }
0x40: {  	s0 =	rddreg [dreg:$0x0];
	s2 =	stileid.u32  }
0x41: {  	s1 =	rddreg [dreg:$0x1];
	p0 =	sne.s32 s2, $0x0  }
0x42: {  	s3 =	rddreg [dreg:$0x2];
	[bflag:$0x3] =	sbarrier.arrive $0xFFFF;
	s2 =	simm.s32 @!p0 $0x1C02  }
0x43: {  	[timem:s3], [sflag:s2] =	dma.local @!p0 [hbm:s0], s1  }
0x44: {  	s0 =	simm.s32 @!p0 $0x2  }
0x45: {  	_ =	swait.ge @!p0 [sflag:s0], s1  }
0x46: {  	s1 =	ssub.s32 @!p0 $0x0, s1;
	[sflag:s0] =	ssyncset.done @!p0 $0x0  }
0x47: {  	[sflag:s0] =	ssyncadd.s32 @!p0 s1  }
0x48: {  	[bflag:$0x3] =	sbarrier.arrive $0xFFFF  }
0x49: {  	_ =	shalt  }

// kernel: kernel.22.cloned.1.call-start
scs
__scs_entry_jumppad:
0x0: {  	(pc) =	sbr.rel $0x88, $3  }
0x1: {  	(tag) =	ssettag $0x0;
	lr =	simm.s32 $0x1  }
0x2: {  	[smem:$0x3F68] =	sst lr;
	_ =	strace $0xD0000000  }
0x3: {  	_ = 	snop  }
0x4: {  	_ = 	snop  }
0x5: {  	_ = 	snop  }
0x6: {  	_ = 	snop  }
0x7: {  	_ = 	snop  }
__scs_overlays_trampoline_lowered:
0x8: {  	[smem:$0x3F77] =	sst s0  }
0x9: {  	[smem:$0x3F78] =	sst s1  }
0xa: {  	[smem:$0x3F79] =	sst s2  }
0xb: {  	[smem:$0x3F7A] =	sst s3  }
0xc: {  	[smem:$0x3F7B] =	sst s4  }
0xd: {  	[smem:$0x3F7C] =	sst s5  }
0xe: {  	[smem:$0x3F7D] =	sst s6  }
0xf: {  	[smem:$0x3F7E] =	sst s7  }
0x10: {  	[smem:$0x3F7F] =	sst s8  }
0x11: {  	[smem:$0x3F80] =	sst s9;
	s0 =	simm.s32 @!p0 $0x0  }
0x12: {  	s1 =	sld [smem:$0x3F66];
	s0 =	simm.s32 @p0 $0x1  }
0x13: {  	[smem:$0x3F81] =	sst s0;
	s0 =	simm.s32 @!p1 $0x0  }
0x14: {  	s2 =	sld [smem:$0x3F65];
	s0 =	simm.s32 @p1 $0x1  }
0x15: {  	[smem:$0x3F82] =	sst s0;
	s0 =	simm.s32 @!p2 $0x0  }
0x16: {  	s3 =	sld [smem:$0x3FDB];
	s0 =	simm.s32 @p2 $0x1  }
0x17: {  	s4 =	simm.s32 $0x1BF5;
	[smem:$0x3F84] =	sst s0  }
0x18: {  	s0 =	sld [smem:$0x3F67];
	_ =	swait.ge [sflag:s4], $0x0  }
0x19: {  	s7 =	sld [smem:$0x3F68]  }
0x1a: {  	s8 =	sadd.s32 $0xFFFFE003, lr  }
0x1b: {  	s9 =	sadd.s32 $0xFFFFFEF7, lr;
	s5 =	simm.s32 $0xFFFFFFFF;
	p2 =	slt.u32 s8, $0xFFFFF086  }
0x1c: {  	p1 =	slt.u32 s9, $0xF7A;
	s5 =	simm.s32 @!p2 $0x0  }
0x1d: {  	s5 =	simm.s32 @p1 $0x1;
	p0 =	seq.s32 s7, s2  }
0x1e: {  	s7 =	smul.u32 @!p0 $0xF7A, s2;
	p2 =	seq.s32 @!p0 s5, $0x0  }
0x1f: {  	s9 =	smul.u32 $0xF7A, s1;
	s8 =	simm.s32 @!p0 $0x1BF5;
	p2 =	por !p2, p0  }
0x20: {  	[sflag:s8] =	ssyncset.s32 @!p0 $0xFFFFF086;
	s6 =	sadd.s32 @!p0 s3, s7;
	s7 =	simm.s32 @!p0 $0x108  }
0x21: {  	s3 =	sadd.s32 s3, s9;
	s6 =	sadd.s32 @!p0 $0x88, s6;
	s7 =	simm.s32 @p2 $0x1082  }
0x22: {  	[simem:s7], [sflag:s8] =	dma.local @!p0 [hbm:s6], $0xF7A  }
0x23: {  	s9 =	sor.u32 $0xD0000000, s2;
	s6 =	simm.s32 $0x108;
	_ =	swait.ge @!p0 [sflag:s8], $0x0  }
0x24: {  	s3 =	sadd.s32 $0x88, s3;
	s6 =	simm.s32 @!p1 $0x1082;
	[sflag:s4] =	ssyncset.s32 $0xFFFFF086  }
0x25: {  	[simem:s6], [sflag:s4] =	dma.local [hbm:s3], $0xF7A  }
0x26: {  	[smem:$0x3F68] =	sst s1;
	(tag) =	ssettag s2;
	_ =	strace s9  }
0x27: {  	s1 =	sld [smem:$0x3F78]  }
0x28: {  	s2 =	sld [smem:$0x3F79]  }
0x29: {  	s4 =	sld [smem:$0x3F7B]  }
0x2a: {  	p0 =	seq.s32 s5, $0x0;
	s5 =	sld [smem:$0x3F7C]  }
0x2b: {  	s6 =	sld [smem:$0x3F7D]  }
0x2c: {  	s7 =	sld [smem:$0x3F7E]  }
0x2d: {  	s3 =	simm.s32 $0x108;
	s8 =	sld [smem:$0x3F7F]  }
0x2e: {  	s3 =	simm.s32 @!p0 $0x1082;
	s9 =	sld [smem:$0x3F80]  }
0x2f: {  	lr =	sadd.s32 s0, s3;
	s0 =	sld [smem:$0x3F77]  }
0x30: {  	s3 =	sld [smem:$0x3F7A]  }
0x31: {  	[smem:$0x3F83] =	sst s10  }
0x32: {  	s10 =	sld [smem:$0x3F81];
	_ =	sdelay $0x3  }
0x33: {  	p0 =	seq.s32 s10, $0x1;
	s10 =	sld [smem:$0x3F83];
	_ =	sdelay $0x3  }
0x34: {  	[smem:$0x3F83] =	sst s10  }
0x35: {  	s10 =	sld [smem:$0x3F82];
	_ =	sdelay $0x3  }
0x36: {  	p1 =	seq.s32 s10, $0x1;
	s10 =	sld [smem:$0x3F83];
	_ =	sdelay $0x3  }
0x37: {  	[smem:$0x3F83] =	sst s10  }
0x38: {  	s10 =	sld [smem:$0x3F84]  }
0x39: {  	_ = 	snop;
	(pc) =	sbr.ind lr, $3  }
0x3a: {  	_ = 	snop  }
0x3b: {  	_ = 	snop  }
0x3c: {  	p2 =	seq.s32 s10, $0x1;
	s10 =	sld [smem:$0x3F83]  }
0x3d: {  	_ =	shalt  }
0x3e: {  	_ =	shalt  }
0x3f: {  	_ =	shalt  }
0x40: {  	_ =	shalt  }
0x41: {  	_ =	shalt  }
0x42: {  	_ =	shalt  }
0x43: {  	_ =	shalt  }
0x44: {  	_ =	shalt  }
0x45: {  	_ =	shalt  }
0x46: {  	_ =	shalt  }
0x47: {  	_ =	shalt  }
0x48: {  	_ =	shalt  }
0x49: {  	_ =	shalt  }
0x4a: {  	_ =	shalt  }
0x4b: {  	_ =	shalt  }
0x4c: {  	_ =	shalt  }
0x4d: {  	_ =	shalt  }
0x4e: {  	_ =	shalt  }
0x4f: {  	_ =	shalt  }
0x50: {  	_ =	shalt  }
0x51: {  	_ =	shalt  }
0x52: {  	_ =	shalt  }
0x53: {  	_ =	shalt  }
0x54: {  	_ =	shalt  }
0x55: {  	_ =	shalt  }
0x56: {  	_ =	shalt  }
0x57: {  	_ =	shalt  }
0x58: {  	_ =	shalt  }
0x59: {  	_ =	shalt  }
0x5a: {  	_ =	shalt  }
0x5b: {  	_ =	shalt  }
0x5c: {  	_ =	shalt  }
0x5d: {  	_ =	shalt  }
0x5e: {  	_ =	shalt  }
0x5f: {  	_ =	shalt  }
0x60: {  	_ =	shalt  }
0x61: {  	_ =	shalt  }
0x62: {  	_ =	shalt  }
0x63: {  	_ =	shalt  }
0x64: {  	_ =	shalt  }
0x65: {  	_ =	shalt  }
0x66: {  	_ =	shalt  }
0x67: {  	_ =	shalt  }
0x68: {  	_ =	shalt  }
0x69: {  	_ =	shalt  }
0x6a: {  	_ =	shalt  }
0x6b: {  	_ =	shalt  }
0x6c: {  	_ =	shalt  }
0x6d: {  	_ =	shalt  }
0x6e: {  	_ =	shalt  }
0x6f: {  	_ =	shalt  }
0x70: {  	_ =	shalt  }
0x71: {  	_ =	shalt  }
0x72: {  	_ =	shalt  }
0x73: {  	_ =	shalt  }
0x74: {  	_ =	shalt  }
0x75: {  	_ =	shalt  }
0x76: {  	_ =	shalt  }
0x77: {  	_ =	shalt  }
0x78: {  	_ =	shalt  }
0x79: {  	_ =	shalt  }
0x7a: {  	_ =	shalt  }
0x7b: {  	_ =	shalt  }
0x7c: {  	_ =	shalt  }
0x7d: {  	_ =	shalt  }
0x7e: {  	_ =	shalt  }
0x7f: {  	_ =	shalt  }
0x80: {  	_ =	shalt  }
0x81: {  	_ =	shalt  }
0x82: {  	_ =	shalt  }
0x83: {  	_ =	shalt  }
0x84: {  	_ =	shalt  }
0x85: {  	_ =	shalt  }
0x86: {  	_ =	shalt  }
0x87: {  	_ =	shalt  }
.Lfunc_end0:
.L_simem_size_0:
called_computation.3_lowered:
.L_overlay_start_0:
0x88: {  	s2 =	sld [smem:$0x3FD9]  }
0x89: {  	s3 =	sld [smem:$0x3FFE];
	_ =	sdelay $0x1  }
0x8a: {  	s1 =	srdreg.scid  }
0x8b: {  	s0 =	sand.u32 $0x1, s1  }
0x8c: {  	s16 =	sshll.u32 s0, $0xA;
	s2 =	sadd.s32 s3, s2  }
0x8d: {  	s2 =	sadd.s32 s2, s16  }
0x8e: {  	[smem:$0x3F8F] =	sst s2  }
0x8f: {  	_ = 	snop  }
0x90: {  	(tm) =	ssettm $0x1  }
0x91: {  	s17 =	sld [smem:$0x3FFB];
	_ =	sdelay $0x3  }
0x92: {  	_ =	strace s17  }
0x93: {  	s2 =	sld [smem:$0x3FFC];
	_ =	sdelay $0x3  }
0x94: {  	_ =	strace s2  }
0x95: {  	s2 =	sld [smem:$0x3FFD];
	_ =	sdelay $0x3  }
0x96: {  	_ =	strace s2  }
0x97: {  	_ =	strace $0x8FFFFFFF  }
0x98: {  	s18 =	sld [smem:$0x3FDB];
	_ =	sdelay $0x1  }
0x99: {  	s19 =	simm.s32 $_scs_section_size  }
0x9a: {  	s4 =	simm.s32 $_size__tile_overlayer_lowered;
	s5 =	simm.s32 $_tile_overlayer_lowered  }
0x9b: {  	s22 =	simm.s32 $0x1BFF;
	s21 =	sshll.u32 s5, $0x1;
	s2 =	sadd.s32 s19, s18  }
0x9c: {  	s6 =	simm.s32 $0x0;
	s20 =	sshll.u32 s4, $0x1;
	s4 =	sadd.s32 s21, s2  }
0x9d: {  	[timem:s6], [sflag:s22] =	dma.local [hbm:s4], s20  }
0x9e: {  	_ =	swait.ge [sflag:s22], s20  }
0x9f: {  	s3 =	ssub.s32 $0x0, s20;
	[sflag:s22] =	ssyncset.done $0x0  }
0xa0: {  	[sflag:s22] =	ssyncadd.s32 s3;
	_ =	sdelay $0x1  }
0xa1: {  	s23 =	simm.s32 $0x1B8B  }
0xa2: {  	_ =	swait.ge [sflag:s23], $0x1  }
0xa3: {  	[sflag:s23] =	ssyncset.done $0x0  }
0xa4: {  	s25 =	simm.s32 $0x1B8E;
	s24 =	sld [smem:$0x3FFE];
	[sflag:s23] =	ssyncadd.s32 $0xFFFFFFFF  }
0xa5: {  	s26 =	simm.s32 $execute0_lowered;
	[smem:$0x3FD2] =	sst s25  }
0xa6: {  	s4 =	sshll.u32 s26, $0x1;
	_ =	strace $0x8000004F;
	[dreg:$0x1] =	wrdreg $0xFFFFFFFF  }
0xa7: {  	s28 =	simm.s32 $_size_execute0_lowered;
	s2 =	sadd.s32 s2, s4;
	[dreg:$0x0] =	wrdreg $0x0  }
0xa8: {  	s4 =	sshll.u32 s28, $0x1;
	[dreg:$0x2] =	wrdreg s2  }
0xa9: {  	[dreg:$0x3] =	wrdreg s4  }
0xaa: {  	[dreg:$0x4] =	wrdreg $0xC0  }
0xab: {  	_ =	task [dreg:s6], $0x5FFFF  }
0xac: {  	[dreg:$0x1] =	wrdreg $0xFFFFFFFF  }
0xad: {  	[dreg:$0x0] =	wrdreg $0x60  }
0xae: {  	[dreg:$0x2] =	wrdreg s24  }
0xaf: {  	[dreg:$0x3] =	wrdreg $0x98000  }
0xb0: {  	[dreg:$0x4] =	wrdreg $0xA  }
0xb1: {  	_ =	task.clear_ibuf [dreg:s6], $0x5FFFF;
	_ =	strace $0x9000004F  }
0xb2: {  	s29 =	simm.s32 $0xA;
	_ =	strace $0x80000051  }
0xb3: {  	_ =	swait.ge [sflag:s29], $0x1  }
0xb4: {  	[sflag:s29] =	ssyncadd.s32 $0xFFFFFFFF  }
0xb5: {  	_ =	strace $0x90000051  }
0xb6: {  	_ =	sfence  }
0xb7: {  	s30 =	sld [smem:$0x0];
	_ =	sdelay $0x2  }
0xb8: {  	s31 =	sshll.u32 s1, $0xD;
	s1 =	sshrl.u32 s1, $0x2  }
0xb9: {  	s3 =	sand.u32 $0x4000, s31;
	s1 =	sadd.s32 s1, s30  }
0xba: {  	s0 =	sor.u32 s3, s0;
	s1 =	sshll.u32 s1, $0x11  }
0xbb: {  	s0 =	sor.u32 s1, s0  }
0xbc: {  	s0 =	sadd.s32 $0x8F2B, s0  }
0xbd: {  	[sflag:s0] =	ssyncadd.remote.s32 $0x1  }
0xbe: {  	_ =	sfence.sel $0xFFFF  }
0xbf: {  	[dreg:$0x0] =	wrdreg $0xFFFFFFFF;
	(pc) =	sbr.abs _section_cstart, $3  }
0xc0: {  	[dreg:$0x1] =	wrdreg $0xFFFFFFFF  }
0xc1: {  	_ =	task.clear_ibuf [dreg:s6], $0x2FFFF;
	_ =	strace $0x9FFFFFFF  }
0xc2: {  	(tm) =	ssettm $0x7FFFFFFF  }
0xc3: {  	_ =	shalt  }
tec
execute0_lowered:
.L_overlay_start_1:
0x0: {  	(tag) =	ssettag $0x1  }
0x1: {  	s1 =	srdreg.scid;
	s5 =	rddreg [dreg:$0x0]  }
0x2: {  	s0 =	stileid.u32;
	s2 =	rddreg [dreg:$0x1];
	s3 =	simm.s32 $0x0  }
0x3: {  	s14 =	simm.s32 $0x80;
	s15 =	simm.s32 $0x5800;
	s16 =	simm.s32 $0x1  }
0x4: {  	s17 =	simm.s32 $0x0;
	s6 =	sand.u32 $0x1, s1;
	s1 =	rddreg [dreg:$0x2]  }
0x5: {  	s26 =	sshll.u32 s0, $0x1;
	[smem:$0x7FF] =	sst s3;
	s8 =	smul.u32 $0x14000, s0  }
0x6: {  	s29 =	smul.u32 $0x50000, s0;
	s31 =	sshll.u32 s0, $0x6;
	s4 =	sor.u32 s6, s26  }
0x7: {  	_ =	strace $0x80000050;
	s9 =	smul.u32 $0x140000, s6;
	s6 =	ssub.s32 $0x2, s6  }
0x8: {  	s7 =	smul.u32 $0x580, s4;
	s4 =	sadd.s32 $0x8E000, s5;
	s28 =	sshrl.u32 s8, $0x3  }
0x9: {  	s11 =	sshrl.u32 s6, $0x1;
	s30 =	sshrl.u32 s29, $0x2;
	s8 =	sadd.s32 s8, s9  }
0xa: {  	s11 =	ssub.s32 s6, s11;
	s13 =	sadd.s32 s30, s2;
	s6 =	sor.u32 $0x1C02, s31  }
0xb: {  	s10 =	sadd.s32 s7, s5;
	s7 =	sadd.s32 s28, s5;
	s8 =	sshrl.u32 s8, $0x3  }
0xc: {  	s12 =	sadd.s32 s8, s5;
	s5 =	sadd.s32 $0x16000, s7;
	s7 =	sadd.s32 $0xB5A00, s10  }
0xd: {  	s8 =	sadd.s32 $0xB000, s10;
	s10 =	smax.u32 s11, $0x1;
	s11 =	sshrl.u32 s13, $0x3  }
0xe: {  	s13 =	simm.s32 $0x2C00;
	s9 =	sadd.s32 $0xC0A00, s12;
	s12 =	simm.s32 $0x2  }
.LBB2_1:
0xf: {  	[spmem:s11], [sflag:s6] =	dma.local [hbm:s5], $0x2800  }
0x10: {  	_ =	swait.ge [sflag:s12], $0x2800  }
0x11: {  	[sflag:s12] =	ssyncset.done $0x0  }
0x12: {  	[sflag:s12] =	ssyncadd.s32 $0xFFFFD800  }
0x13: {  	[tilespmem:s3], [sflag:$0x2] =	stream.linear.gather [hbm4b:s7+s3], $0x2880, $0x38;
	[tilespmem:$0x1D800] =	vst v63  }
0x14: {  	_ =	swait.ge [sflag:s12], $0x2880  }
0x15: {  	[sflag:s12] =	ssyncset.done $0x0  }
0x16: {  	[sflag:s12] =	ssyncadd.s32 $0xFFFFD780  }
0x17: {  	[tilespmem:s13], [sflag:$0x2] =	stream.linear.gather [hbm4b:s8+s3], $0x2880, $0x38;
	[tilespmem:$0x1D800] =	vst v63  }
0x18: {  	_ =	swait.ge [sflag:s12], $0x2880  }
0x19: {  	[sflag:s12] =	ssyncset.done $0x0  }
0x1a: {  	[sflag:s12] =	ssyncadd.s32 $0xFFFFD780  }
0x1b: {  	s18 =	simm.s32 $0x0;
	[bflag:$0x0] =	sbarrier.arrive $0xFFFF  }
0x1c: {  	[tilespmem:s15], [sflag:$0x1] =	stream.indirect.gather [hbm4b:s4+s14], $0x80, s18, s14, $0xb8;
	[tilespmem:$0x1D800] =	vst v63  }
0x1d: {  	_ =	swait.ge [sflag:s16], $0x4000  }
0x1e: {  	[sflag:s16] =	ssyncset.done $0x0  }
0x1f: {  	s31 =	simm.s32 $0x2C00;
	[sflag:s16] =	ssyncadd.s32 $0xFFFFC000  }
0x20: {  	[spmem:s2] =	stream.indirect.scatter.add.f32 [tilespmem:s15], [sflag:$0x2], $0x80, s31, s14, $0xb8;
	[tilespmem:$0x1D800] =	vst v63  }
0x21: {  	_ =	swait.ge [sflag:s12], $0x4000  }
0x22: {  	s19 =	simm.s32 $0x400;
	s18 =	simm.s32 $0x200;
	[sflag:s12] =	ssyncset.done $0x0  }
.LBB2_2:
0x23: {  	s20 =	sshra.s32 s18, $0x2  }
0x24: {  	[sflag:s12] =	ssyncadd.s32 $0xFFFFC000;
	s18 =	smov.u32 s19;
	s21 =	sadd.s32 $0x200, s19  }
0x25: {  	[tilespmem:s15], [sflag:$0x1] =	stream.indirect.gather [hbm4b:s4+s14], $0x80, s20, s14, $0xb8;
	[tilespmem:$0x1D800] =	vst v63  }
0x26: {  	p0 =	sne.s32 s19, $0x9E00;
	_ =	swait.ge [sflag:s16], $0x4000  }
.Ltmp0:
0x27: {  	[sflag:s16] =	ssyncset.done $0x0;
	(pc) =	sbr.rel @p0 .LBB2_2-.Ltmp0, $4  }
0x28: {  	s19 =	sadd.s32 $0x2C00, s20;
	[sflag:s16] =	ssyncadd.s32 $0xFFFFC000  }
0x29: {  	[spmem:s2] =	stream.indirect.scatter.add.f32 [tilespmem:s15], [sflag:$0x2], $0x80, s19, s14, $0xb8;
	[tilespmem:$0x1D800] =	vst v63  }
0x2a: {  	_ =	swait.ge [sflag:s12], $0x4000  }
0x2b: {  	s19 =	smov.u32 s21;
	[sflag:s12] =	ssyncset.done $0x0  }
0x2c: {  	s18 =	sshra.s32 s18, $0x2;
	[sflag:s12] =	ssyncadd.s32 $0xFFFFC000  }
0x2d: {  	[tilespmem:s15], [sflag:$0x1] =	stream.indirect.gather [hbm4b:s4+s14], $0x80, s18, s14, $0xb8;
	[tilespmem:$0x1D800] =	vst v63  }
0x2e: {  	_ =	swait.ge [sflag:s16], $0x4000  }
0x2f: {  	[sflag:s16] =	ssyncset.done $0x0  }
0x30: {  	s18 =	sadd.s32 $0x2C00, s18;
	[sflag:s16] =	ssyncadd.s32 $0xFFFFC000  }
0x31: {  	[spmem:s2] =	stream.indirect.scatter.add.f32 [tilespmem:s15], [sflag:$0x2], $0x80, s18, s14, $0xb8;
	[tilespmem:$0x1D800] =	vst v63  }
0x32: {  	_ =	swait.ge [sflag:s12], $0x4000  }
0x33: {  	s17 =	sadd.s32 $0x1, s17;
	[sflag:s12] =	ssyncset.done $0x0  }
0x34: {  	p0 =	sne.s32 s17, s10;
	[sflag:s12] =	ssyncadd.s32 $0xFFFFC000  }
.Ltmp1:
0x35: {  	[bflag:$0x0] =	sbarrier.arrive $0xFFFF;
	(pc) =	sbr.rel @p0 .LBB2_1-.Ltmp1, $4  }
0x36: {  	[hbm:s9], [sflag:s6] =	dma.local [spmem:s11], $0x2800  }
0x37: {  	_ =	swait.ge [sflag:s12], $0x2800  }
0x38: {  	[sflag:s12] =	ssyncset.done $0x0  }
0x39: {  	[sflag:s12] =	ssyncadd.s32 $0xFFFFD800  }
0x3a: {  	_ =	sfence.sel $0x180000  }
0x3b: {  	[bflag:$0x0] =	sbarrier.arrive $0xFFFF  }
0x3c: {  	p0 =	sne.s32 s0, $0x0;
	_ =	strace $0x90000050  }
0x3d: {  	s0 =	sadd.s32 @!p0 $0x100000, s1;
	[bflag:$0x2] =	sbarrier.arrive $0xFFFF  }
0x3e: {  	[sflag:s0] =	ssyncadd.tile.s32 @!p0 $0x1;
	_ =	shalt  }
.Lfunc_end2:
_tile_overlayer_lowered:
.L_overlay_start_2:
0x3f: {  	(tag) =	ssettag $0x2  }
0x40: {  	s0 =	rddreg [dreg:$0x0];
	s2 =	stileid.u32  }
0x41: {  	s1 =	rddreg [dreg:$0x1];
	p0 =	sne.s32 s2, $0x0  }
0x42: {  	s3 =	rddreg [dreg:$0x2];
	[bflag:$0x3] =	sbarrier.arrive $0xFFFF;
	s2 =	simm.s32 @!p0 $0x1C02  }
0x43: {  	[timem:s3], [sflag:s2] =	dma.local @!p0 [hbm:s0], s1  }
0x44: {  	s0 =	simm.s32 @!p0 $0x2  }
0x45: {  	_ =	swait.ge @!p0 [sflag:s0], s1  }
0x46: {  	s1 =	ssub.s32 @!p0 $0x0, s1;
	[sflag:s0] =	ssyncset.done @!p0 $0x0  }
0x47: {  	[sflag:s0] =	ssyncadd.s32 @!p0 s1  }
0x48: {  	[bflag:$0x3] =	sbarrier.arrive $0xFFFF  }
0x49: {  	_ =	shalt  }

// kernel: kernel.25.cloned.1.call-start
scs
__scs_entry_jumppad:
0x0: {  	(pc) =	sbr.rel $0x88, $3  }
0x1: {  	(tag) =	ssettag $0x0;
	lr =	simm.s32 $0x1  }
0x2: {  	[smem:$0x3F68] =	sst lr;
	_ =	strace $0xD0000000  }
0x3: {  	_ = 	snop  }
0x4: {  	_ = 	snop  }
0x5: {  	_ = 	snop  }
0x6: {  	_ = 	snop  }
0x7: {  	_ = 	snop  }
__scs_overlays_trampoline_lowered:
0x8: {  	[smem:$0x3F77] =	sst s0  }
0x9: {  	[smem:$0x3F78] =	sst s1  }
0xa: {  	[smem:$0x3F79] =	sst s2  }
0xb: {  	[smem:$0x3F7A] =	sst s3  }
0xc: {  	[smem:$0x3F7B] =	sst s4  }
0xd: {  	[smem:$0x3F7C] =	sst s5  }
0xe: {  	[smem:$0x3F7D] =	sst s6  }
0xf: {  	[smem:$0x3F7E] =	sst s7  }
0x10: {  	[smem:$0x3F7F] =	sst s8  }
0x11: {  	[smem:$0x3F80] =	sst s9;
	s0 =	simm.s32 @!p0 $0x0  }
0x12: {  	s1 =	sld [smem:$0x3F66];
	s0 =	simm.s32 @p0 $0x1  }
0x13: {  	[smem:$0x3F81] =	sst s0;
	s0 =	simm.s32 @!p1 $0x0  }
0x14: {  	s2 =	sld [smem:$0x3F65];
	s0 =	simm.s32 @p1 $0x1  }
0x15: {  	[smem:$0x3F82] =	sst s0;
	s0 =	simm.s32 @!p2 $0x0  }
0x16: {  	s3 =	sld [smem:$0x3FDB];
	s0 =	simm.s32 @p2 $0x1  }
0x17: {  	s4 =	simm.s32 $0x1BF5;
	[smem:$0x3F84] =	sst s0  }
0x18: {  	s0 =	sld [smem:$0x3F67];
	_ =	swait.ge [sflag:s4], $0x0  }
0x19: {  	s7 =	sld [smem:$0x3F68]  }
0x1a: {  	s8 =	sadd.s32 $0xFFFFE003, lr  }
0x1b: {  	s9 =	sadd.s32 $0xFFFFFEF7, lr;
	s5 =	simm.s32 $0xFFFFFFFF;
	p2 =	slt.u32 s8, $0xFFFFF086  }
0x1c: {  	p1 =	slt.u32 s9, $0xF7A;
	s5 =	simm.s32 @!p2 $0x0  }
0x1d: {  	s5 =	simm.s32 @p1 $0x1;
	p0 =	seq.s32 s7, s2  }
0x1e: {  	s7 =	smul.u32 @!p0 $0xF7A, s2;
	p2 =	seq.s32 @!p0 s5, $0x0  }
0x1f: {  	s9 =	smul.u32 $0xF7A, s1;
	s8 =	simm.s32 @!p0 $0x1BF5;
	p2 =	por !p2, p0  }
0x20: {  	[sflag:s8] =	ssyncset.s32 @!p0 $0xFFFFF086;
	s6 =	sadd.s32 @!p0 s3, s7;
	s7 =	simm.s32 @!p0 $0x108  }
0x21: {  	s3 =	sadd.s32 s3, s9;
	s6 =	sadd.s32 @!p0 $0x88, s6;
	s7 =	simm.s32 @p2 $0x1082  }
0x22: {  	[simem:s7], [sflag:s8] =	dma.local @!p0 [hbm:s6], $0xF7A  }
0x23: {  	s9 =	sor.u32 $0xD0000000, s2;
	s6 =	simm.s32 $0x108;
	_ =	swait.ge @!p0 [sflag:s8], $0x0  }
0x24: {  	s3 =	sadd.s32 $0x88, s3;
	s6 =	simm.s32 @!p1 $0x1082;
	[sflag:s4] =	ssyncset.s32 $0xFFFFF086  }
0x25: {  	[simem:s6], [sflag:s4] =	dma.local [hbm:s3], $0xF7A  }
0x26: {  	[smem:$0x3F68] =	sst s1;
	(tag) =	ssettag s2;
	_ =	strace s9  }
0x27: {  	s1 =	sld [smem:$0x3F78]  }
0x28: {  	s2 =	sld [smem:$0x3F79]  }
0x29: {  	s4 =	sld [smem:$0x3F7B]  }
0x2a: {  	p0 =	seq.s32 s5, $0x0;
	s5 =	sld [smem:$0x3F7C]  }
0x2b: {  	s6 =	sld [smem:$0x3F7D]  }
0x2c: {  	s7 =	sld [smem:$0x3F7E]  }
0x2d: {  	s3 =	simm.s32 $0x108;
	s8 =	sld [smem:$0x3F7F]  }
0x2e: {  	s3 =	simm.s32 @!p0 $0x1082;
	s9 =	sld [smem:$0x3F80]  }
0x2f: {  	lr =	sadd.s32 s0, s3;
	s0 =	sld [smem:$0x3F77]  }
0x30: {  	s3 =	sld [smem:$0x3F7A]  }
0x31: {  	[smem:$0x3F83] =	sst s10  }
0x32: {  	s10 =	sld [smem:$0x3F81];
	_ =	sdelay $0x3  }
0x33: {  	p0 =	seq.s32 s10, $0x1;
	s10 =	sld [smem:$0x3F83];
	_ =	sdelay $0x3  }
0x34: {  	[smem:$0x3F83] =	sst s10  }
0x35: {  	s10 =	sld [smem:$0x3F82];
	_ =	sdelay $0x3  }
0x36: {  	p1 =	seq.s32 s10, $0x1;
	s10 =	sld [smem:$0x3F83];
	_ =	sdelay $0x3  }
0x37: {  	[smem:$0x3F83] =	sst s10  }
0x38: {  	s10 =	sld [smem:$0x3F84]  }
0x39: {  	_ = 	snop;
	(pc) =	sbr.ind lr, $3  }
0x3a: {  	_ = 	snop  }
0x3b: {  	_ = 	snop  }
0x3c: {  	p2 =	seq.s32 s10, $0x1;
	s10 =	sld [smem:$0x3F83]  }
0x3d: {  	_ =	shalt  }
0x3e: {  	_ =	shalt  }
0x3f: {  	_ =	shalt  }
0x40: {  	_ =	shalt  }
0x41: {  	_ =	shalt  }
0x42: {  	_ =	shalt  }
0x43: {  	_ =	shalt  }
0x44: {  	_ =	shalt  }
0x45: {  	_ =	shalt  }
0x46: {  	_ =	shalt  }
0x47: {  	_ =	shalt  }
0x48: {  	_ =	shalt  }
0x49: {  	_ =	shalt  }
0x4a: {  	_ =	shalt  }
0x4b: {  	_ =	shalt  }
0x4c: {  	_ =	shalt  }
0x4d: {  	_ =	shalt  }
0x4e: {  	_ =	shalt  }
0x4f: {  	_ =	shalt  }
0x50: {  	_ =	shalt  }
0x51: {  	_ =	shalt  }
0x52: {  	_ =	shalt  }
0x53: {  	_ =	shalt  }
0x54: {  	_ =	shalt  }
0x55: {  	_ =	shalt  }
0x56: {  	_ =	shalt  }
0x57: {  	_ =	shalt  }
0x58: {  	_ =	shalt  }
0x59: {  	_ =	shalt  }
0x5a: {  	_ =	shalt  }
0x5b: {  	_ =	shalt  }
0x5c: {  	_ =	shalt  }
0x5d: {  	_ =	shalt  }
0x5e: {  	_ =	shalt  }
0x5f: {  	_ =	shalt  }
0x60: {  	_ =	shalt  }
0x61: {  	_ =	shalt  }
0x62: {  	_ =	shalt  }
0x63: {  	_ =	shalt  }
0x64: {  	_ =	shalt  }
0x65: {  	_ =	shalt  }
0x66: {  	_ =	shalt  }
0x67: {  	_ =	shalt  }
0x68: {  	_ =	shalt  }
0x69: {  	_ =	shalt  }
0x6a: {  	_ =	shalt  }
0x6b: {  	_ =	shalt  }
0x6c: {  	_ =	shalt  }
0x6d: {  	_ =	shalt  }
0x6e: {  	_ =	shalt  }
0x6f: {  	_ =	shalt  }
0x70: {  	_ =	shalt  }
0x71: {  	_ =	shalt  }
0x72: {  	_ =	shalt  }
0x73: {  	_ =	shalt  }
0x74: {  	_ =	shalt  }
0x75: {  	_ =	shalt  }
0x76: {  	_ =	shalt  }
0x77: {  	_ =	shalt  }
0x78: {  	_ =	shalt  }
0x79: {  	_ =	shalt  }
0x7a: {  	_ =	shalt  }
0x7b: {  	_ =	shalt  }
0x7c: {  	_ =	shalt  }
0x7d: {  	_ =	shalt  }
0x7e: {  	_ =	shalt  }
0x7f: {  	_ =	shalt  }
0x80: {  	_ =	shalt  }
0x81: {  	_ =	shalt  }
0x82: {  	_ =	shalt  }
0x83: {  	_ =	shalt  }
0x84: {  	_ =	shalt  }
0x85: {  	_ =	shalt  }
0x86: {  	_ =	shalt  }
0x87: {  	_ =	shalt  }
.Lfunc_end0:
.L_simem_size_0:
called_computation.4_lowered:
.L_overlay_start_0:
0x88: {  	s2 =	sld [smem:$0x3FD9]  }
0x89: {  	s3 =	sld [smem:$0x3FFE];
	_ =	sdelay $0x1  }
0x8a: {  	s1 =	srdreg.scid  }
0x8b: {  	s0 =	sand.u32 $0x1, s1  }
0x8c: {  	s17 =	sshll.u32 s0, $0xA;
	s2 =	sadd.s32 s3, s2  }
0x8d: {  	s2 =	sadd.s32 s2, s17  }
0x8e: {  	[smem:$0x3F8F] =	sst s2  }
0x8f: {  	_ = 	snop  }
0x90: {  	(tm) =	ssettm $0x1  }
0x91: {  	s18 =	sld [smem:$0x3FFB];
	_ =	sdelay $0x3  }
0x92: {  	_ =	strace s18  }
0x93: {  	s2 =	sld [smem:$0x3FFC];
	_ =	sdelay $0x3  }
0x94: {  	_ =	strace s2  }
0x95: {  	s2 =	sld [smem:$0x3FFD];
	_ =	sdelay $0x3  }
0x96: {  	_ =	strace s2  }
0x97: {  	_ =	strace $0x8FFFFFFF  }
0x98: {  	s19 =	sld [smem:$0x3FDB];
	_ =	sdelay $0x1  }
0x99: {  	s20 =	simm.s32 $_scs_section_size  }
0x9a: {  	s4 =	simm.s32 $_size__tile_overlayer_lowered;
	s5 =	simm.s32 $_tile_overlayer_lowered  }
0x9b: {  	s6 =	simm.s32 $0x1BFF;
	s21 =	sshll.u32 s5, $0x1;
	s3 =	sadd.s32 s20, s19  }
0x9c: {  	s22 =	simm.s32 $0x0;
	s4 =	sshll.u32 s4, $0x1;
	s5 =	sadd.s32 s21, s3  }
0x9d: {  	[timem:s22], [sflag:s6] =	dma.local [hbm:s5], s4  }
0x9e: {  	_ =	swait.ge [sflag:s6], s4  }
0x9f: {  	s4 =	ssub.s32 $0x0, s4;
	[sflag:s6] =	ssyncset.done $0x0  }
0xa0: {  	[sflag:s6] =	ssyncadd.s32 s4;
	_ =	sdelay $0x1  }
0xa1: {  	s23 =	simm.s32 $0x1B8B  }
0xa2: {  	_ =	swait.ge [sflag:s23], $0x1  }
0xa3: {  	[sflag:s23] =	ssyncset.done $0x0  }
0xa4: {  	[sflag:s23] =	ssyncadd.s32 $0xFFFFFFFF  }
0xa5: {  	s4 =	sld [smem:$0x0]  }
0xa6: {  	s5 =	sand.u32 $0xFFFFFFFE, s1  }
0xa7: {  	p0 =	sne.s32 s1, s5  }
0xa8: {  	s5 =	sshll.u32 @p0 s5, $0xE  }
0xa9: {  	s5 =	sadd.s32 @p0 $0x11B8D, s5;
	s6 =	sshll.u32 @p0 s4, $0x11  }
0xaa: {  	s5 =	sor.u32 @p0 s6, s5  }
0xab: {  	[sflag:s5] =	ssyncadd.remote.s32 @p0 $0x1;
	_ =	sdelay $0x1  }
0xac: {  	s5 =	simm.s32 @p0 $0x1B8D  }
0xad: {  	_ =	swait.eq @p0 [sflag:s5], $0x1  }
0xae: {  	[sflag:s5] =	ssyncadd.s32 @p0 $0xFFFFFFFF  }
0xaf: {  	s6 =	sshll.u32 @!p0 s1, $0xE  }
0xb0: {  	s6 =	sor.u32 @!p0 $0x4000, s6;
	s5 =	simm.s32 @!p0 $0x1B8D  }
0xb1: {  	s4 =	sshll.u32 @!p0 s4, $0x11;
	s6 =	sadd.s32 @!p0 $0x11B8D, s6;
	_ =	swait.eq @!p0 [sflag:s5], $0x1  }
0xb2: {  	s4 =	sor.u32 @!p0 s4, s6;
	[sflag:s5] =	ssyncadd.s32 @!p0 $0xFFFFFFFF  }
0xb3: {  	s25 =	simm.s32 $0x1B8E;
	s24 =	sld [smem:$0x3FFE];
	[sflag:s4] =	ssyncadd.remote.s32 @!p0 $0x1  }
0xb4: {  	s26 =	simm.s32 $execute0_lowered;
	[smem:$0x3FD2] =	sst s25  }
0xb5: {  	s5 =	sshll.u32 s26, $0x1;
	_ =	strace $0x80000055;
	[dreg:$0x1] =	wrdreg $0xFFFFFFFF  }
0xb6: {  	s28 =	simm.s32 $_size_execute0_lowered;
	s3 =	sadd.s32 s3, s5;
	[dreg:$0x0] =	wrdreg $0x0  }
0xb7: {  	s5 =	sshll.u32 s28, $0x1;
	[dreg:$0x2] =	wrdreg s3  }
0xb8: {  	[dreg:$0x3] =	wrdreg s5  }
0xb9: {  	[dreg:$0x4] =	wrdreg $0xC0  }
0xba: {  	_ =	task [dreg:s22], $0x5FFFF  }
0xbb: {  	[dreg:$0x1] =	wrdreg $0xFFFFFFFF  }
0xbc: {  	[dreg:$0x0] =	wrdreg $0x60  }
0xbd: {  	[dreg:$0x2] =	wrdreg s24  }
0xbe: {  	[dreg:$0x3] =	wrdreg $0x30000  }
0xbf: {  	[dreg:$0x4] =	wrdreg $0xA  }
0xc0: {  	_ =	task.clear_ibuf [dreg:s22], $0x5FFFF;
	_ =	strace $0x90000055  }
0xc1: {  	s29 =	simm.s32 $0xA;
	_ =	strace $0x80000057  }
0xc2: {  	_ =	swait.ge [sflag:s29], $0x1  }
0xc3: {  	[sflag:s29] =	ssyncadd.s32 $0xFFFFFFFF  }
0xc4: {  	_ =	strace $0x90000057  }
0xc5: {  	_ =	sfence  }
0xc6: {  	s30 =	sld [smem:$0x0];
	_ =	sdelay $0x2  }
0xc7: {  	s31 =	sshll.u32 s1, $0xD;
	s1 =	sshrl.u32 s1, $0x2  }
0xc8: {  	s4 =	sand.u32 $0x4000, s31;
	s1 =	sadd.s32 s1, s30  }
0xc9: {  	s0 =	sor.u32 s4, s0;
	s1 =	sshll.u32 s1, $0x11  }
0xca: {  	s0 =	sor.u32 s1, s0  }
0xcb: {  	s0 =	sadd.s32 $0x8F2B, s0  }
0xcc: {  	[sflag:s0] =	ssyncadd.remote.s32 $0x1  }
0xcd: {  	_ =	sfence.sel $0xFFFF  }
0xce: {  	[dreg:$0x0] =	wrdreg $0xFFFFFFFF;
	(pc) =	sbr.abs _section_cstart, $3  }
0xcf: {  	[dreg:$0x1] =	wrdreg $0xFFFFFFFF  }
0xd0: {  	_ =	task.clear_ibuf [dreg:s22], $0x2FFFF;
	_ =	strace $0x9FFFFFFF  }
0xd1: {  	(tm) =	ssettm $0x7FFFFFFF  }
tec
execute0_lowered:
.L_overlay_start_1:
0x0: {  	(tag) =	ssettag $0x1  }
0x1: {  	s21 =	rddreg [dreg:$0x0]  }
0x2: {  	s2 =	rddreg [dreg:$0x1]  }
0x3: {  	s0 =	rddreg [dreg:$0x2];
	s1 =	stileid.u32  }
0x4: {  	s3 =	simm.s32 $0x0;
	s4 =	srdreg.scid;
	s22 =	smul.u32 $0x1400, s1  }
0x5: {  	[smem:$0x7FF] =	sst s3;
	s5 =	smul.u32 $0x5000, s1;
	s23 =	sand.u32 $0x1, s4  }
0x6: {  	s8 =	sshll.u32 s1, $0x8;
	s29 =	sshll.u32 s1, $0x6;
	_ =	strace $0x80000056  }
0x7: {  	s9 =	sshll.u32 s23, $0x7;
	s28 =	sshrl.u32 s22, $0x3;
	s5 =	sshrl.u32 s5, $0x2  }
0x8: {  	s4 =	sadd.s32 s28, s21;
	s6 =	sadd.s32 s5, s2;
	s5 =	sor.u32 $0x1C02, s29  }
0x9: {  	s4 =	sadd.s32 $0x16000, s4;
	s7 =	sshrl.u32 s6, $0x3;
	s6 =	simm.s32 $0x2  }
0xa: {  	[spmem:s7], [sflag:s5] =	dma.local [hbm:s4], $0x280  }
0xb: {  	s8 =	sor.u32 s9, s8;
	_ =	swait.ge [sflag:s6], $0x280  }
0xc: {  	s9 =	sadd.s32 s8, s21;
	[sflag:s6] =	ssyncset.done $0x0  }
0xd: {  	s8 =	sadd.s32 $0x110A00, s9;
	[sflag:s6] =	ssyncadd.s32 $0xFFFFFD80  }
0xe: {  	[tilespmem:s3], [sflag:$0x2] =	stream.linear.gather [hbm4b:s8+s3], $0x280, $0x38;
	[tilespmem:$0x4400] =	vst v63  }
0xf: {  	_ =	swait.ge [sflag:s6], $0x280  }
0x10: {  	[sflag:s6] =	ssyncset.done $0x0  }
0x11: {  	s10 =	simm.s32 $0x400;
	s9 =	sadd.s32 $0x111A00, s9;
	[sflag:s6] =	ssyncadd.s32 $0xFFFFFD80  }
0x12: {  	[tilespmem:s10], [sflag:$0x2] =	stream.linear.gather [hbm4b:s9+s3], $0x280, $0x38;
	[tilespmem:$0x4400] =	vst v63  }
0x13: {  	_ =	swait.ge [sflag:s6], $0x280  }
0x14: {  	[sflag:s6] =	ssyncset.done $0x0  }
0x15: {  	s12 =	simm.s32 $0x50;
	s13 =	simm.s32 $0x800;
	[sflag:s6] =	ssyncadd.s32 $0xFFFFFD80  }
0x16: {  	s14 =	simm.s32 $0x1;
	s11 =	sadd.s32 $0xB5800, s21;
	[bflag:$0x0] =	sbarrier.arrive $0xFFFF  }
0x17: {  	[tilespmem:s13], [sflag:$0x1] =	stream.indirect.gather [hbm4b:s11+s12], $0x80, s3, s12, $0xb8;
	[tilespmem:$0x4400] =	vst v63  }
0x18: {  	_ =	swait.ge [sflag:s14], $0x2800  }
0x19: {  	[sflag:s14] =	ssyncset.done $0x0  }
0x1a: {  	[sflag:s14] =	ssyncadd.s32 $0xFFFFD800  }
0x1b: {  	[spmem:s2] =	stream.indirect.scatter.add.f32 [tilespmem:s13], [sflag:$0x2], $0x80, s10, s12, $0xb8;
	[tilespmem:$0x4400] =	vst v63  }
0x1c: {  	_ =	swait.ge [sflag:s6], $0x2800  }
0x1d: {  	[sflag:s6] =	ssyncset.done $0x0  }
0x1e: {  	s15 =	simm.s32 $0x80;
	[sflag:s6] =	ssyncadd.s32 $0xFFFFD800  }
0x1f: {  	[tilespmem:s13], [sflag:$0x1] =	stream.indirect.gather [hbm4b:s11+s12], $0x80, s15, s12, $0xb8;
	[tilespmem:$0x4400] =	vst v63  }
0x20: {  	_ =	swait.ge [sflag:s14], $0x2800  }
0x21: {  	[sflag:s14] =	ssyncset.done $0x0  }
0x22: {  	s16 =	simm.s32 $0x480;
	[sflag:s14] =	ssyncadd.s32 $0xFFFFD800  }
0x23: {  	[spmem:s2] =	stream.indirect.scatter.add.f32 [tilespmem:s13], [sflag:$0x2], $0x80, s16, s12, $0xb8;
	[tilespmem:$0x4400] =	vst v63  }
0x24: {  	_ =	swait.ge [sflag:s6], $0x2800  }
0x25: {  	[sflag:s6] =	ssyncset.done $0x0  }
0x26: {  	s17 =	simm.s32 $0x100;
	[sflag:s6] =	ssyncadd.s32 $0xFFFFD800  }
0x27: {  	[tilespmem:s13], [sflag:$0x1] =	stream.indirect.gather [hbm4b:s11+s12], $0x80, s17, s12, $0xb8;
	[tilespmem:$0x4400] =	vst v63  }
0x28: {  	_ =	swait.ge [sflag:s14], $0x2800  }
0x29: {  	[sflag:s14] =	ssyncset.done $0x0  }
0x2a: {  	s18 =	simm.s32 $0x500;
	[sflag:s14] =	ssyncadd.s32 $0xFFFFD800  }
0x2b: {  	[spmem:s2] =	stream.indirect.scatter.add.f32 [tilespmem:s13], [sflag:$0x2], $0x80, s18, s12, $0xb8;
	[tilespmem:$0x4400] =	vst v63  }
0x2c: {  	_ =	swait.ge [sflag:s6], $0x2800  }
0x2d: {  	[sflag:s6] =	ssyncset.done $0x0  }
0x2e: {  	s19 =	simm.s32 $0x180;
	s24 =	smul.u32 $0x14000, s23;
	[sflag:s6] =	ssyncadd.s32 $0xFFFFD800  }
0x2f: {  	[tilespmem:s13], [sflag:$0x1] =	stream.indirect.gather [hbm4b:s11+s12], $0x80, s19, s12, $0xb8;
	[tilespmem:$0x4400] =	vst v63  }
0x30: {  	s20 =	simm.s32 $0x580;
	s23 =	ssub.s32 $0x2, s23;
	_ =	swait.ge [sflag:s14], $0x2800  }
0x31: {  	s30 =	sshrl.u32 s23, $0x1;
	s22 =	sadd.s32 s22, s24;
	[sflag:s14] =	ssyncset.done $0x0  }
0x32: {  	s31 =	ssub.s32 s23, s30;
	s22 =	sshrl.u32 s22, $0x3;
	[sflag:s14] =	ssyncadd.s32 $0xFFFFD800  }
0x33: {  	[spmem:s2] =	stream.indirect.scatter.add.f32 [tilespmem:s13], [sflag:$0x2], $0x80, s20, s12, $0xb8;
	[tilespmem:$0x4400] =	vst v63  }
0x34: {  	s21 =	sadd.s32 s22, s21;
	s22 =	smax.u32 s31, $0x1;
	_ =	swait.ge [sflag:s6], $0x2800  }
0x35: {  	p0 =	sne.s32 s22, $0x1;
	[sflag:s6] =	ssyncset.done $0x0  }
.Ltmp0:
0x36: {  	[sflag:s6] =	ssyncadd.s32 $0xFFFFD800;
	(pc) =	sbr.rel @!p0 .LBB2_2-.Ltmp0, $4  }
0x37: {  	s21 =	sadd.s32 $0xB000, s21;
	[bflag:$0x0] =	sbarrier.arrive $0xFFFF  }
0x38: {  	[hbm:s21], [sflag:s5] =	dma.local [spmem:s7], $0x280  }
0x39: {  	_ =	swait.ge [sflag:s6], $0x280  }
0x3a: {  	s22 =	sadd.s32 $0xFFFFFFFF, s22;
	[sflag:s6] =	ssyncset.done $0x0  }
.LBB2_1:
0x3b: {  	p0 =	sne.s32 s22, $0x1;
	s22 =	sadd.s32 $0xFFFFFFFF, s22;
	[sflag:s6] =	ssyncadd.s32 $0xFFFFFD80  }
0x3c: {  	[spmem:s7], [sflag:s5] =	dma.local [hbm:s4], $0x280  }
0x3d: {  	_ =	swait.ge [sflag:s6], $0x280  }
0x3e: {  	[sflag:s6] =	ssyncset.done $0x0  }
0x3f: {  	[sflag:s6] =	ssyncadd.s32 $0xFFFFFD80  }
0x40: {  	[tilespmem:s3], [sflag:$0x2] =	stream.linear.gather [hbm4b:s8+s3], $0x280, $0x38;
	[tilespmem:$0x4400] =	vst v63  }
0x41: {  	_ =	swait.ge [sflag:s6], $0x280  }
0x42: {  	[sflag:s6] =	ssyncset.done $0x0  }
0x43: {  	[sflag:s6] =	ssyncadd.s32 $0xFFFFFD80  }
0x44: {  	[tilespmem:s10], [sflag:$0x2] =	stream.linear.gather [hbm4b:s9+s3], $0x280, $0x38;
	[tilespmem:$0x4400] =	vst v63  }
0x45: {  	_ =	swait.ge [sflag:s6], $0x280  }
0x46: {  	[sflag:s6] =	ssyncset.done $0x0  }
0x47: {  	[sflag:s6] =	ssyncadd.s32 $0xFFFFFD80  }
0x48: {  	[bflag:$0x0] =	sbarrier.arrive $0xFFFF  }
0x49: {  	[tilespmem:s13], [sflag:$0x1] =	stream.indirect.gather [hbm4b:s11+s12], $0x80, s3, s12, $0xb8;
	[tilespmem:$0x4400] =	vst v63  }
0x4a: {  	_ =	swait.ge [sflag:s14], $0x2800  }
0x4b: {  	[sflag:s14] =	ssyncset.done $0x0  }
0x4c: {  	[sflag:s14] =	ssyncadd.s32 $0xFFFFD800  }
0x4d: {  	[spmem:s2] =	stream.indirect.scatter.add.f32 [tilespmem:s13], [sflag:$0x2], $0x80, s10, s12, $0xb8;
	[tilespmem:$0x4400] =	vst v63  }
0x4e: {  	_ =	swait.ge [sflag:s6], $0x2800  }
0x4f: {  	[sflag:s6] =	ssyncset.done $0x0  }
0x50: {  	[sflag:s6] =	ssyncadd.s32 $0xFFFFD800  }
0x51: {  	[tilespmem:s13], [sflag:$0x1] =	stream.indirect.gather [hbm4b:s11+s12], $0x80, s15, s12, $0xb8;
	[tilespmem:$0x4400] =	vst v63  }
0x52: {  	_ =	swait.ge [sflag:s14], $0x2800  }
0x53: {  	[sflag:s14] =	ssyncset.done $0x0  }
0x54: {  	[sflag:s14] =	ssyncadd.s32 $0xFFFFD800  }
0x55: {  	[spmem:s2] =	stream.indirect.scatter.add.f32 [tilespmem:s13], [sflag:$0x2], $0x80, s16, s12, $0xb8;
	[tilespmem:$0x4400] =	vst v63  }
0x56: {  	_ =	swait.ge [sflag:s6], $0x2800  }
0x57: {  	[sflag:s6] =	ssyncset.done $0x0  }
0x58: {  	[sflag:s6] =	ssyncadd.s32 $0xFFFFD800  }
0x59: {  	[tilespmem:s13], [sflag:$0x1] =	stream.indirect.gather [hbm4b:s11+s12], $0x80, s17, s12, $0xb8;
	[tilespmem:$0x4400] =	vst v63  }
0x5a: {  	_ =	swait.ge [sflag:s14], $0x2800  }
0x5b: {  	[sflag:s14] =	ssyncset.done $0x0  }
0x5c: {  	[sflag:s14] =	ssyncadd.s32 $0xFFFFD800  }
0x5d: {  	[spmem:s2] =	stream.indirect.scatter.add.f32 [tilespmem:s13], [sflag:$0x2], $0x80, s18, s12, $0xb8;
	[tilespmem:$0x4400] =	vst v63  }
0x5e: {  	_ =	swait.ge [sflag:s6], $0x2800  }
0x5f: {  	[sflag:s6] =	ssyncset.done $0x0  }
0x60: {  	[sflag:s6] =	ssyncadd.s32 $0xFFFFD800  }
0x61: {  	[tilespmem:s13], [sflag:$0x1] =	stream.indirect.gather [hbm4b:s11+s12], $0x80, s19, s12, $0xb8;
	[tilespmem:$0x4400] =	vst v63  }
0x62: {  	_ =	swait.ge [sflag:s14], $0x2800  }
0x63: {  	[sflag:s14] =	ssyncset.done $0x0  }
0x64: {  	[sflag:s14] =	ssyncadd.s32 $0xFFFFD800  }
0x65: {  	[spmem:s2] =	stream.indirect.scatter.add.f32 [tilespmem:s13], [sflag:$0x2], $0x80, s20, s12, $0xb8;
	[tilespmem:$0x4400] =	vst v63  }
0x66: {  	_ =	swait.ge [sflag:s6], $0x2800  }
0x67: {  	[sflag:s6] =	ssyncset.done $0x0  }
.Ltmp1:
0x68: {  	[sflag:s6] =	ssyncadd.s32 $0xFFFFD800;
	(pc) =	sbr.rel @p0 .LBB2_1-.Ltmp1, $4  }
0x69: {  	[bflag:$0x0] =	sbarrier.arrive $0xFFFF  }
0x6a: {  	[hbm:s21], [sflag:s5] =	dma.local [spmem:s7], $0x280  }
0x6b: {  	_ =	swait.ge [sflag:s6], $0x280  }
0x6c: {  	[sflag:s6] =	ssyncset.done $0x0  }
.LBB2_2:
0x6d: {  	[sflag:s6] =	ssyncadd.s32 $0xFFFFFD80  }
0x6e: {  	_ =	sfence.sel $0x180000  }
0x6f: {  	[bflag:$0x0] =	sbarrier.arrive $0xFFFF  }
0x70: {  	p0 =	sne.s32 s1, $0x0;
	_ =	strace $0x90000056  }
0x71: {  	s0 =	sadd.s32 @!p0 $0x100000, s0;
	[bflag:$0x2] =	sbarrier.arrive $0xFFFF  }
0x72: {  	[sflag:s0] =	ssyncadd.tile.s32 @!p0 $0x1;
	_ =	shalt  }
.Lfunc_end2:
_tile_overlayer_lowered:
.L_overlay_start_2:
0x73: {  	(tag) =	ssettag $0x2  }
0x74: {  	s0 =	rddreg [dreg:$0x0];
	s2 =	stileid.u32  }
0x75: {  	s1 =	rddreg [dreg:$0x1];
	p0 =	sne.s32 s2, $0x0  }
0x76: {  	s3 =	rddreg [dreg:$0x2];
	[bflag:$0x3] =	sbarrier.arrive $0xFFFF;
	s2 =	simm.s32 @!p0 $0x1C02  }
0x77: {  	[timem:s3], [sflag:s2] =	dma.local @!p0 [hbm:s0], s1  }
0x78: {  	s0 =	simm.s32 @!p0 $0x2  }
0x79: {  	_ =	swait.ge @!p0 [sflag:s0], s1  }
0x7a: {  	s1 =	ssub.s32 @!p0 $0x0, s1;
	[sflag:s0] =	ssyncset.done @!p0 $0x0  }
0x7b: {  	[sflag:s0] =	ssyncadd.s32 @!p0 s1  }
0x7c: {  	[bflag:$0x3] =	sbarrier.arrive $0xFFFF  }
0x7d: {  	_ =	shalt  }

// kernel: kernel.28.cloned.1.call-start
scs
__scs_entry_jumppad:
0x0: {  	(pc) =	sbr.rel $0x88, $3  }
0x1: {  	(tag) =	ssettag $0x0;
	lr =	simm.s32 $0x1  }
0x2: {  	[smem:$0x3F68] =	sst lr;
	_ =	strace $0xD0000000  }
0x3: {  	_ = 	snop  }
0x4: {  	_ = 	snop  }
0x5: {  	_ = 	snop  }
0x6: {  	_ = 	snop  }
0x7: {  	_ = 	snop  }
__scs_overlays_trampoline_lowered:
0x8: {  	[smem:$0x3F77] =	sst s0  }
0x9: {  	[smem:$0x3F78] =	sst s1  }
0xa: {  	[smem:$0x3F79] =	sst s2  }
0xb: {  	[smem:$0x3F7A] =	sst s3  }
0xc: {  	[smem:$0x3F7B] =	sst s4  }
0xd: {  	[smem:$0x3F7C] =	sst s5  }
0xe: {  	[smem:$0x3F7D] =	sst s6  }
0xf: {  	[smem:$0x3F7E] =	sst s7  }
0x10: {  	[smem:$0x3F7F] =	sst s8  }
0x11: {  	[smem:$0x3F80] =	sst s9;
	s0 =	simm.s32 @!p0 $0x0  }
0x12: {  	s1 =	sld [smem:$0x3F66];
	s0 =	simm.s32 @p0 $0x1  }
0x13: {  	[smem:$0x3F81] =	sst s0;
	s0 =	simm.s32 @!p1 $0x0  }
0x14: {  	s2 =	sld [smem:$0x3F65];
	s0 =	simm.s32 @p1 $0x1  }
0x15: {  	[smem:$0x3F82] =	sst s0;
	s0 =	simm.s32 @!p2 $0x0  }
0x16: {  	s3 =	sld [smem:$0x3FDB];
	s0 =	simm.s32 @p2 $0x1  }
0x17: {  	s4 =	simm.s32 $0x1BF5;
	[smem:$0x3F84] =	sst s0  }
0x18: {  	s0 =	sld [smem:$0x3F67];
	_ =	swait.ge [sflag:s4], $0x0  }
0x19: {  	s7 =	sld [smem:$0x3F68]  }
0x1a: {  	s8 =	sadd.s32 $0xFFFFE003, lr  }
0x1b: {  	s9 =	sadd.s32 $0xFFFFFEF7, lr;
	s5 =	simm.s32 $0xFFFFFFFF;
	p2 =	slt.u32 s8, $0xFFFFF086  }
0x1c: {  	p1 =	slt.u32 s9, $0xF7A;
	s5 =	simm.s32 @!p2 $0x0  }
0x1d: {  	s5 =	simm.s32 @p1 $0x1;
	p0 =	seq.s32 s7, s2  }
0x1e: {  	s7 =	smul.u32 @!p0 $0xF7A, s2;
	p2 =	seq.s32 @!p0 s5, $0x0  }
0x1f: {  	s9 =	smul.u32 $0xF7A, s1;
	s8 =	simm.s32 @!p0 $0x1BF5;
	p2 =	por !p2, p0  }
0x20: {  	[sflag:s8] =	ssyncset.s32 @!p0 $0xFFFFF086;
	s6 =	sadd.s32 @!p0 s3, s7;
	s7 =	simm.s32 @!p0 $0x108  }
0x21: {  	s3 =	sadd.s32 s3, s9;
	s6 =	sadd.s32 @!p0 $0x88, s6;
	s7 =	simm.s32 @p2 $0x1082  }
0x22: {  	[simem:s7], [sflag:s8] =	dma.local @!p0 [hbm:s6], $0xF7A  }
0x23: {  	s9 =	sor.u32 $0xD0000000, s2;
	s6 =	simm.s32 $0x108;
	_ =	swait.ge @!p0 [sflag:s8], $0x0  }
0x24: {  	s3 =	sadd.s32 $0x88, s3;
	s6 =	simm.s32 @!p1 $0x1082;
	[sflag:s4] =	ssyncset.s32 $0xFFFFF086  }
0x25: {  	[simem:s6], [sflag:s4] =	dma.local [hbm:s3], $0xF7A  }
0x26: {  	[smem:$0x3F68] =	sst s1;
	(tag) =	ssettag s2;
	_ =	strace s9  }
0x27: {  	s1 =	sld [smem:$0x3F78]  }
0x28: {  	s2 =	sld [smem:$0x3F79]  }
0x29: {  	s4 =	sld [smem:$0x3F7B]  }
0x2a: {  	p0 =	seq.s32 s5, $0x0;
	s5 =	sld [smem:$0x3F7C]  }
0x2b: {  	s6 =	sld [smem:$0x3F7D]  }
0x2c: {  	s7 =	sld [smem:$0x3F7E]  }
0x2d: {  	s3 =	simm.s32 $0x108;
	s8 =	sld [smem:$0x3F7F]  }
0x2e: {  	s3 =	simm.s32 @!p0 $0x1082;
	s9 =	sld [smem:$0x3F80]  }
0x2f: {  	lr =	sadd.s32 s0, s3;
	s0 =	sld [smem:$0x3F77]  }
0x30: {  	s3 =	sld [smem:$0x3F7A]  }
0x31: {  	[smem:$0x3F83] =	sst s10  }
0x32: {  	s10 =	sld [smem:$0x3F81];
	_ =	sdelay $0x3  }
0x33: {  	p0 =	seq.s32 s10, $0x1;
	s10 =	sld [smem:$0x3F83];
	_ =	sdelay $0x3  }
0x34: {  	[smem:$0x3F83] =	sst s10  }
0x35: {  	s10 =	sld [smem:$0x3F82];
	_ =	sdelay $0x3  }
0x36: {  	p1 =	seq.s32 s10, $0x1;
	s10 =	sld [smem:$0x3F83];
	_ =	sdelay $0x3  }
0x37: {  	[smem:$0x3F83] =	sst s10  }
0x38: {  	s10 =	sld [smem:$0x3F84]  }
0x39: {  	_ = 	snop;
	(pc) =	sbr.ind lr, $3  }
0x3a: {  	_ = 	snop  }
0x3b: {  	_ = 	snop  }
0x3c: {  	p2 =	seq.s32 s10, $0x1;
	s10 =	sld [smem:$0x3F83]  }
0x3d: {  	_ =	shalt  }
0x3e: {  	_ =	shalt  }
0x3f: {  	_ =	shalt  }
0x40: {  	_ =	shalt  }
0x41: {  	_ =	shalt  }
0x42: {  	_ =	shalt  }
0x43: {  	_ =	shalt  }
0x44: {  	_ =	shalt  }
0x45: {  	_ =	shalt  }
0x46: {  	_ =	shalt  }
0x47: {  	_ =	shalt  }
0x48: {  	_ =	shalt  }
0x49: {  	_ =	shalt  }
0x4a: {  	_ =	shalt  }
0x4b: {  	_ =	shalt  }
0x4c: {  	_ =	shalt  }
0x4d: {  	_ =	shalt  }
0x4e: {  	_ =	shalt  }
0x4f: {  	_ =	shalt  }
0x50: {  	_ =	shalt  }
0x51: {  	_ =	shalt  }
0x52: {  	_ =	shalt  }
0x53: {  	_ =	shalt  }
0x54: {  	_ =	shalt  }
0x55: {  	_ =	shalt  }
0x56: {  	_ =	shalt  }
0x57: {  	_ =	shalt  }
0x58: {  	_ =	shalt  }
0x59: {  	_ =	shalt  }
0x5a: {  	_ =	shalt  }
0x5b: {  	_ =	shalt  }
0x5c: {  	_ =	shalt  }
0x5d: {  	_ =	shalt  }
0x5e: {  	_ =	shalt  }
0x5f: {  	_ =	shalt  }
0x60: {  	_ =	shalt  }
0x61: {  	_ =	shalt  }
0x62: {  	_ =	shalt  }
0x63: {  	_ =	shalt  }
0x64: {  	_ =	shalt  }
0x65: {  	_ =	shalt  }
0x66: {  	_ =	shalt  }
0x67: {  	_ =	shalt  }
0x68: {  	_ =	shalt  }
0x69: {  	_ =	shalt  }
0x6a: {  	_ =	shalt  }
0x6b: {  	_ =	shalt  }
0x6c: {  	_ =	shalt  }
0x6d: {  	_ =	shalt  }
0x6e: {  	_ =	shalt  }
0x6f: {  	_ =	shalt  }
0x70: {  	_ =	shalt  }
0x71: {  	_ =	shalt  }
0x72: {  	_ =	shalt  }
0x73: {  	_ =	shalt  }
0x74: {  	_ =	shalt  }
0x75: {  	_ =	shalt  }
0x76: {  	_ =	shalt  }
0x77: {  	_ =	shalt  }
0x78: {  	_ =	shalt  }
0x79: {  	_ =	shalt  }
0x7a: {  	_ =	shalt  }
0x7b: {  	_ =	shalt  }
0x7c: {  	_ =	shalt  }
0x7d: {  	_ =	shalt  }
0x7e: {  	_ =	shalt  }
0x7f: {  	_ =	shalt  }
0x80: {  	_ =	shalt  }
0x81: {  	_ =	shalt  }
0x82: {  	_ =	shalt  }
0x83: {  	_ =	shalt  }
0x84: {  	_ =	shalt  }
0x85: {  	_ =	shalt  }
0x86: {  	_ =	shalt  }
0x87: {  	_ =	shalt  }
.Lfunc_end0:
.L_simem_size_0:
called_computation.5_lowered:
.L_overlay_start_0:
0x88: {  	s2 =	sld [smem:$0x3FD9]  }
0x89: {  	s3 =	sld [smem:$0x3FFE];
	_ =	sdelay $0x1  }
0x8a: {  	s1 =	srdreg.scid  }
0x8b: {  	s0 =	sand.u32 $0x1, s1  }
0x8c: {  	s17 =	sshll.u32 s0, $0xA;
	s2 =	sadd.s32 s3, s2  }
0x8d: {  	s2 =	sadd.s32 s2, s17  }
0x8e: {  	[smem:$0x3F8F] =	sst s2  }
0x8f: {  	_ = 	snop  }
0x90: {  	(tm) =	ssettm $0x1  }
0x91: {  	s18 =	sld [smem:$0x3FFB];
	_ =	sdelay $0x3  }
0x92: {  	_ =	strace s18  }
0x93: {  	s2 =	sld [smem:$0x3FFC];
	_ =	sdelay $0x3  }
0x94: {  	_ =	strace s2  }
0x95: {  	s2 =	sld [smem:$0x3FFD];
	_ =	sdelay $0x3  }
0x96: {  	_ =	strace s2  }
0x97: {  	_ =	strace $0x8FFFFFFF  }
0x98: {  	s19 =	sld [smem:$0x3FDB];
	_ =	sdelay $0x1  }
0x99: {  	s20 =	simm.s32 $_scs_section_size  }
0x9a: {  	s4 =	simm.s32 $_size__tile_overlayer_lowered;
	s5 =	simm.s32 $_tile_overlayer_lowered  }
0x9b: {  	s6 =	simm.s32 $0x1BFF;
	s21 =	sshll.u32 s5, $0x1;
	s3 =	sadd.s32 s20, s19  }
0x9c: {  	s22 =	simm.s32 $0x0;
	s4 =	sshll.u32 s4, $0x1;
	s5 =	sadd.s32 s21, s3  }
0x9d: {  	[timem:s22], [sflag:s6] =	dma.local [hbm:s5], s4  }
0x9e: {  	_ =	swait.ge [sflag:s6], s4  }
0x9f: {  	s4 =	ssub.s32 $0x0, s4;
	[sflag:s6] =	ssyncset.done $0x0  }
0xa0: {  	[sflag:s6] =	ssyncadd.s32 s4;
	_ =	sdelay $0x1  }
0xa1: {  	s23 =	simm.s32 $0x1B8B  }
0xa2: {  	_ =	swait.ge [sflag:s23], $0x1  }
0xa3: {  	[sflag:s23] =	ssyncset.done $0x0  }
0xa4: {  	[sflag:s23] =	ssyncadd.s32 $0xFFFFFFFF  }
0xa5: {  	s4 =	sld [smem:$0x0]  }
0xa6: {  	s5 =	sand.u32 $0xFFFFFFFE, s1  }
0xa7: {  	p0 =	sne.s32 s1, s5  }
0xa8: {  	s5 =	sshll.u32 @p0 s5, $0xE  }
0xa9: {  	s5 =	sadd.s32 @p0 $0x11B8D, s5;
	s6 =	sshll.u32 @p0 s4, $0x11  }
0xaa: {  	s5 =	sor.u32 @p0 s6, s5  }
0xab: {  	[sflag:s5] =	ssyncadd.remote.s32 @p0 $0x1;
	_ =	sdelay $0x1  }
0xac: {  	s5 =	simm.s32 @p0 $0x1B8D  }
0xad: {  	_ =	swait.eq @p0 [sflag:s5], $0x1  }
0xae: {  	[sflag:s5] =	ssyncadd.s32 @p0 $0xFFFFFFFF  }
0xaf: {  	s6 =	sshll.u32 @!p0 s1, $0xE  }
0xb0: {  	s6 =	sor.u32 @!p0 $0x4000, s6;
	s5 =	simm.s32 @!p0 $0x1B8D  }
0xb1: {  	s4 =	sshll.u32 @!p0 s4, $0x11;
	s6 =	sadd.s32 @!p0 $0x11B8D, s6;
	_ =	swait.eq @!p0 [sflag:s5], $0x1  }
0xb2: {  	s4 =	sor.u32 @!p0 s4, s6;
	[sflag:s5] =	ssyncadd.s32 @!p0 $0xFFFFFFFF  }
0xb3: {  	s25 =	simm.s32 $0x1B8E;
	s24 =	sld [smem:$0x3FFE];
	[sflag:s4] =	ssyncadd.remote.s32 @!p0 $0x1  }
0xb4: {  	s26 =	simm.s32 $execute0_lowered;
	[smem:$0x3FD2] =	sst s25  }
0xb5: {  	s5 =	sshll.u32 s26, $0x1;
	_ =	strace $0x80000052;
	[dreg:$0x1] =	wrdreg $0xFFFFFFFF  }
0xb6: {  	s28 =	simm.s32 $_size_execute0_lowered;
	s3 =	sadd.s32 s3, s5;
	[dreg:$0x0] =	wrdreg $0x0  }
0xb7: {  	s5 =	sshll.u32 s28, $0x1;
	[dreg:$0x2] =	wrdreg s3  }
0xb8: {  	[dreg:$0x3] =	wrdreg s5  }
0xb9: {  	[dreg:$0x4] =	wrdreg $0xC0  }
0xba: {  	_ =	task [dreg:s22], $0x5FFFF  }
0xbb: {  	[dreg:$0x1] =	wrdreg $0xFFFFFFFF  }
0xbc: {  	[dreg:$0x0] =	wrdreg $0x60  }
0xbd: {  	[dreg:$0x2] =	wrdreg s24  }
0xbe: {  	[dreg:$0x3] =	wrdreg $0x2C000  }
0xbf: {  	[dreg:$0x4] =	wrdreg $0x9  }
0xc0: {  	_ =	task.clear_ibuf [dreg:s22], $0x5FFFF;
	_ =	strace $0x90000052  }
0xc1: {  	s29 =	simm.s32 $0x9;
	_ =	strace $0x80000054  }
0xc2: {  	_ =	swait.ge [sflag:s29], $0x1  }
0xc3: {  	[sflag:s29] =	ssyncadd.s32 $0xFFFFFFFF  }
0xc4: {  	_ =	strace $0x90000054  }
0xc5: {  	_ =	sfence  }
0xc6: {  	s30 =	sld [smem:$0x0];
	_ =	sdelay $0x2  }
0xc7: {  	s31 =	sshll.u32 s1, $0xD;
	s1 =	sshrl.u32 s1, $0x2  }
0xc8: {  	s4 =	sand.u32 $0x4000, s31;
	s1 =	sadd.s32 s1, s30  }
0xc9: {  	s0 =	sor.u32 s4, s0;
	s1 =	sshll.u32 s1, $0x11  }
0xca: {  	s0 =	sor.u32 s1, s0  }
0xcb: {  	s0 =	sadd.s32 $0x8F2B, s0  }
0xcc: {  	[sflag:s0] =	ssyncadd.remote.s32 $0x1  }
0xcd: {  	_ =	sfence.sel $0xFFFF  }
0xce: {  	[dreg:$0x0] =	wrdreg $0xFFFFFFFF;
	(pc) =	sbr.abs _section_cstart, $3  }
0xcf: {  	[dreg:$0x1] =	wrdreg $0xFFFFFFFF  }
0xd0: {  	_ =	task.clear_ibuf [dreg:s22], $0x2FFFF;
	_ =	strace $0x9FFFFFFF  }
0xd1: {  	(tm) =	ssettm $0x7FFFFFFF  }
tec
execute0_lowered:
.L_overlay_start_1:
0x0: {  	(tag) =	ssettag $0x1  }
0x1: {  	s15 =	rddreg [dreg:$0x0]  }
0x2: {  	s2 =	rddreg [dreg:$0x1]  }
0x3: {  	s0 =	rddreg [dreg:$0x2];
	s1 =	stileid.u32  }
0x4: {  	s3 =	simm.s32 $0x0;
	s4 =	srdreg.scid;
	s16 =	smul.u32 $0x1400, s1  }
0x5: {  	[smem:$0x7FF] =	sst s3;
	s5 =	smul.u32 $0x5000, s1  }
0x6: {  	s17 =	sand.u32 $0x1, s4;
	s29 =	sshll.u32 s1, $0x6;
	_ =	strace $0x80000053  }
0x7: {  	s8 =	sshll.u32 s17, $0x7;
	s28 =	sshrl.u32 s16, $0x3;
	s5 =	sshrl.u32 s5, $0x2  }
0x8: {  	s4 =	sadd.s32 s28, s15;
	s6 =	sadd.s32 s5, s2;
	s5 =	sor.u32 $0x1C01, s29  }
0x9: {  	s4 =	sadd.s32 $0x16000, s4;
	s7 =	sshrl.u32 s6, $0x3;
	s6 =	simm.s32 $0x1  }
0xa: {  	[spmem:s7], [sflag:s5] =	dma.local [hbm:s4], $0x280  }
0xb: {  	s9 =	sshll.u32 s1, $0x8;
	s8 =	sadd.s32 s8, s15;
	_ =	swait.ge [sflag:s6], $0x280  }
0xc: {  	s8 =	sadd.s32 s9, s8;
	[sflag:s6] =	ssyncset.done $0x0  }
0xd: {  	s8 =	sadd.s32 $0x111A00, s8;
	[sflag:s6] =	ssyncadd.s32 $0xFFFFFD80  }
0xe: {  	[tilespmem:s3], [sflag:$0x1] =	stream.linear.gather [hbm4b:s8+s3], $0x280, $0x38;
	[tilespmem:$0x4000] =	vst v63  }
0xf: {  	_ =	swait.ge [sflag:s6], $0x280  }
0x10: {  	[sflag:s6] =	ssyncset.done $0x0  }
0x11: {  	s10 =	simm.s32 $0x400;
	s9 =	sadd.s32 $0xB5200, s15;
	[sflag:s6] =	ssyncadd.s32 $0xFFFFFD80  }
0x12: {  	[tilespmem:s10], [sflag:$0x1] =	stream.linear.gather [hbm4b:s9+s3], $0x2800, $0x38;
	[tilespmem:$0x4000] =	vst v63  }
0x13: {  	_ =	swait.ge [sflag:s6], $0x2800  }
0x14: {  	[sflag:s6] =	ssyncset.done $0x0  }
0x15: {  	[sflag:s6] =	ssyncadd.s32 $0xFFFFD800  }
0x16: {  	s11 =	simm.s32 $0x50;
	[bflag:$0x0] =	sbarrier.arrive $0xFFFF  }
0x17: {  	[spmem:s2] =	stream.indirect.scatter.add.f32 [tilespmem:s10], [sflag:$0x1], $0x80, s3, s11, $0xb8;
	[tilespmem:$0x4000] =	vst v63  }
0x18: {  	_ =	swait.ge [sflag:s6], $0x2800  }
0x19: {  	[sflag:s6] =	ssyncset.done $0x0  }
0x1a: {  	s12 =	simm.s32 $0x80;
	[sflag:s6] =	ssyncadd.s32 $0xFFFFD800  }
0x1b: {  	[spmem:s2] =	stream.indirect.scatter.add.f32 [tilespmem:s10], [sflag:$0x1], $0x80, s12, s11, $0xb8;
	[tilespmem:$0x4000] =	vst v63  }
0x1c: {  	_ =	swait.ge [sflag:s6], $0x2800  }
0x1d: {  	[sflag:s6] =	ssyncset.done $0x0  }
0x1e: {  	s13 =	simm.s32 $0x100;
	s18 =	smul.u32 $0x14000, s17;
	[sflag:s6] =	ssyncadd.s32 $0xFFFFD800  }
0x1f: {  	[spmem:s2] =	stream.indirect.scatter.add.f32 [tilespmem:s10], [sflag:$0x1], $0x80, s13, s11, $0xb8;
	[tilespmem:$0x4000] =	vst v63  }
0x20: {  	s14 =	simm.s32 $0x180;
	s17 =	ssub.s32 $0x2, s17;
	_ =	swait.ge [sflag:s6], $0x2800  }
0x21: {  	s30 =	sshrl.u32 s17, $0x1;
	s16 =	sadd.s32 s16, s18;
	[sflag:s6] =	ssyncset.done $0x0  }
0x22: {  	s31 =	ssub.s32 s17, s30;
	s16 =	sshrl.u32 s16, $0x3;
	[sflag:s6] =	ssyncadd.s32 $0xFFFFD800  }
0x23: {  	[spmem:s2] =	stream.indirect.scatter.add.f32 [tilespmem:s10], [sflag:$0x1], $0x80, s14, s11, $0xb8;
	[tilespmem:$0x4000] =	vst v63  }
0x24: {  	s15 =	sadd.s32 s16, s15;
	s16 =	smax.u32 s31, $0x1;
	_ =	swait.ge [sflag:s6], $0x2800  }
0x25: {  	p0 =	sne.s32 s16, $0x1;
	[sflag:s6] =	ssyncset.done $0x0  }
.Ltmp0:
0x26: {  	[sflag:s6] =	ssyncadd.s32 $0xFFFFD800;
	(pc) =	sbr.rel @!p0 .LBB2_2-.Ltmp0, $4  }
0x27: {  	s15 =	sadd.s32 $0x112A00, s15;
	[bflag:$0x0] =	sbarrier.arrive $0xFFFF  }
0x28: {  	[hbm:s15], [sflag:s5] =	dma.local [spmem:s7], $0x280  }
0x29: {  	_ =	swait.ge [sflag:s6], $0x280  }
0x2a: {  	s16 =	sadd.s32 $0xFFFFFFFF, s16;
	[sflag:s6] =	ssyncset.done $0x0  }
.LBB2_1:
0x2b: {  	p0 =	sne.s32 s16, $0x1;
	s16 =	sadd.s32 $0xFFFFFFFF, s16;
	[sflag:s6] =	ssyncadd.s32 $0xFFFFFD80  }
0x2c: {  	[spmem:s7], [sflag:s5] =	dma.local [hbm:s4], $0x280  }
0x2d: {  	_ =	swait.ge [sflag:s6], $0x280  }
0x2e: {  	[sflag:s6] =	ssyncset.done $0x0  }
0x2f: {  	[sflag:s6] =	ssyncadd.s32 $0xFFFFFD80  }
0x30: {  	[tilespmem:s3], [sflag:$0x1] =	stream.linear.gather [hbm4b:s8+s3], $0x280, $0x38;
	[tilespmem:$0x4000] =	vst v63  }
0x31: {  	_ =	swait.ge [sflag:s6], $0x280  }
0x32: {  	[sflag:s6] =	ssyncset.done $0x0  }
0x33: {  	[sflag:s6] =	ssyncadd.s32 $0xFFFFFD80  }
0x34: {  	[tilespmem:s10], [sflag:$0x1] =	stream.linear.gather [hbm4b:s9+s3], $0x2800, $0x38;
	[tilespmem:$0x4000] =	vst v63  }
0x35: {  	_ =	swait.ge [sflag:s6], $0x2800  }
0x36: {  	[sflag:s6] =	ssyncset.done $0x0  }
0x37: {  	[sflag:s6] =	ssyncadd.s32 $0xFFFFD800  }
0x38: {  	[bflag:$0x0] =	sbarrier.arrive $0xFFFF  }
0x39: {  	[spmem:s2] =	stream.indirect.scatter.add.f32 [tilespmem:s10], [sflag:$0x1], $0x80, s3, s11, $0xb8;
	[tilespmem:$0x4000] =	vst v63  }
0x3a: {  	_ =	swait.ge [sflag:s6], $0x2800  }
0x3b: {  	[sflag:s6] =	ssyncset.done $0x0  }
0x3c: {  	[sflag:s6] =	ssyncadd.s32 $0xFFFFD800  }
0x3d: {  	[spmem:s2] =	stream.indirect.scatter.add.f32 [tilespmem:s10], [sflag:$0x1], $0x80, s12, s11, $0xb8;
	[tilespmem:$0x4000] =	vst v63  }
0x3e: {  	_ =	swait.ge [sflag:s6], $0x2800  }
0x3f: {  	[sflag:s6] =	ssyncset.done $0x0  }
0x40: {  	[sflag:s6] =	ssyncadd.s32 $0xFFFFD800  }
0x41: {  	[spmem:s2] =	stream.indirect.scatter.add.f32 [tilespmem:s10], [sflag:$0x1], $0x80, s13, s11, $0xb8;
	[tilespmem:$0x4000] =	vst v63  }
0x42: {  	_ =	swait.ge [sflag:s6], $0x2800  }
0x43: {  	[sflag:s6] =	ssyncset.done $0x0  }
0x44: {  	[sflag:s6] =	ssyncadd.s32 $0xFFFFD800  }
0x45: {  	[spmem:s2] =	stream.indirect.scatter.add.f32 [tilespmem:s10], [sflag:$0x1], $0x80, s14, s11, $0xb8;
	[tilespmem:$0x4000] =	vst v63  }
0x46: {  	_ =	swait.ge [sflag:s6], $0x2800  }
0x47: {  	[sflag:s6] =	ssyncset.done $0x0  }
.Ltmp1:
0x48: {  	[sflag:s6] =	ssyncadd.s32 $0xFFFFD800;
	(pc) =	sbr.rel @p0 .LBB2_1-.Ltmp1, $4  }
0x49: {  	[bflag:$0x0] =	sbarrier.arrive $0xFFFF  }
0x4a: {  	[hbm:s15], [sflag:s5] =	dma.local [spmem:s7], $0x280  }
0x4b: {  	_ =	swait.ge [sflag:s6], $0x280  }
0x4c: {  	[sflag:s6] =	ssyncset.done $0x0  }
.LBB2_2:
0x4d: {  	[sflag:s6] =	ssyncadd.s32 $0xFFFFFD80  }
0x4e: {  	_ =	sfence.sel $0x180000  }
0x4f: {  	[bflag:$0x0] =	sbarrier.arrive $0xFFFF  }
0x50: {  	p0 =	sne.s32 s1, $0x0;
	_ =	strace $0x90000053  }
0x51: {  	s0 =	sadd.s32 @!p0 $0x100000, s0;
	[bflag:$0x2] =	sbarrier.arrive $0xFFFF  }
0x52: {  	[sflag:s0] =	ssyncadd.tile.s32 @!p0 $0x1;
	_ =	shalt  }
.Lfunc_end2:
_tile_overlayer_lowered:
.L_overlay_start_2:
0x53: {  	(tag) =	ssettag $0x2  }
0x54: {  	s0 =	rddreg [dreg:$0x0];
	s2 =	stileid.u32  }
0x55: {  	s1 =	rddreg [dreg:$0x1];
	p0 =	sne.s32 s2, $0x0  }
0x56: {  	s3 =	rddreg [dreg:$0x2];
	[bflag:$0x3] =	sbarrier.arrive $0xFFFF;
	s2 =	simm.s32 @!p0 $0x1C01  }
0x57: {  	[timem:s3], [sflag:s2] =	dma.local @!p0 [hbm:s0], s1  }
0x58: {  	s0 =	simm.s32 @!p0 $0x1  }
0x59: {  	_ =	swait.ge @!p0 [sflag:s0], s1  }
0x5a: {  	s1 =	ssub.s32 @!p0 $0x0, s1;
	[sflag:s0] =	ssyncset.done @!p0 $0x0  }
0x5b: {  	[sflag:s0] =	ssyncadd.s32 @!p0 s1  }
0x5c: {  	[bflag:$0x3] =	sbarrier.arrive $0xFFFF  }
0x5d: {  	_ =	shalt  }

</sc_bundles>
